<compile_context>
chip_gen: v7x
topology: tpu7x:2x2x1
jax: 0.10.2.dev20260603
libtpu: 0.0.44.dev20260713+nightly
codegen_flags: <defaults>
</compile_context>

<pallas_src>
import functools

import jax
import jax.numpy as jnp
from jax import lax
from jax.experimental import pallas as pl
from jax.experimental.pallas import tpu as pltpu
from jax.experimental.pallas import tpu_sc as plsc

_B, _N, _C = 8, 4096, 64
_S = 1024
_K = 32
_TS = 128
_TM = 128


def _fps_body(xyzT_ref, nrmT_ref, out_ref, dist_ref):
    lane = lax.broadcasted_iota(jnp.int32, (_B, _N), 1)
    dist_ref[...] = jnp.full((_B, _N), 1e10, dtype=jnp.float32)

    def step(t, nxt):
        msk = lane == nxt
        X = xyzT_ref[:, 0, :]
        Y = xyzT_ref[:, 1, :]
        Z = xyzT_ref[:, 2, :]
        px = jnp.sum(jnp.where(msk, X, 0.0), axis=1, keepdims=True)
        py = jnp.sum(jnp.where(msk, Y, 0.0), axis=1, keepdims=True)
        pz = jnp.sum(jnp.where(msk, Z, 0.0), axis=1, keepdims=True)
        nx = jnp.sum(jnp.where(msk, nrmT_ref[:, 0, :], 0.0), axis=1, keepdims=True)
        ny = jnp.sum(jnp.where(msk, nrmT_ref[:, 1, :], 0.0), axis=1, keepdims=True)
        nz = jnp.sum(jnp.where(msk, nrmT_ref[:, 2, :], 0.0), axis=1, keepdims=True)
        row = jnp.concatenate([px, py, pz, nx, ny, nz], axis=1)
        out_ref[pl.ds(t, 1)] = row[None]
        d = (X - px) ** 2 + (Y - py) ** 2 + (Z - pz) ** 2
        dist = jnp.minimum(dist_ref[...], d)
        dist_ref[...] = dist
        m = jnp.max(dist, axis=1, keepdims=True)
        return jnp.min(jnp.where(dist == m, lane, _N), axis=1, keepdims=True)

    lax.fori_loop(0, _S, step, jnp.zeros((_B, 1), jnp.int32))


def _run_fps(xyzT, nrmT):
    return pl.pallas_call(
        _fps_body,
        out_shape=jax.ShapeDtypeStruct((_S, _B, 6), jnp.float32),
        scratch_shapes=[pltpu.VMEM((_B, _N), jnp.float32)],
    )(xyzT, nrmT)


def _g_body(xyz_ref, f_ref, wx_ref, wf_ref, out_ref):
    out_ref[0] = (jnp.dot(xyz_ref[0], wx_ref[...],
                          preferred_element_type=jnp.float32)
                  + jnp.dot(f_ref[0], wf_ref[...],
                            preferred_element_type=jnp.float32))


def _run_g(xyz, features, w1x, w1f):
    return pl.pallas_call(
        _g_body,
        grid=(_B,),
        in_specs=[
            pl.BlockSpec((1, _N, 3), lambda b: (b, 0, 0)),
            pl.BlockSpec((1, _N, _C), lambda b: (b, 0, 0)),
            pl.BlockSpec((3, 128), lambda b: (0, 0)),
            pl.BlockSpec((_C, 128), lambda b: (0, 0)),
        ],
        out_specs=pl.BlockSpec((1, _N, 128), lambda b: (b, 0, 0)),
        out_shape=jax.ShapeDtypeStruct((_B, _N, 128), jnp.float32),
    )(xyz, features, w1x, w1f)


_NCH = 32
_CW = _N // _NCH
_MAXP = _NCH * _NCH


def _knn_body(xyz_ref, cxT_ref, out_ref, dd_ref, pv_ref, pi_ref):
    b = pl.program_id(0)
    CtT = cxT_ref[0]
    for c in range(_NCH):
        pc = xyz_ref[0, pl.ds(c * _CW, _CW), :]
        pn = jnp.sum(pc * pc, axis=1, keepdims=True)
        dd_ref[pl.ds(c * _CW, _CW), :] = pn - 2.0 * jnp.dot(
            pc, CtT, preferred_element_type=jnp.float32)

    inf = jnp.float32(jnp.inf)
    pv_ref[...] = jnp.full((_MAXP, _TS), inf, jnp.float32)
    pi_ref[...] = jnp.zeros((_MAXP, _TS), jnp.int32)

    sub3 = lax.broadcasted_iota(jnp.int32, (_NCH, _CW, _TS), 1)
    chk3 = lax.broadcasted_iota(jnp.int32, (_NCH, _CW, _TS), 0)
    dd0 = dd_ref[...].reshape(_NCH, _CW, _TS)
    m0 = jnp.min(dd0, axis=1)

    def round_body(carry):
        r, m3, _ = carry
        dd3 = dd_ref[...].reshape(_NCH, _CW, _TS)
        a3 = jnp.min(jnp.where(dd3 == m3[:, None, :], sub3, _CW),
                     axis=1)
        pv_ref[pl.ds(r * _NCH, _NCH), :] = m3
        pi_ref[pl.ds(r * _NCH, _NCH), :] = (
            lax.broadcasted_iota(jnp.int32, (_NCH, _TS), 0) * _CW + a3)
        dd_new = jnp.where(sub3 == a3[:, None, :], inf, dd3)
        dd_ref[...] = dd_new.reshape(_NCH * _CW, _TS)
        m3n = jnp.min(dd_new, axis=1)
        f = jnp.min(m3n, axis=0, keepdims=True)
        cnt = jnp.sum((pv_ref[...] < f).astype(jnp.int32), axis=0,
                      keepdims=True)
        return r + 1, m3n, jnp.all(cnt >= _K)

    def round_cond(carry):
        r, _, done = carry
        return jnp.logical_and(r < _NCH, jnp.logical_not(done))

    rfin, _, _ = lax.while_loop(round_cond, round_body,
                                (jnp.int32(0), m0, jnp.bool_(False)))

    def extract(nrows):
        pv = pv_ref[0:nrows, :]
        pi = pi_ref[0:nrows, :]
        piota = lax.broadcasted_iota(jnp.int32, (nrows, _TS), 0)
        rows = []
        for _ in range(_K):
            mv = jnp.min(pv, axis=0, keepdims=True)
            pos = jnp.min(jnp.where(pv == mv, piota, nrows), axis=0,
                          keepdims=True)
            pmask = piota == pos
            rows.append(jnp.min(jnp.where(pmask, pi, _N), axis=0,
                                keepdims=True))
            pv = jnp.where(pmask, inf, pv)
        return jnp.concatenate(rows, axis=0)

    idxs = lax.cond(rfin <= 8,
                    lambda: extract(8 * _NCH),
                    lambda: extract(_MAXP))
    out_ref[0, 0] = idxs + b * _N


def _run_knn(xyz, new_xyzT):
    nt = _S // _TS
    return pl.pallas_call(
        _knn_body,
        grid=(_B, nt),
        in_specs=[
            pl.BlockSpec((1, _N, 3), lambda b, t: (b, 0, 0)),
            pl.BlockSpec((1, 3, _TS), lambda b, t: (b, 0, t)),
        ],
        out_specs=pl.BlockSpec((1, 1, _K, _TS), lambda b, t: (b, t, 0, 0)),
        out_shape=jax.ShapeDtypeStruct((_B, nt, _K, _TS), jnp.int32),
        scratch_shapes=[
            pltpu.VMEM((_NCH * _CW, _TS), jnp.float32),
            pltpu.VMEM((_MAXP, _TS), jnp.float32),
            pltpu.VMEM((_MAXP, _TS), jnp.int32),
        ],
    )(xyz, new_xyzT)


def _sc_gather_call(table, idx):
    info = plsc.get_sparse_core_info()
    nw = info.num_cores * info.num_subcores
    r = idx.shape[0]
    d = table.shape[1]
    per_w = r // nw
    ch = 128
    n_ch = per_w // ch
    mesh = plsc.VectorSubcoreMesh(core_axis_name="c", subcore_axis_name="s")

    @functools.partial(
        pl.kernel, mesh=mesh,
        out_type=jax.ShapeDtypeStruct((r, d), jnp.float32),
        scratch_types=[
            pltpu.VMEM((per_w,), jnp.int32),
            pltpu.VMEM((ch, d), jnp.float32),
            pltpu.VMEM((ch, d), jnp.float32),
            pltpu.SemaphoreType.DMA,
        ],
    )
    def gather_k(table_hbm, idx_hbm, out_hbm, idx_v, rows0_v, rows1_v, sem):
        wid = lax.axis_index("s") * info.num_cores + lax.axis_index("c")
        base = wid * per_w
        pltpu.sync_copy(idx_hbm.at[pl.ds(base, per_w)], idx_v)

        def pair(j, carry):
            c0 = 2 * j
            cp0 = pltpu.async_copy(
                table_hbm.at[idx_v.at[pl.ds(c0 * ch, ch)]], rows0_v, sem)
            cp1 = pltpu.async_copy(
                table_hbm.at[idx_v.at[pl.ds((c0 + 1) * ch, ch)]], rows1_v, sem)
            cp0.wait()
            pltpu.sync_copy(rows0_v, out_hbm.at[pl.ds(base + c0 * ch, ch)])
            cp1.wait()
            pltpu.sync_copy(rows1_v,
                            out_hbm.at[pl.ds(base + (c0 + 1) * ch, ch)])
            return carry

        lax.fori_loop(0, n_ch // 2, pair, 0)

    return gather_k(table, idx)


def _mlp_body(g_ref, c_ref, n_ref, w1x_ref, w1n_ref, b1_ref,
              w2_ref, b2_ref, w3_ref, b3_ref, out_ref):
    rows = g_ref[0, 0]
    Ct = c_ref[0]
    Nt = n_ref[0]
    H = (jnp.dot(Nt, w1n_ref[...], preferred_element_type=jnp.float32)
         - jnp.dot(Ct, w1x_ref[...], preferred_element_type=jnp.float32)
         + b1_ref[...])
    pre = rows.reshape(_K, _TM, 128) + H[None, :, :]
    h1 = jnp.maximum(pre, 0.0).reshape(_K * _TM, 128)
    h2 = jnp.maximum(
        jnp.dot(h1, w2_ref[...], preferred_element_type=jnp.float32)
        + b2_ref[...], 0.0)
    h3 = jnp.maximum(
        jnp.dot(h2, w3_ref[...], preferred_element_type=jnp.float32)
        + b3_ref[...], 0.0)
    out_ref[0] = jnp.max(h3.reshape(_K, _TM, 256), axis=0).T


def _run_mlp(g4, new_xyz, new_normal, w1x, w1n, b1, W2, b2, W3, b3):
    nt = _S // _TM
    return pl.pallas_call(
        _mlp_body,
        grid=(_B, nt),
        in_specs=[
            pl.BlockSpec((1, 1, _K * _TM, 128), lambda b, t: (b, t, 0, 0)),
            pl.BlockSpec((1, _TM, 3), lambda b, t: (b, t, 0)),
            pl.BlockSpec((1, _TM, 3), lambda b, t: (b, t, 0)),
            pl.BlockSpec((3, 128), lambda b, t: (0, 0)),
            pl.BlockSpec((3, 128), lambda b, t: (0, 0)),
            pl.BlockSpec((1, 128), lambda b, t: (0, 0)),
            pl.BlockSpec((128, 128), lambda b, t: (0, 0)),
            pl.BlockSpec((1, 128), lambda b, t: (0, 0)),
            pl.BlockSpec((128, 256), lambda b, t: (0, 0)),
            pl.BlockSpec((1, 256), lambda b, t: (0, 0)),
        ],
        out_specs=pl.BlockSpec((1, 256, _TM), lambda b, t: (b, 0, t)),
        out_shape=jax.ShapeDtypeStruct((_B, 256, _S), jnp.float32),
    )(g4, new_xyz, new_normal, w1x, w1n, b1, W2, b2, W3, b3)


def kernel(xyz, normal, features, W1, b1, W2, b2, W3, b3):
    xyzT = jnp.transpose(xyz, (0, 2, 1))

    nrmT = jnp.transpose(normal, (0, 2, 1))
    sel = _run_fps(xyzT, nrmT)
    selT = jnp.transpose(sel, (1, 0, 2))
    new_xyz = selT[:, :, 0:3]
    new_normal = selT[:, :, 3:6]

    g = _run_g(xyz, features, W1[0:3], W1[3:3 + _C])

    new_xyzT = jnp.transpose(new_xyz, (0, 2, 1))
    knn_idx = _run_knn(xyz, new_xyzT)
    rows = _sc_gather_call(g.reshape(_B * _N, 128),
                           knn_idx.reshape(-1))
    g4 = rows.reshape(_B, _S // _TM, _K * _TM, 128)

    out = _run_mlp(g4, new_xyz, new_normal,
                   W1[0:3], W1[3 + _C:], b1.reshape(1, 128),
                   W2, b2.reshape(1, 128), W3, b3.reshape(1, 256))
    return new_xyz, new_normal, out

# --- scband reference (transcript-rebuilt; emitter-appended) ---
"""Pipeline reference for scband-pointnet-samodule-base-13967233646746 (READ-ONLY COPY).

The authoritative reference and input builder live on the scoring server;
editing this copy changes nothing except your own understanding.
"""

import jax, jax.numpy as jnp
import numpy as np

NPOINT = 1024
NSAMPLE = 32


def setup_inputs(seed: int = 0) -> dict:
    key = jax.random.key(seed)
    ks = jax.random.split(key, 8)
    B, N, C = 8, 4096, 64
    xyz = jax.random.normal(ks[0], (B, N, 3), dtype=jnp.float32)
    normal = jax.random.normal(ks[1], (B, N, 3), dtype=jnp.float32)
    features = jax.random.normal(ks[2], (B, N, C), dtype=jnp.float32)
    c_in = 3 + C + 3  # rel_xyz + grouped features + center normal
    W1 = jax.random.normal(ks[3], (c_in, 128), dtype=jnp.float32) * 0.05
    b1 = jnp.zeros((128,), dtype=jnp.float32)
    W2 = jax.random.normal(ks[4], (128, 128), dtype=jnp.float32) * 0.05
    b2 = jnp.zeros((128,), dtype=jnp.float32)
    W3 = jax.random.normal(ks[5], (128, 256), dtype=jnp.float32) * 0.05
    b3 = jnp.zeros((256,), dtype=jnp.float32)
    return {"xyz": xyz, "normal": normal, "features": features,
            "W1": W1, "b1": b1, "W2": W2, "b2": b2, "W3": W3, "b3": b3}


def _furthest_point_sample(xyz, npoint):
    # xyz: (B, N, 3) -> idx (B, npoint) int32
    B, N, _ = xyz.shape
    idx0 = jnp.zeros((B,), dtype=jnp.int32)
    dist0 = jnp.full((B, N), 1e10, dtype=xyz.dtype)

    def body(carry, _):
        dist, last = carry
        pt = jax.vmap(lambda a, i: a[i])(xyz, last)  # (B, 3)
        d = jnp.sum((xyz - pt[:, None, :]) ** 2, axis=-1)  # (B, N)
        dist = jnp.minimum(dist, d)
        nxt = jnp.argmax(dist, axis=-1).astype(jnp.int32)
        return (dist, nxt), nxt

    (_, _), rest = jax.lax.scan(body, (dist0, idx0), None, length=npoint - 1)
    idx = jnp.concatenate([idx0[None, :], rest], axis=0)  # (npoint, B)
    return idx.T


def _batched_gather(arr, idx):
    # arr: (B, N, C), idx: (B, ...) -> (B, ..., C)
    return jax.vmap(lambda a, i: a[i])(arr, idx)


def reference(xyz, normal, features, W1, b1, W2, b2, W3, b3):
    # FPS centroid selection (gather_operation equivalent)
    fps_idx = _furthest_point_sample(xyz, NPOINT)  # (B, S)
    new_xyz = _batched_gather(xyz, fps_idx)        # (B, S, 3)
    new_normal = _batched_gather(normal, fps_idx)  # (B, S, 3)

    # kNN grouping: pairwise sq distances centroids -> all points
    d = (jnp.sum(new_xyz ** 2, axis=-1)[:, :, None]
         + jnp.sum(xyz ** 2, axis=-1)[:, None, :]
         - 2.0 * jnp.einsum('bsd,bnd->bsn', new_xyz, xyz))  # (B, S, N)
    _, knn_idx = jax.lax.top_k(-d, NSAMPLE)  # (B, S, K)

    grouped_xyz = _batched_gather(xyz, knn_idx) - new_xyz[:, :, None, :]  # (B,S,K,3)
    grouped_feat = _batched_gather(features, knn_idx)                      # (B,S,K,C)
    gn = jnp.broadcast_to(new_normal[:, :, None, :],
                          knn_idx.shape + (3,))                            # (B,S,K,3)
    h = jnp.concatenate([grouped_xyz, grouped_feat, gn], axis=-1)

    # shared pointwise MLP (Conv2d 1x1 stack) + max pool over neighbors
    h = jax.nn.relu(h @ W1 + b1)
    h = jax.nn.relu(h @ W2 + b2)
    h = jax.nn.relu(h @ W3 + b3)
    new_features = jnp.max(h, axis=2)              # (B, S, 256)
    new_features = jnp.transpose(new_features, (0, 2, 1))  # (B, 256, S)
    return new_xyz, new_normal, new_features

if __name__ == "__main__":
    import jax
    _d = setup_inputs()
    print(jax.jit(kernel)(*tuple(_d.values())))

</pallas_src>

<mosaic_0001>
#map = affine_map<(d0, d1) -> (0, 0)>
#map1 = affine_map<(d0, d1) -> (0)>
module attributes {stable_mosaic.version = 14 : i64} {
  func.func @gather_k(%arg0: i32, %arg1: i32, %arg2: memref<32768x128xf32, #tpu.memory_space<hbm>>, %arg3: memref<262144xi32, #tpu.memory_space<hbm>>, %arg4: memref<262144x128xf32, #tpu.memory_space<hbm>>, %arg5: memref<8192xi32, #tpu.memory_space<vmem>>, %arg6: memref<128x128xf32, #tpu.memory_space<vmem>>, %arg7: memref<128x128xf32, #tpu.memory_space<vmem>>, %arg8: memref<!tpu.dma_semaphore, #tpu.memory_space<semaphore_mem>>) attributes {dimension_semantics = [#tpu.dimension_semantics<core_parallel>, #tpu.dimension_semantics<subcore_parallel>], iteration_bounds = array<i64: 2, 16>, scalar_prefetch = 0 : i64, scratch_operands = 4 : i64, tpu.core_type = #tpu.core_type<sc_vector_subcore>, window_params = [{transform_indices = #map}, {transform_indices = #map1}, {transform_indices = #map}]} {
    %mul3A = arith.constant 2 : i32
    %mul3A_0 = arith.muli %arg1, %mul3A : i32
    %add3A = arith.addi %mul3A_0, %arg0 : i32
    %mul3A_1 = arith.constant 8192 : i32
    %mul3A_2 = arith.muli %add3A, %mul3A_1 : i32
    "tpu.region"() ({
      %run_scoped3A = tpu.sem_alloc : memref<!tpu.dma_semaphore, #tpu.memory_space<semaphore_mem>>
      %dma_start3A = tpu.memref_slice %arg3[%mul3A_2] : memref<262144xi32, #tpu.memory_space<hbm>> -> memref<8192xi32, #tpu.memory_space<hbm>>
      %dma_start3A_8 = tpu.memref_slice %arg3[%mul3A_2] : memref<262144xi32, #tpu.memory_space<hbm>> -> memref<8192xi32, #tpu.memory_space<hbm>>
      tpu.enqueue_dma source(%dma_start3A_8 : memref<8192xi32, #tpu.memory_space<hbm>>) target(%arg5 : memref<8192xi32, #tpu.memory_space<vmem>>) target_semaphore(%run_scoped3A : memref<!tpu.dma_semaphore, #tpu.memory_space<semaphore_mem>>)
      %dma_wait3A = tpu.memref_slice %arg3[%mul3A_2] : memref<262144xi32, #tpu.memory_space<hbm>> -> memref<8192xi32, #tpu.memory_space<hbm>>
      %dma_wait3A_9 = tpu.memref_slice %arg3[%mul3A_2] : memref<262144xi32, #tpu.memory_space<hbm>> -> memref<8192xi32, #tpu.memory_space<hbm>>
      tpu.wait_dma2 semaphore(%run_scoped3A : memref<!tpu.dma_semaphore, #tpu.memory_space<semaphore_mem>>) src(%dma_wait3A_9 : memref<8192xi32, #tpu.memory_space<hbm>>) dst(%arg5 : memref<8192xi32, #tpu.memory_space<vmem>>)
      tpu.yield
    }) : () -> ()
    %scan3A = arith.constant 0 : i32
    %scan3A_3 = arith.constant 0 : i32
    %scan3A_4 = arith.constant 32 : i32
    %scan3A_5 = arith.addi %scan3A_3, %scan3A_4 : i32
    %scan3A_6 = arith.constant 1 : i32
    scf.for %scan3A_8 = %scan3A_3 to %scan3A_5 step %scan3A_6  : i32 {
      %mul3A_9 = arith.constant 2 : i32
      %mul3A_10 = arith.muli %mul3A_9, %scan3A_8 : i32
      %mul3A_11 = arith.constant 128 : i32
      %mul3A_12 = arith.muli %mul3A_10, %mul3A_11 : i32
      %dma_start3A = tpu.memref_slice %arg5[%mul3A_12] : memref<8192xi32, #tpu.memory_space<vmem>> -> memref<128xi32, #tpu.memory_space<vmem>>
      %dma_start3A_13 = arith.constant 0 : i32
      %dma_start3A_14 = arith.constant 0 : i32
      %dma_start3A_15 = tpu.memref_slice %arg2[%dma_start3A_13, %dma_start3A_14] : memref<32768x128xf32, #tpu.memory_space<hbm>> -> memref<32768x128xf32, #tpu.memory_space<hbm>>
      tpu.enqueue_indirect_dma source(%dma_start3A_15 : memref<32768x128xf32, #tpu.memory_space<hbm>>) target(%arg6 : memref<128x128xf32, #tpu.memory_space<vmem>>) offsets(%dma_start3A : memref<128xi32, #tpu.memory_space<vmem>>) semaphore(%arg8 : memref<!tpu.dma_semaphore, #tpu.memory_space<semaphore_mem>>)
      %add3A_16 = arith.constant 1 : i32
      %add3A_17 = arith.addi %mul3A_10, %add3A_16 : i32
      %mul3A_18 = arith.constant 128 : i32
      %mul3A_19 = arith.muli %add3A_17, %mul3A_18 : i32
      %dma_start3A_20 = tpu.memref_slice %arg5[%mul3A_19] : memref<8192xi32, #tpu.memory_space<vmem>> -> memref<128xi32, #tpu.memory_space<vmem>>
      %dma_start3A_21 = arith.constant 0 : i32
      %dma_start3A_22 = arith.constant 0 : i32
      %dma_start3A_23 = tpu.memref_slice %arg2[%dma_start3A_21, %dma_start3A_22] : memref<32768x128xf32, #tpu.memory_space<hbm>> -> memref<32768x128xf32, #tpu.memory_space<hbm>>
      tpu.enqueue_indirect_dma source(%dma_start3A_23 : memref<32768x128xf32, #tpu.memory_space<hbm>>) target(%arg7 : memref<128x128xf32, #tpu.memory_space<vmem>>) offsets(%dma_start3A_20 : memref<128xi32, #tpu.memory_space<vmem>>) semaphore(%arg8 : memref<!tpu.dma_semaphore, #tpu.memory_space<semaphore_mem>>)
      %dma_wait3A = tpu.memref_slice %arg5[%mul3A_12] : memref<8192xi32, #tpu.memory_space<vmem>> -> memref<128xi32, #tpu.memory_space<vmem>>
      %dma_wait3A_24 = arith.constant 0 : i32
      %dma_wait3A_25 = arith.constant 0 : i32
      %dma_wait3A_26 = tpu.memref_slice %arg2[%dma_wait3A_24, %dma_wait3A_25] : memref<32768x128xf32, #tpu.memory_space<hbm>> -> memref<32768x128xf32, #tpu.memory_space<hbm>>
      tpu.wait_indirect_dma semaphore(%arg8 : memref<!tpu.dma_semaphore, #tpu.memory_space<semaphore_mem>>) src(%dma_wait3A_26 : memref<32768x128xf32, #tpu.memory_space<hbm>>) dst(%arg6 : memref<128x128xf32, #tpu.memory_space<vmem>>)
      %mul3A_27 = arith.constant 128 : i32
      %mul3A_28 = arith.muli %mul3A_10, %mul3A_27 : i32
      %add3A_29 = arith.addi %mul3A_2, %mul3A_28 : i32
      "tpu.region"() ({
        %run_scoped3A = tpu.sem_alloc : memref<!tpu.dma_semaphore, #tpu.memory_space<semaphore_mem>>
        %dma_start3A_39 = arith.constant 0 : i32
        %dma_start3A_40 = tpu.memref_slice %arg4[%add3A_29, %dma_start3A_39] : memref<262144x128xf32, #tpu.memory_space<hbm>> -> memref<128x128xf32, #tpu.memory_space<hbm>>
        %dma_start3A_41 = arith.constant 0 : i32
        %dma_start3A_42 = tpu.memref_slice %arg4[%add3A_29, %dma_start3A_41] : memref<262144x128xf32, #tpu.memory_space<hbm>> -> memref<128x128xf32, #tpu.memory_space<hbm>>
        tpu.enqueue_dma source(%arg6 : memref<128x128xf32, #tpu.memory_space<vmem>>) target(%dma_start3A_42 : memref<128x128xf32, #tpu.memory_space<hbm>>) target_semaphore(%run_scoped3A : memref<!tpu.dma_semaphore, #tpu.memory_space<semaphore_mem>>)
        %dma_wait3A_43 = arith.constant 0 : i32
        %dma_wait3A_44 = tpu.memref_slice %arg4[%add3A_29, %dma_wait3A_43] : memref<262144x128xf32, #tpu.memory_space<hbm>> -> memref<128x128xf32, #tpu.memory_space<hbm>>
        %dma_wait3A_45 = arith.constant 0 : i32
        %dma_wait3A_46 = tpu.memref_slice %arg4[%add3A_29, %dma_wait3A_45] : memref<262144x128xf32, #tpu.memory_space<hbm>> -> memref<128x128xf32, #tpu.memory_space<hbm>>
        tpu.wait_dma2 semaphore(%run_scoped3A : memref<!tpu.dma_semaphore, #tpu.memory_space<semaphore_mem>>) src(%arg6 : memref<128x128xf32, #tpu.memory_space<vmem>>) dst(%dma_wait3A_46 : memref<128x128xf32, #tpu.memory_space<hbm>>)
        tpu.yield
      }) : () -> ()
      %dma_wait3A_30 = tpu.memref_slice %arg5[%mul3A_19] : memref<8192xi32, #tpu.memory_space<vmem>> -> memref<128xi32, #tpu.memory_space<vmem>>
      %dma_wait3A_31 = arith.constant 0 : i32
      %dma_wait3A_32 = arith.constant 0 : i32
      %dma_wait3A_33 = tpu.memref_slice %arg2[%dma_wait3A_31, %dma_wait3A_32] : memref<32768x128xf32, #tpu.memory_space<hbm>> -> memref<32768x128xf32, #tpu.memory_space<hbm>>
      tpu.wait_indirect_dma semaphore(%arg8 : memref<!tpu.dma_semaphore, #tpu.memory_space<semaphore_mem>>) src(%dma_wait3A_33 : memref<32768x128xf32, #tpu.memory_space<hbm>>) dst(%arg7 : memref<128x128xf32, #tpu.memory_space<vmem>>)
      %add3A_34 = arith.constant 1 : i32
      %add3A_35 = arith.addi %mul3A_10, %add3A_34 : i32
      %mul3A_36 = arith.constant 128 : i32
      %mul3A_37 = arith.muli %add3A_35, %mul3A_36 : i32
      %add3A_38 = arith.addi %mul3A_2, %mul3A_37 : i32
      "tpu.region"() ({
        %run_scoped3A = tpu.sem_alloc : memref<!tpu.dma_semaphore, #tpu.memory_space<semaphore_mem>>
        %dma_start3A_39 = arith.constant 0 : i32
        %dma_start3A_40 = tpu.memref_slice %arg4[%add3A_38, %dma_start3A_39] : memref<262144x128xf32, #tpu.memory_space<hbm>> -> memref<128x128xf32, #tpu.memory_space<hbm>>
        %dma_start3A_41 = arith.constant 0 : i32
        %dma_start3A_42 = tpu.memref_slice %arg4[%add3A_38, %dma_start3A_41] : memref<262144x128xf32, #tpu.memory_space<hbm>> -> memref<128x128xf32, #tpu.memory_space<hbm>>
        tpu.enqueue_dma source(%arg7 : memref<128x128xf32, #tpu.memory_space<vmem>>) target(%dma_start3A_42 : memref<128x128xf32, #tpu.memory_space<hbm>>) target_semaphore(%run_scoped3A : memref<!tpu.dma_semaphore, #tpu.memory_space<semaphore_mem>>)
        %dma_wait3A_43 = arith.constant 0 : i32
        %dma_wait3A_44 = tpu.memref_slice %arg4[%add3A_38, %dma_wait3A_43] : memref<262144x128xf32, #tpu.memory_space<hbm>> -> memref<128x128xf32, #tpu.memory_space<hbm>>
        %dma_wait3A_45 = arith.constant 0 : i32
        %dma_wait3A_46 = tpu.memref_slice %arg4[%add3A_38, %dma_wait3A_45] : memref<262144x128xf32, #tpu.memory_space<hbm>> -> memref<128x128xf32, #tpu.memory_space<hbm>>
        tpu.wait_dma2 semaphore(%run_scoped3A : memref<!tpu.dma_semaphore, #tpu.memory_space<semaphore_mem>>) src(%arg7 : memref<128x128xf32, #tpu.memory_space<vmem>>) dst(%dma_wait3A_46 : memref<128x128xf32, #tpu.memory_space<hbm>>)
        tpu.yield
      }) : () -> ()
    }
    %scan3A_7 = arith.constant 32 : i32
    return
  }
}

module attributes {stable_mosaic.version = 14 : i64} {
  func.func @_fps_body(%arg0: memref<8x3x4096xf32, #tpu.memory_space<vmem>>, %arg1: memref<8x3x4096xf32, #tpu.memory_space<vmem>>, %arg2: memref<1024x8x6xf32, #tpu.memory_space<vmem>>, %arg3: memref<8x4096xf32, #tpu.memory_space<vmem>>) attributes {dimension_semantics = [], scalar_prefetch = 0 : i64, scratch_operands = 1 : i64, tpu.core_type = #tpu.core_type<tc>} {
    %iota3A = tpu.iota {dimensions = array<i32: 1>} : vector<8x4096xi32>
    %broadcast_in_dim3A = arith.constant 1.000000e+10 : f32
    %broadcast_in_dim3A_0 = vector.broadcast %broadcast_in_dim3A : f32 to vector<8x4096xf32>
    %swap3A = arith.constant 0 : index
    %swap3A_1 = arith.constant 0 : index
    %swap3A_2 = vector.load %arg3[%swap3A, %swap3A_1] : memref<8x4096xf32, #tpu.memory_space<vmem>>, vector<8x4096xf32>
    tpu.vector_store %arg3[%swap3A, %swap3A_1], %broadcast_in_dim3A_0 {strides = array<i32>} : memref<8x4096xf32, #tpu.memory_space<vmem>>, vector<8x4096xf32>,
    %broadcast_in_dim3A_3 = arith.constant 0 : i32
    %broadcast_in_dim3A_4 = vector.broadcast %broadcast_in_dim3A_3 : i32 to vector<8x1xi32>
    %scan3A = arith.constant 0 : i32
    %scan3A_5 = arith.constant 1024 : i32
    %scan3A_6 = arith.addi %scan3A, %scan3A_5 : i32
    %scan3A_7 = arith.constant 1 : i32
    %scan3A_8 = scf.for %scan3A_10 = %scan3A to %scan3A_6 step %scan3A_7 iter_args(%scan3A_11 = %broadcast_in_dim3A_4) -> (vector<8x1xi32>)  : i32 {
      %eq3A = vector.broadcast %scan3A_11 : vector<8x1xi32> to vector<8x4096xi32>
      %eq3A_12 = arith.cmpi eq, %iota3A, %eq3A : vector<8x4096xi32>
      %get3A = arith.constant 0 : index
      %get3A_13 = arith.constant 0 : index
      %get3A_14 = arith.constant 0 : index
      %get3A_15 = vector.load %arg0[%get3A, %get3A_13, %get3A_14] : memref<8x3x4096xf32, #tpu.memory_space<vmem>>, vector<8x1x4096xf32>
      %get3A_16 = vector.shape_cast %get3A_15 : vector<8x1x4096xf32> to vector<8x4096xf32>
      %get3A_17 = arith.constant 0 : index
      %get3A_18 = arith.constant 1 : index
      %get3A_19 = arith.constant 0 : index
      %get3A_20 = vector.load %arg0[%get3A_17, %get3A_18, %get3A_19] : memref<8x3x4096xf32, #tpu.memory_space<vmem>>, vector<8x1x4096xf32>
      %get3A_21 = vector.shape_cast %get3A_20 : vector<8x1x4096xf32> to vector<8x4096xf32>
      %get3A_22 = arith.constant 0 : index
      %get3A_23 = arith.constant 2 : index
      %get3A_24 = arith.constant 0 : index
      %get3A_25 = vector.load %arg0[%get3A_22, %get3A_23, %get3A_24] : memref<8x3x4096xf32, #tpu.memory_space<vmem>>, vector<8x1x4096xf32>
      %get3A_26 = vector.shape_cast %get3A_25 : vector<8x1x4096xf32> to vector<8x4096xf32>
      %jit3A = arith.constant 0.000000e+00 : f32
      %broadcast_in_dim3A_27 = vector.broadcast %jit3A : f32 to vector<8x4096xf32>
      %select_n3A = arith.select %eq3A_12, %get3A_16, %broadcast_in_dim3A_27 : vector<8x4096xi1>, vector<8x4096xf32>
      %reduce_sum3A = arith.constant dense<0.000000e+00> : vector<8xf32>
      %reduce_sum3A_28 = vector.multi_reduction <add>, %select_n3A, %reduce_sum3A [1] : vector<8x4096xf32> to vector<8xf32>
      %broadcast_in_dim3A_29 = vector.shape_cast %reduce_sum3A_28 : vector<8xf32> to vector<8x1xf32>
      %jit3A_30 = arith.constant 0.000000e+00 : f32
      %broadcast_in_dim3A_31 = vector.broadcast %jit3A_30 : f32 to vector<8x4096xf32>
      %select_n3A_32 = arith.select %eq3A_12, %get3A_21, %broadcast_in_dim3A_31 : vector<8x4096xi1>, vector<8x4096xf32>
      %reduce_sum3A_33 = arith.constant dense<0.000000e+00> : vector<8xf32>
      %reduce_sum3A_34 = vector.multi_reduction <add>, %select_n3A_32, %reduce_sum3A_33 [1] : vector<8x4096xf32> to vector<8xf32>
      %broadcast_in_dim3A_35 = vector.shape_cast %reduce_sum3A_34 : vector<8xf32> to vector<8x1xf32>
      %jit3A_36 = arith.constant 0.000000e+00 : f32
      %broadcast_in_dim3A_37 = vector.broadcast %jit3A_36 : f32 to vector<8x4096xf32>
      %select_n3A_38 = arith.select %eq3A_12, %get3A_26, %broadcast_in_dim3A_37 : vector<8x4096xi1>, vector<8x4096xf32>
      %reduce_sum3A_39 = arith.constant dense<0.000000e+00> : vector<8xf32>
      %reduce_sum3A_40 = vector.multi_reduction <add>, %select_n3A_38, %reduce_sum3A_39 [1] : vector<8x4096xf32> to vector<8xf32>
      %broadcast_in_dim3A_41 = vector.shape_cast %reduce_sum3A_40 : vector<8xf32> to vector<8x1xf32>
      %get3A_42 = arith.constant 0 : index
      %get3A_43 = arith.constant 0 : index
      %get3A_44 = arith.constant 0 : index
      %get3A_45 = vector.load %arg1[%get3A_42, %get3A_43, %get3A_44] : memref<8x3x4096xf32, #tpu.memory_space<vmem>>, vector<8x1x4096xf32>
      %get3A_46 = vector.shape_cast %get3A_45 : vector<8x1x4096xf32> to vector<8x4096xf32>
      %jit3A_47 = arith.constant 0.000000e+00 : f32
      %broadcast_in_dim3A_48 = vector.broadcast %jit3A_47 : f32 to vector<8x4096xf32>
      %select_n3A_49 = arith.select %eq3A_12, %get3A_46, %broadcast_in_dim3A_48 : vector<8x4096xi1>, vector<8x4096xf32>
      %reduce_sum3A_50 = arith.constant dense<0.000000e+00> : vector<8xf32>
      %reduce_sum3A_51 = vector.multi_reduction <add>, %select_n3A_49, %reduce_sum3A_50 [1] : vector<8x4096xf32> to vector<8xf32>
      %broadcast_in_dim3A_52 = vector.shape_cast %reduce_sum3A_51 : vector<8xf32> to vector<8x1xf32>
      %get3A_53 = arith.constant 0 : index
      %get3A_54 = arith.constant 1 : index
      %get3A_55 = arith.constant 0 : index
      %get3A_56 = vector.load %arg1[%get3A_53, %get3A_54, %get3A_55] : memref<8x3x4096xf32, #tpu.memory_space<vmem>>, vector<8x1x4096xf32>
      %get3A_57 = vector.shape_cast %get3A_56 : vector<8x1x4096xf32> to vector<8x4096xf32>
      %jit3A_58 = arith.constant 0.000000e+00 : f32
      %broadcast_in_dim3A_59 = vector.broadcast %jit3A_58 : f32 to vector<8x4096xf32>
      %select_n3A_60 = arith.select %eq3A_12, %get3A_57, %broadcast_in_dim3A_59 : vector<8x4096xi1>, vector<8x4096xf32>
      %reduce_sum3A_61 = arith.constant dense<0.000000e+00> : vector<8xf32>
      %reduce_sum3A_62 = vector.multi_reduction <add>, %select_n3A_60, %reduce_sum3A_61 [1] : vector<8x4096xf32> to vector<8xf32>
      %broadcast_in_dim3A_63 = vector.shape_cast %reduce_sum3A_62 : vector<8xf32> to vector<8x1xf32>
      %get3A_64 = arith.constant 0 : index
      %get3A_65 = arith.constant 2 : index
      %get3A_66 = arith.constant 0 : index
      %get3A_67 = vector.load %arg1[%get3A_64, %get3A_65, %get3A_66] : memref<8x3x4096xf32, #tpu.memory_space<vmem>>, vector<8x1x4096xf32>
      %get3A_68 = vector.shape_cast %get3A_67 : vector<8x1x4096xf32> to vector<8x4096xf32>
      %jit3A_69 = arith.constant 0.000000e+00 : f32
      %broadcast_in_dim3A_70 = vector.broadcast %jit3A_69 : f32 to vector<8x4096xf32>
      %select_n3A_71 = arith.select %eq3A_12, %get3A_68, %broadcast_in_dim3A_70 : vector<8x4096xi1>, vector<8x4096xf32>
      %reduce_sum3A_72 = arith.constant dense<0.000000e+00> : vector<8xf32>
      %reduce_sum3A_73 = vector.multi_reduction <add>, %select_n3A_71, %reduce_sum3A_72 [1] : vector<8x4096xf32> to vector<8xf32>
      %broadcast_in_dim3A_74 = vector.shape_cast %reduce_sum3A_73 : vector<8xf32> to vector<8x1xf32>
      %concatenate3A = tpu.concatenate %broadcast_in_dim3A_29, %broadcast_in_dim3A_35, %broadcast_in_dim3A_41, %broadcast_in_dim3A_52, %broadcast_in_dim3A_63, %broadcast_in_dim3A_74 in 1 : vector<8x1xf32>, vector<8x1xf32>, vector<8x1xf32>, vector<8x1xf32>, vector<8x1xf32>, vector<8x1xf32> -> vector<8x6xf32>
      %broadcast_in_dim3A_75 = vector.shape_cast %concatenate3A : vector<8x6xf32> to vector<1x8x6xf32>
      %swap3A_76 = arith.index_cast %scan3A_10 : i32 to index
      %swap3A_77 = arith.constant 0 : index
      %swap3A_78 = arith.constant 0 : index
      %swap3A_79 = vector.load %arg2[%swap3A_76, %swap3A_77, %swap3A_78] : memref<1024x8x6xf32, #tpu.memory_space<vmem>>, vector<1x8x6xf32>
      tpu.vector_store %arg2[%swap3A_76, %swap3A_77, %swap3A_78], %broadcast_in_dim3A_75 {strides = array<i32>} : memref<1024x8x6xf32, #tpu.memory_space<vmem>>, vector<1x8x6xf32>,
      %sub3A = vector.broadcast %broadcast_in_dim3A_29 : vector<8x1xf32> to vector<8x4096xf32>
      %sub3A_80 = arith.subf %get3A_16, %sub3A : vector<8x4096xf32>
      %integer_pow3A = arith.mulf %sub3A_80, %sub3A_80 : vector<8x4096xf32>
      %sub3A_81 = vector.broadcast %broadcast_in_dim3A_35 : vector<8x1xf32> to vector<8x4096xf32>
      %sub3A_82 = arith.subf %get3A_21, %sub3A_81 : vector<8x4096xf32>
      %integer_pow3A_83 = arith.mulf %sub3A_82, %sub3A_82 : vector<8x4096xf32>
      %add3A = arith.addf %integer_pow3A, %integer_pow3A_83 : vector<8x4096xf32>
      %sub3A_84 = vector.broadcast %broadcast_in_dim3A_41 : vector<8x1xf32> to vector<8x4096xf32>
      %sub3A_85 = arith.subf %get3A_26, %sub3A_84 : vector<8x4096xf32>
      %integer_pow3A_86 = arith.mulf %sub3A_85, %sub3A_85 : vector<8x4096xf32>
      %add3A_87 = arith.addf %add3A, %integer_pow3A_86 : vector<8x4096xf32>
      %get3A_88 = arith.constant 0 : index
      %get3A_89 = arith.constant 0 : index
      %get3A_90 = vector.load %arg3[%get3A_88, %get3A_89] : memref<8x4096xf32, #tpu.memory_space<vmem>>, vector<8x4096xf32>
      %min3A = arith.minimumf %get3A_90, %add3A_87 : vector<8x4096xf32>
      %swap3A_91 = arith.constant 0 : index
      %swap3A_92 = arith.constant 0 : index
      %swap3A_93 = vector.load %arg3[%swap3A_91, %swap3A_92] : memref<8x4096xf32, #tpu.memory_space<vmem>>, vector<8x4096xf32>
      tpu.vector_store %arg3[%swap3A_91, %swap3A_92], %min3A {strides = array<i32>} : memref<8x4096xf32, #tpu.memory_space<vmem>>, vector<8x4096xf32>,
      %reduce_max3A = arith.constant dense<0xFF800000> : vector<8xf32>
      %reduce_max3A_94 = vector.multi_reduction <maximumf>, %min3A, %reduce_max3A [1] : vector<8x4096xf32> to vector<8xf32>
      %broadcast_in_dim3A_95 = vector.shape_cast %reduce_max3A_94 : vector<8xf32> to vector<8x1xf32>
      %eq3A_96 = vector.broadcast %broadcast_in_dim3A_95 : vector<8x1xf32> to vector<8x4096xf32>
      %eq3A_97 = arith.cmpf oeq, %min3A, %eq3A_96 : vector<8x4096xf32>
      %jit3A_98 = arith.constant 4096 : i32
      %broadcast_in_dim3A_99 = vector.broadcast %jit3A_98 : i32 to vector<8x4096xi32>
      %select_n3A_100 = arith.select %eq3A_97, %iota3A, %broadcast_in_dim3A_99 : vector<8x4096xi1>, vector<8x4096xi32>
      %reduce_min3A = arith.constant dense<2147483647> : vector<8xi32>
      %reduce_min3A_101 = vector.multi_reduction <minsi>, %select_n3A_100, %reduce_min3A [1] : vector<8x4096xi32> to vector<8xi32>
      %broadcast_in_dim3A_102 = vector.shape_cast %reduce_min3A_101 : vector<8xi32> to vector<8x1xi32>
      scf.yield %broadcast_in_dim3A_102 : vector<8x1xi32>
    }
    %scan3A_9 = arith.constant 1024 : i32
    return
  }
}

module attributes {stable_mosaic.version = 14 : i64} {
  func.func @_knn_body(%arg0: i32, %arg1: i32, %arg2: memref<1x4096x3xf32, #tpu.memory_space<vmem>>, %arg3: memref<1x3x128xf32, #tpu.memory_space<vmem>>, %arg4: memref<1x1x32x128xi32, #tpu.memory_space<vmem>>, %arg5: memref<4096x128xf32, #tpu.memory_space<vmem>>, %arg6: memref<1024x128xf32, #tpu.memory_space<vmem>>, %arg7: memref<1024x128xi32, #tpu.memory_space<vmem>>) attributes {dimension_semantics = [#tpu.dimension_semantics<arbitrary>, #tpu.dimension_semantics<arbitrary>], iteration_bounds = array<i64: 8, 8>, scalar_prefetch = 0 : i64, scratch_operands = 3 : i64, tpu.core_type = #tpu.core_type<tc>, window_params = [{transform_indices = @transform_0, window_bounds = array<i64: 1, 4096, 3>}, {transform_indices = @transform_1, window_bounds = array<i64: 1, 3, 128>}, {transform_indices = @transform_2, window_bounds = array<i64: 1, 1, 32, 128>}]} {
    %get3A = arith.constant 0 : index
    %get3A_0 = arith.constant 0 : index
    %get3A_1 = arith.constant 0 : index
    %get3A_2 = vector.load %arg3[%get3A, %get3A_0, %get3A_1] : memref<1x3x128xf32, #tpu.memory_space<vmem>>, vector<1x3x128xf32>
    %get3A_3 = vector.shape_cast %get3A_2 : vector<1x3x128xf32> to vector<3x128xf32>
    %get3A_4 = arith.constant 0 : index
    %get3A_5 = arith.constant 0 : index
    %get3A_6 = arith.constant 0 : index
    %get3A_7 = vector.load %arg2[%get3A_4, %get3A_5, %get3A_6] : memref<1x4096x3xf32, #tpu.memory_space<vmem>>, vector<1x128x3xf32>
    %get3A_8 = vector.shape_cast %get3A_7 : vector<1x128x3xf32> to vector<128x3xf32>
    %mul3A = arith.mulf %get3A_8, %get3A_8 : vector<128x3xf32>
    %reduce_sum3A = arith.constant dense<0.000000e+00> : vector<128xf32>
    %reduce_sum3A_9 = vector.multi_reduction <add>, %mul3A, %reduce_sum3A [1] : vector<128x3xf32> to vector<128xf32>
    %broadcast_in_dim3A = vector.shape_cast %reduce_sum3A_9 : vector<128xf32> to vector<128x1xf32>
    %dot_general3A = arith.constant dense<0.000000e+00> : vector<128x128xf32>
    %dot_general3A_10 = tpu.matmul %get3A_8, %get3A_3, %dot_general3A {dimension_numbers = #tpu.dot_dimension_numbers<[1], [0], [0], [1], [0, 0, 1, 1], [], []>, transpose_lhs_hint = false} : vector<128x3xf32>, vector<3x128xf32>, vector<128x128xf32> -> vector<128x128xf32>
    %mul3A_11 = arith.constant 2.000000e+00 : f32
    %mul3A_12 = vector.broadcast %mul3A_11 : f32 to vector<128x128xf32>
    %mul3A_13 = arith.mulf %mul3A_12, %dot_general3A_10 : vector<128x128xf32>
    %sub3A = vector.broadcast %broadcast_in_dim3A : vector<128x1xf32> to vector<128x128xf32>
    %sub3A_14 = arith.subf %sub3A, %mul3A_13 : vector<128x128xf32>
    %swap3A = arith.constant 0 : index
    %swap3A_15 = arith.constant 0 : index
    %swap3A_16 = vector.load %arg5[%swap3A, %swap3A_15] : memref<4096x128xf32, #tpu.memory_space<vmem>>, vector<128x128xf32>
    tpu.vector_store %arg5[%swap3A, %swap3A_15], %sub3A_14 {strides = array<i32>} : memref<4096x128xf32, #tpu.memory_space<vmem>>, vector<128x128xf32>,
    %get3A_17 = arith.constant 0 : index
    %get3A_18 = arith.constant 128 : index
    %get3A_19 = arith.constant 0 : index
    %get3A_20 = vector.load %arg2[%get3A_17, %get3A_18, %get3A_19] : memref<1x4096x3xf32, #tpu.memory_space<vmem>>, vector<1x128x3xf32>
    %get3A_21 = vector.shape_cast %get3A_20 : vector<1x128x3xf32> to vector<128x3xf32>
    %mul3A_22 = arith.mulf %get3A_21, %get3A_21 : vector<128x3xf32>
    %reduce_sum3A_23 = arith.constant dense<0.000000e+00> : vector<128xf32>
    %reduce_sum3A_24 = vector.multi_reduction <add>, %mul3A_22, %reduce_sum3A_23 [1] : vector<128x3xf32> to vector<128xf32>
    %broadcast_in_dim3A_25 = vector.shape_cast %reduce_sum3A_24 : vector<128xf32> to vector<128x1xf32>
    %dot_general3A_26 = arith.constant dense<0.000000e+00> : vector<128x128xf32>
    %dot_general3A_27 = tpu.matmul %get3A_21, %get3A_3, %dot_general3A_26 {dimension_numbers = #tpu.dot_dimension_numbers<[1], [0], [0], [1], [0, 0, 1, 1], [], []>, transpose_lhs_hint = false} : vector<128x3xf32>, vector<3x128xf32>, vector<128x128xf32> -> vector<128x128xf32>
    %mul3A_28 = arith.constant 2.000000e+00 : f32
    %mul3A_29 = vector.broadcast %mul3A_28 : f32 to vector<128x128xf32>
    %mul3A_30 = arith.mulf %mul3A_29, %dot_general3A_27 : vector<128x128xf32>
    %sub3A_31 = vector.broadcast %broadcast_in_dim3A_25 : vector<128x1xf32> to vector<128x128xf32>
    %sub3A_32 = arith.subf %sub3A_31, %mul3A_30 : vector<128x128xf32>
    %swap3A_33 = arith.constant 128 : index
    %swap3A_34 = arith.constant 0 : index
    %swap3A_35 = vector.load %arg5[%swap3A_33, %swap3A_34] : memref<4096x128xf32, #tpu.memory_space<vmem>>, vector<128x128xf32>
    tpu.vector_store %arg5[%swap3A_33, %swap3A_34], %sub3A_32 {strides = array<i32>} : memref<4096x128xf32, #tpu.memory_space<vmem>>, vector<128x128xf32>,
    %get3A_36 = arith.constant 0 : index
    %get3A_37 = arith.constant 256 : index
    %get3A_38 = arith.constant 0 : index
    %get3A_39 = vector.load %arg2[%get3A_36, %get3A_37, %get3A_38] : memref<1x4096x3xf32, #tpu.memory_space<vmem>>, vector<1x128x3xf32>
    %get3A_40 = vector.shape_cast %get3A_39 : vector<1x128x3xf32> to vector<128x3xf32>
    %mul3A_41 = arith.mulf %get3A_40, %get3A_40 : vector<128x3xf32>
    %reduce_sum3A_42 = arith.constant dense<0.000000e+00> : vector<128xf32>
    %reduce_sum3A_43 = vector.multi_reduction <add>, %mul3A_41, %reduce_sum3A_42 [1] : vector<128x3xf32> to vector<128xf32>
    %broadcast_in_dim3A_44 = vector.shape_cast %reduce_sum3A_43 : vector<128xf32> to vector<128x1xf32>
    %dot_general3A_45 = arith.constant dense<0.000000e+00> : vector<128x128xf32>
    %dot_general3A_46 = tpu.matmul %get3A_40, %get3A_3, %dot_general3A_45 {dimension_numbers = #tpu.dot_dimension_numbers<[1], [0], [0], [1], [0, 0, 1, 1], [], []>, transpose_lhs_hint = false} : vector<128x3xf32>, vector<3x128xf32>, vector<128x128xf32> -> vector<128x128xf32>
    %mul3A_47 = arith.constant 2.000000e+00 : f32
    %mul3A_48 = vector.broadcast %mul3A_47 : f32 to vector<128x128xf32>
    %mul3A_49 = arith.mulf %mul3A_48, %dot_general3A_46 : vector<128x128xf32>
    %sub3A_50 = vector.broadcast %broadcast_in_dim3A_44 : vector<128x1xf32> to vector<128x128xf32>
    %sub3A_51 = arith.subf %sub3A_50, %mul3A_49 : vector<128x128xf32>
    %swap3A_52 = arith.constant 256 : index
    %swap3A_53 = arith.constant 0 : index
    %swap3A_54 = vector.load %arg5[%swap3A_52, %swap3A_53] : memref<4096x128xf32, #tpu.memory_space<vmem>>, vector<128x128xf32>
    tpu.vector_store %arg5[%swap3A_52, %swap3A_53], %sub3A_51 {strides = array<i32>} : memref<4096x128xf32, #tpu.memory_space<vmem>>, vector<128x128xf32>,
    %get3A_55 = arith.constant 0 : index
    %get3A_56 = arith.constant 384 : index
    %get3A_57 = arith.constant 0 : index
    %get3A_58 = vector.load %arg2[%get3A_55, %get3A_56, %get3A_57] : memref<1x4096x3xf32, #tpu.memory_space<vmem>>, vector<1x128x3xf32>
    %get3A_59 = vector.shape_cast %get3A_58 : vector<1x128x3xf32> to vector<128x3xf32>
    %mul3A_60 = arith.mulf %get3A_59, %get3A_59 : vector<128x3xf32>
    %reduce_sum3A_61 = arith.constant dense<0.000000e+00> : vector<128xf32>
    %reduce_sum3A_62 = vector.multi_reduction <add>, %mul3A_60, %reduce_sum3A_61 [1] : vector<128x3xf32> to vector<128xf32>
    %broadcast_in_dim3A_63 = vector.shape_cast %reduce_sum3A_62 : vector<128xf32> to vector<128x1xf32>
    %dot_general3A_64 = arith.constant dense<0.000000e+00> : vector<128x128xf32>
    %dot_general3A_65 = tpu.matmul %get3A_59, %get3A_3, %dot_general3A_64 {dimension_numbers = #tpu.dot_dimension_numbers<[1], [0], [0], [1], [0, 0, 1, 1], [], []>, transpose_lhs_hint = false} : vector<128x3xf32>, vector<3x128xf32>, vector<128x128xf32> -> vector<128x128xf32>
    %mul3A_66 = arith.constant 2.000000e+00 : f32
    %mul3A_67 = vector.broadcast %mul3A_66 : f32 to vector<128x128xf32>
    %mul3A_68 = arith.mulf %mul3A_67, %dot_general3A_65 : vector<128x128xf32>
    %sub3A_69 = vector.broadcast %broadcast_in_dim3A_63 : vector<128x1xf32> to vector<128x128xf32>
    %sub3A_70 = arith.subf %sub3A_69, %mul3A_68 : vector<128x128xf32>
    %swap3A_71 = arith.constant 384 : index
    %swap3A_72 = arith.constant 0 : index
    %swap3A_73 = vector.load %arg5[%swap3A_71, %swap3A_72] : memref<4096x128xf32, #tpu.memory_space<vmem>>, vector<128x128xf32>
    tpu.vector_store %arg5[%swap3A_71, %swap3A_72], %sub3A_70 {strides = array<i32>} : memref<4096x128xf32, #tpu.memory_space<vmem>>, vector<128x128xf32>,
    %get3A_74 = arith.constant 0 : index
    %get3A_75 = arith.constant 512 : index
    %get3A_76 = arith.constant 0 : index
    %get3A_77 = vector.load %arg2[%get3A_74, %get3A_75, %get3A_76] : memref<1x4096x3xf32, #tpu.memory_space<vmem>>, vector<1x128x3xf32>
    %get3A_78 = vector.shape_cast %get3A_77 : vector<1x128x3xf32> to vector<128x3xf32>
    %mul3A_79 = arith.mulf %get3A_78, %get3A_78 : vector<128x3xf32>
    %reduce_sum3A_80 = arith.constant dense<0.000000e+00> : vector<128xf32>
    %reduce_sum3A_81 = vector.multi_reduction <add>, %mul3A_79, %reduce_sum3A_80 [1] : vector<128x3xf32> to vector<128xf32>
    %broadcast_in_dim3A_82 = vector.shape_cast %reduce_sum3A_81 : vector<128xf32> to vector<128x1xf32>
    %dot_general3A_83 = arith.constant dense<0.000000e+00> : vector<128x128xf32>
    %dot_general3A_84 = tpu.matmul %get3A_78, %get3A_3, %dot_general3A_83 {dimension_numbers = #tpu.dot_dimension_numbers<[1], [0], [0], [1], [0, 0, 1, 1], [], []>, transpose_lhs_hint = false} : vector<128x3xf32>, vector<3x128xf32>, vector<128x128xf32> -> vector<128x128xf32>
    %mul3A_85 = arith.constant 2.000000e+00 : f32
    %mul3A_86 = vector.broadcast %mul3A_85 : f32 to vector<128x128xf32>
    %mul3A_87 = arith.mulf %mul3A_86, %dot_general3A_84 : vector<128x128xf32>
    %sub3A_88 = vector.broadcast %broadcast_in_dim3A_82 : vector<128x1xf32> to vector<128x128xf32>
    %sub3A_89 = arith.subf %sub3A_88, %mul3A_87 : vector<128x128xf32>
    %swap3A_90 = arith.constant 512 : index
    %swap3A_91 = arith.constant 0 : index
    %swap3A_92 = vector.load %arg5[%swap3A_90, %swap3A_91] : memref<4096x128xf32, #tpu.memory_space<vmem>>, vector<128x128xf32>
    tpu.vector_store %arg5[%swap3A_90, %swap3A_91], %sub3A_89 {strides = array<i32>} : memref<4096x128xf32, #tpu.memory_space<vmem>>, vector<128x128xf32>,
    %get3A_93 = arith.constant 0 : index
    %get3A_94 = arith.constant 640 : index
    %get3A_95 = arith.constant 0 : index
    %get3A_96 = vector.load %arg2[%get3A_93, %get3A_94, %get3A_95] : memref<1x4096x3xf32, #tpu.memory_space<vmem>>, vector<1x128x3xf32>
    %get3A_97 = vector.shape_cast %get3A_96 : vector<1x128x3xf32> to vector<128x3xf32>
    %mul3A_98 = arith.mulf %get3A_97, %get3A_97 : vector<128x3xf32>
    %reduce_sum3A_99 = arith.constant dense<0.000000e+00> : vector<128xf32>
    %reduce_sum3A_100 = vector.multi_reduction <add>, %mul3A_98, %reduce_sum3A_99 [1] : vector<128x3xf32> to vector<128xf32>
    %broadcast_in_dim3A_101 = vector.shape_cast %reduce_sum3A_100 : vector<128xf32> to vector<128x1xf32>
    %dot_general3A_102 = arith.constant dense<0.000000e+00> : vector<128x128xf32>
    %dot_general3A_103 = tpu.matmul %get3A_97, %get3A_3, %dot_general3A_102 {dimension_numbers = #tpu.dot_dimension_numbers<[1], [0], [0], [1], [0, 0, 1, 1], [], []>, transpose_lhs_hint = false} : vector<128x3xf32>, vector<3x128xf32>, vector<128x128xf32> -> vector<128x128xf32>
    %mul3A_104 = arith.constant 2.000000e+00 : f32
    %mul3A_105 = vector.broadcast %mul3A_104 : f32 to vector<128x128xf32>
    %mul3A_106 = arith.mulf %mul3A_105, %dot_general3A_103 : vector<128x128xf32>
    %sub3A_107 = vector.broadcast %broadcast_in_dim3A_101 : vector<128x1xf32> to vector<128x128xf32>
    %sub3A_108 = arith.subf %sub3A_107, %mul3A_106 : vector<128x128xf32>
    %swap3A_109 = arith.constant 640 : index
    %swap3A_110 = arith.constant 0 : index
    %swap3A_111 = vector.load %arg5[%swap3A_109, %swap3A_110] : memref<4096x128xf32, #tpu.memory_space<vmem>>, vector<128x128xf32>
    tpu.vector_store %arg5[%swap3A_109, %swap3A_110], %sub3A_108 {strides = array<i32>} : memref<4096x128xf32, #tpu.memory_space<vmem>>, vector<128x128xf32>,
    %get3A_112 = arith.constant 0 : index
    %get3A_113 = arith.constant 768 : index
    %get3A_114 = arith.constant 0 : index
    %get3A_115 = vector.load %arg2[%get3A_112, %get3A_113, %get3A_114] : memref<1x4096x3xf32, #tpu.memory_space<vmem>>, vector<1x128x3xf32>
    %get3A_116 = vector.shape_cast %get3A_115 : vector<1x128x3xf32> to vector<128x3xf32>
    %mul3A_117 = arith.mulf %get3A_116, %get3A_116 : vector<128x3xf32>
    %reduce_sum3A_118 = arith.constant dense<0.000000e+00> : vector<128xf32>
    %reduce_sum3A_119 = vector.multi_reduction <add>, %mul3A_117, %reduce_sum3A_118 [1] : vector<128x3xf32> to vector<128xf32>
    %broadcast_in_dim3A_120 = vector.shape_cast %reduce_sum3A_119 : vector<128xf32> to vector<128x1xf32>
    %dot_general3A_121 = arith.constant dense<0.000000e+00> : vector<128x128xf32>
    %dot_general3A_122 = tpu.matmul %get3A_116, %get3A_3, %dot_general3A_121 {dimension_numbers = #tpu.dot_dimension_numbers<[1], [0], [0], [1], [0, 0, 1, 1], [], []>, transpose_lhs_hint = false} : vector<128x3xf32>, vector<3x128xf32>, vector<128x128xf32> -> vector<128x128xf32>
    %mul3A_123 = arith.constant 2.000000e+00 : f32
    %mul3A_124 = vector.broadcast %mul3A_123 : f32 to vector<128x128xf32>
    %mul3A_125 = arith.mulf %mul3A_124, %dot_general3A_122 : vector<128x128xf32>
    %sub3A_126 = vector.broadcast %broadcast_in_dim3A_120 : vector<128x1xf32> to vector<128x128xf32>
    %sub3A_127 = arith.subf %sub3A_126, %mul3A_125 : vector<128x128xf32>
    %swap3A_128 = arith.constant 768 : index
    %swap3A_129 = arith.constant 0 : index
    %swap3A_130 = vector.load %arg5[%swap3A_128, %swap3A_129] : memref<4096x128xf32, #tpu.memory_space<vmem>>, vector<128x128xf32>
    tpu.vector_store %arg5[%swap3A_128, %swap3A_129], %sub3A_127 {strides = array<i32>} : memref<4096x128xf32, #tpu.memory_space<vmem>>, vector<128x128xf32>,
    %get3A_131 = arith.constant 0 : index
    %get3A_132 = arith.constant 896 : index
    %get3A_133 = arith.constant 0 : index
    %get3A_134 = vector.load %arg2[%get3A_131, %get3A_132, %get3A_133] : memref<1x4096x3xf32, #tpu.memory_space<vmem>>, vector<1x128x3xf32>
    %get3A_135 = vector.shape_cast %get3A_134 : vector<1x128x3xf32> to vector<128x3xf32>
    %mul3A_136 = arith.mulf %get3A_135, %get3A_135 : vector<128x3xf32>
    %reduce_sum3A_137 = arith.constant dense<0.000000e+00> : vector<128xf32>
    %reduce_sum3A_138 = vector.multi_reduction <add>, %mul3A_136, %reduce_sum3A_137 [1] : vector<128x3xf32> to vector<128xf32>
    %broadcast_in_dim3A_139 = vector.shape_cast %reduce_sum3A_138 : vector<128xf32> to vector<128x1xf32>
    %dot_general3A_140 = arith.constant dense<0.000000e+00> : vector<128x128xf32>
    %dot_general3A_141 = tpu.matmul %get3A_135, %get3A_3, %dot_general3A_140 {dimension_numbers = #tpu.dot_dimension_numbers<[1], [0], [0], [1], [0, 0, 1, 1], [], []>, transpose_lhs_hint = false} : vector<128x3xf32>, vector<3x128xf32>, vector<128x128xf32> -> vector<128x128xf32>
    %mul3A_142 = arith.constant 2.000000e+00 : f32
    %mul3A_143 = vector.broadcast %mul3A_142 : f32 to vector<128x128xf32>
    %mul3A_144 = arith.mulf %mul3A_143, %dot_general3A_141 : vector<128x128xf32>
    %sub3A_145 = vector.broadcast %broadcast_in_dim3A_139 : vector<128x1xf32> to vector<128x128xf32>
    %sub3A_146 = arith.subf %sub3A_145, %mul3A_144 : vector<128x128xf32>
    %swap3A_147 = arith.constant 896 : index
    %swap3A_148 = arith.constant 0 : index
    %swap3A_149 = vector.load %arg5[%swap3A_147, %swap3A_148] : memref<4096x128xf32, #tpu.memory_space<vmem>>, vector<128x128xf32>
    tpu.vector_store %arg5[%swap3A_147, %swap3A_148], %sub3A_146 {strides = array<i32>} : memref<4096x128xf32, #tpu.memory_space<vmem>>, vector<128x128xf32>,
    %get3A_150 = arith.constant 0 : index
    %get3A_151 = arith.constant 1024 : index
    %get3A_152 = arith.constant 0 : index
    %get3A_153 = vector.load %arg2[%get3A_150, %get3A_151, %get3A_152] : memref<1x4096x3xf32, #tpu.memory_space<vmem>>, vector<1x128x3xf32>
    %get3A_154 = vector.shape_cast %get3A_153 : vector<1x128x3xf32> to vector<128x3xf32>
    %mul3A_155 = arith.mulf %get3A_154, %get3A_154 : vector<128x3xf32>
    %reduce_sum3A_156 = arith.constant dense<0.000000e+00> : vector<128xf32>
    %reduce_sum3A_157 = vector.multi_reduction <add>, %mul3A_155, %reduce_sum3A_156 [1] : vector<128x3xf32> to vector<128xf32>
    %broadcast_in_dim3A_158 = vector.shape_cast %reduce_sum3A_157 : vector<128xf32> to vector<128x1xf32>
    %dot_general3A_159 = arith.constant dense<0.000000e+00> : vector<128x128xf32>
    %dot_general3A_160 = tpu.matmul %get3A_154, %get3A_3, %dot_general3A_159 {dimension_numbers = #tpu.dot_dimension_numbers<[1], [0], [0], [1], [0, 0, 1, 1], [], []>, transpose_lhs_hint = false} : vector<128x3xf32>, vector<3x128xf32>, vector<128x128xf32> -> vector<128x128xf32>
    %mul3A_161 = arith.constant 2.000000e+00 : f32
    %mul3A_162 = vector.broadcast %mul3A_161 : f32 to vector<128x128xf32>
    %mul3A_163 = arith.mulf %mul3A_162, %dot_general3A_160 : vector<128x128xf32>
    %sub3A_164 = vector.broadcast %broadcast_in_dim3A_158 : vector<128x1xf32> to vector<128x128xf32>
    %sub3A_165 = arith.subf %sub3A_164, %mul3A_163 : vector<128x128xf32>
    %swap3A_166 = arith.constant 1024 : index
    %swap3A_167 = arith.constant 0 : index
    %swap3A_168 = vector.load %arg5[%swap3A_166, %swap3A_167] : memref<4096x128xf32, #tpu.memory_space<vmem>>, vector<128x128xf32>
    tpu.vector_store %arg5[%swap3A_166, %swap3A_167], %sub3A_165 {strides = array<i32>} : memref<4096x128xf32, #tpu.memory_space<vmem>>, vector<128x128xf32>,
    %get3A_169 = arith.constant 0 : index
    %get3A_170 = arith.constant 1152 : index
    %get3A_171 = arith.constant 0 : index
    %get3A_172 = vector.load %arg2[%get3A_169, %get3A_170, %get3A_171] : memref<1x4096x3xf32, #tpu.memory_space<vmem>>, vector<1x128x3xf32>
    %get3A_173 = vector.shape_cast %get3A_172 : vector<1x128x3xf32> to vector<128x3xf32>
    %mul3A_174 = arith.mulf %get3A_173, %get3A_173 : vector<128x3xf32>
    %reduce_sum3A_175 = arith.constant dense<0.000000e+00> : vector<128xf32>
    %reduce_sum3A_176 = vector.multi_reduction <add>, %mul3A_174, %reduce_sum3A_175 [1] : vector<128x3xf32> to vector<128xf32>
    %broadcast_in_dim3A_177 = vector.shape_cast %reduce_sum3A_176 : vector<128xf32> to vector<128x1xf32>
    %dot_general3A_178 = arith.constant dense<0.000000e+00> : vector<128x128xf32>
    %dot_general3A_179 = tpu.matmul %get3A_173, %get3A_3, %dot_general3A_178 {dimension_numbers = #tpu.dot_dimension_numbers<[1], [0], [0], [1], [0, 0, 1, 1], [], []>, transpose_lhs_hint = false} : vector<128x3xf32>, vector<3x128xf32>, vector<128x128xf32> -> vector<128x128xf32>
    %mul3A_180 = arith.constant 2.000000e+00 : f32
    %mul3A_181 = vector.broadcast %mul3A_180 : f32 to vector<128x128xf32>
    %mul3A_182 = arith.mulf %mul3A_181, %dot_general3A_179 : vector<128x128xf32>
    %sub3A_183 = vector.broadcast %broadcast_in_dim3A_177 : vector<128x1xf32> to vector<128x128xf32>
    %sub3A_184 = arith.subf %sub3A_183, %mul3A_182 : vector<128x128xf32>
    %swap3A_185 = arith.constant 1152 : index
    %swap3A_186 = arith.constant 0 : index
    %swap3A_187 = vector.load %arg5[%swap3A_185, %swap3A_186] : memref<4096x128xf32, #tpu.memory_space<vmem>>, vector<128x128xf32>
    tpu.vector_store %arg5[%swap3A_185, %swap3A_186], %sub3A_184 {strides = array<i32>} : memref<4096x128xf32, #tpu.memory_space<vmem>>, vector<128x128xf32>,
    %get3A_188 = arith.constant 0 : index
    %get3A_189 = arith.constant 1280 : index
    %get3A_190 = arith.constant 0 : index
    %get3A_191 = vector.load %arg2[%get3A_188, %get3A_189, %get3A_190] : memref<1x4096x3xf32, #tpu.memory_space<vmem>>, vector<1x128x3xf32>
    %get3A_192 = vector.shape_cast %get3A_191 : vector<1x128x3xf32> to vector<128x3xf32>
    %mul3A_193 = arith.mulf %get3A_192, %get3A_192 : vector<128x3xf32>
    %reduce_sum3A_194 = arith.constant dense<0.000000e+00> : vector<128xf32>
    %reduce_sum3A_195 = vector.multi_reduction <add>, %mul3A_193, %reduce_sum3A_194 [1] : vector<128x3xf32> to vector<128xf32>
    %broadcast_in_dim3A_196 = vector.shape_cast %reduce_sum3A_195 : vector<128xf32> to vector<128x1xf32>
    %dot_general3A_197 = arith.constant dense<0.000000e+00> : vector<128x128xf32>
    %dot_general3A_198 = tpu.matmul %get3A_192, %get3A_3, %dot_general3A_197 {dimension_numbers = #tpu.dot_dimension_numbers<[1], [0], [0], [1], [0, 0, 1, 1], [], []>, transpose_lhs_hint = false} : vector<128x3xf32>, vector<3x128xf32>, vector<128x128xf32> -> vector<128x128xf32>
    %mul3A_199 = arith.constant 2.000000e+00 : f32
    %mul3A_200 = vector.broadcast %mul3A_199 : f32 to vector<128x128xf32>
    %mul3A_201 = arith.mulf %mul3A_200, %dot_general3A_198 : vector<128x128xf32>
    %sub3A_202 = vector.broadcast %broadcast_in_dim3A_196 : vector<128x1xf32> to vector<128x128xf32>
    %sub3A_203 = arith.subf %sub3A_202, %mul3A_201 : vector<128x128xf32>
    %swap3A_204 = arith.constant 1280 : index
    %swap3A_205 = arith.constant 0 : index
    %swap3A_206 = vector.load %arg5[%swap3A_204, %swap3A_205] : memref<4096x128xf32, #tpu.memory_space<vmem>>, vector<128x128xf32>
    tpu.vector_store %arg5[%swap3A_204, %swap3A_205], %sub3A_203 {strides = array<i32>} : memref<4096x128xf32, #tpu.memory_space<vmem>>, vector<128x128xf32>,
    %get3A_207 = arith.constant 0 : index
    %get3A_208 = arith.constant 1408 : index
    %get3A_209 = arith.constant 0 : index
    %get3A_210 = vector.load %arg2[%get3A_207, %get3A_208, %get3A_209] : memref<1x4096x3xf32, #tpu.memory_space<vmem>>, vector<1x128x3xf32>
    %get3A_211 = vector.shape_cast %get3A_210 : vector<1x128x3xf32> to vector<128x3xf32>
    %mul3A_212 = arith.mulf %get3A_211, %get3A_211 : vector<128x3xf32>
    %reduce_sum3A_213 = arith.constant dense<0.000000e+00> : vector<128xf32>
    %reduce_sum3A_214 = vector.multi_reduction <add>, %mul3A_212, %reduce_sum3A_213 [1] : vector<128x3xf32> to vector<128xf32>
    %broadcast_in_dim3A_215 = vector.shape_cast %reduce_sum3A_214 : vector<128xf32> to vector<128x1xf32>
    %dot_general3A_216 = arith.constant dense<0.000000e+00> : vector<128x128xf32>
    %dot_general3A_217 = tpu.matmul %get3A_211, %get3A_3, %dot_general3A_216 {dimension_numbers = #tpu.dot_dimension_numbers<[1], [0], [0], [1], [0, 0, 1, 1], [], []>, transpose_lhs_hint = false} : vector<128x3xf32>, vector<3x128xf32>, vector<128x128xf32> -> vector<128x128xf32>
    %mul3A_218 = arith.constant 2.000000e+00 : f32
    %mul3A_219 = vector.broadcast %mul3A_218 : f32 to vector<128x128xf32>
    %mul3A_220 = arith.mulf %mul3A_219, %dot_general3A_217 : vector<128x128xf32>
    %sub3A_221 = vector.broadcast %broadcast_in_dim3A_215 : vector<128x1xf32> to vector<128x128xf32>
    %sub3A_222 = arith.subf %sub3A_221, %mul3A_220 : vector<128x128xf32>
    %swap3A_223 = arith.constant 1408 : index
    %swap3A_224 = arith.constant 0 : index
    %swap3A_225 = vector.load %arg5[%swap3A_223, %swap3A_224] : memref<4096x128xf32, #tpu.memory_space<vmem>>, vector<128x128xf32>
    tpu.vector_store %arg5[%swap3A_223, %swap3A_224], %sub3A_222 {strides = array<i32>} : memref<4096x128xf32, #tpu.memory_space<vmem>>, vector<128x128xf32>,
    %get3A_226 = arith.constant 0 : index
    %get3A_227 = arith.constant 1536 : index
    %get3A_228 = arith.constant 0 : index
    %get3A_229 = vector.load %arg2[%get3A_226, %get3A_227, %get3A_228] : memref<1x4096x3xf32, #tpu.memory_space<vmem>>, vector<1x128x3xf32>
    %get3A_230 = vector.shape_cast %get3A_229 : vector<1x128x3xf32> to vector<128x3xf32>
    %mul3A_231 = arith.mulf %get3A_230, %get3A_230 : vector<128x3xf32>
    %reduce_sum3A_232 = arith.constant dense<0.000000e+00> : vector<128xf32>
    %reduce_sum3A_233 = vector.multi_reduction <add>, %mul3A_231, %reduce_sum3A_232 [1] : vector<128x3xf32> to vector<128xf32>
    %broadcast_in_dim3A_234 = vector.shape_cast %reduce_sum3A_233 : vector<128xf32> to vector<128x1xf32>
    %dot_general3A_235 = arith.constant dense<0.000000e+00> : vector<128x128xf32>
    %dot_general3A_236 = tpu.matmul %get3A_230, %get3A_3, %dot_general3A_235 {dimension_numbers = #tpu.dot_dimension_numbers<[1], [0], [0], [1], [0, 0, 1, 1], [], []>, transpose_lhs_hint = false} : vector<128x3xf32>, vector<3x128xf32>, vector<128x128xf32> -> vector<128x128xf32>
    %mul3A_237 = arith.constant 2.000000e+00 : f32
    %mul3A_238 = vector.broadcast %mul3A_237 : f32 to vector<128x128xf32>
    %mul3A_239 = arith.mulf %mul3A_238, %dot_general3A_236 : vector<128x128xf32>
    %sub3A_240 = vector.broadcast %broadcast_in_dim3A_234 : vector<128x1xf32> to vector<128x128xf32>
    %sub3A_241 = arith.subf %sub3A_240, %mul3A_239 : vector<128x128xf32>
    %swap3A_242 = arith.constant 1536 : index
    %swap3A_243 = arith.constant 0 : index
    %swap3A_244 = vector.load %arg5[%swap3A_242, %swap3A_243] : memref<4096x128xf32, #tpu.memory_space<vmem>>, vector<128x128xf32>
    tpu.vector_store %arg5[%swap3A_242, %swap3A_243], %sub3A_241 {strides = array<i32>} : memref<4096x128xf32, #tpu.memory_space<vmem>>, vector<128x128xf32>,
    %get3A_245 = arith.constant 0 : index
    %get3A_246 = arith.constant 1664 : index
    %get3A_247 = arith.constant 0 : index
    %get3A_248 = vector.load %arg2[%get3A_245, %get3A_246, %get3A_247] : memref<1x4096x3xf32, #tpu.memory_space<vmem>>, vector<1x128x3xf32>
    %get3A_249 = vector.shape_cast %get3A_248 : vector<1x128x3xf32> to vector<128x3xf32>
    %mul3A_250 = arith.mulf %get3A_249, %get3A_249 : vector<128x3xf32>
    %reduce_sum3A_251 = arith.constant dense<0.000000e+00> : vector<128xf32>
    %reduce_sum3A_252 = vector.multi_reduction <add>, %mul3A_250, %reduce_sum3A_251 [1] : vector<128x3xf32> to vector<128xf32>
    %broadcast_in_dim3A_253 = vector.shape_cast %reduce_sum3A_252 : vector<128xf32> to vector<128x1xf32>
    %dot_general3A_254 = arith.constant dense<0.000000e+00> : vector<128x128xf32>
    %dot_general3A_255 = tpu.matmul %get3A_249, %get3A_3, %dot_general3A_254 {dimension_numbers = #tpu.dot_dimension_numbers<[1], [0], [0], [1], [0, 0, 1, 1], [], []>, transpose_lhs_hint = false} : vector<128x3xf32>, vector<3x128xf32>, vector<128x128xf32> -> vector<128x128xf32>
    %mul3A_256 = arith.constant 2.000000e+00 : f32
    %mul3A_257 = vector.broadcast %mul3A_256 : f32 to vector<128x128xf32>
    %mul3A_258 = arith.mulf %mul3A_257, %dot_general3A_255 : vector<128x128xf32>
    %sub3A_259 = vector.broadcast %broadcast_in_dim3A_253 : vector<128x1xf32> to vector<128x128xf32>
    %sub3A_260 = arith.subf %sub3A_259, %mul3A_258 : vector<128x128xf32>
    %swap3A_261 = arith.constant 1664 : index
    %swap3A_262 = arith.constant 0 : index
    %swap3A_263 = vector.load %arg5[%swap3A_261, %swap3A_262] : memref<4096x128xf32, #tpu.memory_space<vmem>>, vector<128x128xf32>
    tpu.vector_store %arg5[%swap3A_261, %swap3A_262], %sub3A_260 {strides = array<i32>} : memref<4096x128xf32, #tpu.memory_space<vmem>>, vector<128x128xf32>,
    %get3A_264 = arith.constant 0 : index
    %get3A_265 = arith.constant 1792 : index
    %get3A_266 = arith.constant 0 : index
    %get3A_267 = vector.load %arg2[%get3A_264, %get3A_265, %get3A_266] : memref<1x4096x3xf32, #tpu.memory_space<vmem>>, vector<1x128x3xf32>
    %get3A_268 = vector.shape_cast %get3A_267 : vector<1x128x3xf32> to vector<128x3xf32>
    %mul3A_269 = arith.mulf %get3A_268, %get3A_268 : vector<128x3xf32>
    %reduce_sum3A_270 = arith.constant dense<0.000000e+00> : vector<128xf32>
    %reduce_sum3A_271 = vector.multi_reduction <add>, %mul3A_269, %reduce_sum3A_270 [1] : vector<128x3xf32> to vector<128xf32>
    %broadcast_in_dim3A_272 = vector.shape_cast %reduce_sum3A_271 : vector<128xf32> to vector<128x1xf32>
    %dot_general3A_273 = arith.constant dense<0.000000e+00> : vector<128x128xf32>
    %dot_general3A_274 = tpu.matmul %get3A_268, %get3A_3, %dot_general3A_273 {dimension_numbers = #tpu.dot_dimension_numbers<[1], [0], [0], [1], [0, 0, 1, 1], [], []>, transpose_lhs_hint = false} : vector<128x3xf32>, vector<3x128xf32>, vector<128x128xf32> -> vector<128x128xf32>
    %mul3A_275 = arith.constant 2.000000e+00 : f32
    %mul3A_276 = vector.broadcast %mul3A_275 : f32 to vector<128x128xf32>
    %mul3A_277 = arith.mulf %mul3A_276, %dot_general3A_274 : vector<128x128xf32>
    %sub3A_278 = vector.broadcast %broadcast_in_dim3A_272 : vector<128x1xf32> to vector<128x128xf32>
    %sub3A_279 = arith.subf %sub3A_278, %mul3A_277 : vector<128x128xf32>
    %swap3A_280 = arith.constant 1792 : index
    %swap3A_281 = arith.constant 0 : index
    %swap3A_282 = vector.load %arg5[%swap3A_280, %swap3A_281] : memref<4096x128xf32, #tpu.memory_space<vmem>>, vector<128x128xf32>
    tpu.vector_store %arg5[%swap3A_280, %swap3A_281], %sub3A_279 {strides = array<i32>} : memref<4096x128xf32, #tpu.memory_space<vmem>>, vector<128x128xf32>,
    %get3A_283 = arith.constant 0 : index
    %get3A_284 = arith.constant 1920 : index
    %get3A_285 = arith.constant 0 : index
    %get3A_286 = vector.load %arg2[%get3A_283, %get3A_284, %get3A_285] : memref<1x4096x3xf32, #tpu.memory_space<vmem>>, vector<1x128x3xf32>
    %get3A_287 = vector.shape_cast %get3A_286 : vector<1x128x3xf32> to vector<128x3xf32>
    %mul3A_288 = arith.mulf %get3A_287, %get3A_287 : vector<128x3xf32>
    %reduce_sum3A_289 = arith.constant dense<0.000000e+00> : vector<128xf32>
    %reduce_sum3A_290 = vector.multi_reduction <add>, %mul3A_288, %reduce_sum3A_289 [1] : vector<128x3xf32> to vector<128xf32>
    %broadcast_in_dim3A_291 = vector.shape_cast %reduce_sum3A_290 : vector<128xf32> to vector<128x1xf32>
    %dot_general3A_292 = arith.constant dense<0.000000e+00> : vector<128x128xf32>
    %dot_general3A_293 = tpu.matmul %get3A_287, %get3A_3, %dot_general3A_292 {dimension_numbers = #tpu.dot_dimension_numbers<[1], [0], [0], [1], [0, 0, 1, 1], [], []>, transpose_lhs_hint = false} : vector<128x3xf32>, vector<3x128xf32>, vector<128x128xf32> -> vector<128x128xf32>
    %mul3A_294 = arith.constant 2.000000e+00 : f32
    %mul3A_295 = vector.broadcast %mul3A_294 : f32 to vector<128x128xf32>
    %mul3A_296 = arith.mulf %mul3A_295, %dot_general3A_293 : vector<128x128xf32>
    %sub3A_297 = vector.broadcast %broadcast_in_dim3A_291 : vector<128x1xf32> to vector<128x128xf32>
    %sub3A_298 = arith.subf %sub3A_297, %mul3A_296 : vector<128x128xf32>
    %swap3A_299 = arith.constant 1920 : index
    %swap3A_300 = arith.constant 0 : index
    %swap3A_301 = vector.load %arg5[%swap3A_299, %swap3A_300] : memref<4096x128xf32, #tpu.memory_space<vmem>>, vector<128x128xf32>
    tpu.vector_store %arg5[%swap3A_299, %swap3A_300], %sub3A_298 {strides = array<i32>} : memref<4096x128xf32, #tpu.memory_space<vmem>>, vector<128x128xf32>,
    %get3A_302 = arith.constant 0 : index
    %get3A_303 = arith.constant 2048 : index
    %get3A_304 = arith.constant 0 : index
    %get3A_305 = vector.load %arg2[%get3A_302, %get3A_303, %get3A_304] : memref<1x4096x3xf32, #tpu.memory_space<vmem>>, vector<1x128x3xf32>
    %get3A_306 = vector.shape_cast %get3A_305 : vector<1x128x3xf32> to vector<128x3xf32>
    %mul3A_307 = arith.mulf %get3A_306, %get3A_306 : vector<128x3xf32>
    %reduce_sum3A_308 = arith.constant dense<0.000000e+00> : vector<128xf32>
    %reduce_sum3A_309 = vector.multi_reduction <add>, %mul3A_307, %reduce_sum3A_308 [1] : vector<128x3xf32> to vector<128xf32>
    %broadcast_in_dim3A_310 = vector.shape_cast %reduce_sum3A_309 : vector<128xf32> to vector<128x1xf32>
    %dot_general3A_311 = arith.constant dense<0.000000e+00> : vector<128x128xf32>
    %dot_general3A_312 = tpu.matmul %get3A_306, %get3A_3, %dot_general3A_311 {dimension_numbers = #tpu.dot_dimension_numbers<[1], [0], [0], [1], [0, 0, 1, 1], [], []>, transpose_lhs_hint = false} : vector<128x3xf32>, vector<3x128xf32>, vector<128x128xf32> -> vector<128x128xf32>
    %mul3A_313 = arith.constant 2.000000e+00 : f32
    %mul3A_314 = vector.broadcast %mul3A_313 : f32 to vector<128x128xf32>
    %mul3A_315 = arith.mulf %mul3A_314, %dot_general3A_312 : vector<128x128xf32>
    %sub3A_316 = vector.broadcast %broadcast_in_dim3A_310 : vector<128x1xf32> to vector<128x128xf32>
    %sub3A_317 = arith.subf %sub3A_316, %mul3A_315 : vector<128x128xf32>
    %swap3A_318 = arith.constant 2048 : index
    %swap3A_319 = arith.constant 0 : index
    %swap3A_320 = vector.load %arg5[%swap3A_318, %swap3A_319] : memref<4096x128xf32, #tpu.memory_space<vmem>>, vector<128x128xf32>
    tpu.vector_store %arg5[%swap3A_318, %swap3A_319], %sub3A_317 {strides = array<i32>} : memref<4096x128xf32, #tpu.memory_space<vmem>>, vector<128x128xf32>,
    %get3A_321 = arith.constant 0 : index
    %get3A_322 = arith.constant 2176 : index
    %get3A_323 = arith.constant 0 : index
    %get3A_324 = vector.load %arg2[%get3A_321, %get3A_322, %get3A_323] : memref<1x4096x3xf32, #tpu.memory_space<vmem>>, vector<1x128x3xf32>
    %get3A_325 = vector.shape_cast %get3A_324 : vector<1x128x3xf32> to vector<128x3xf32>
    %mul3A_326 = arith.mulf %get3A_325, %get3A_325 : vector<128x3xf32>
    %reduce_sum3A_327 = arith.constant dense<0.000000e+00> : vector<128xf32>
    %reduce_sum3A_328 = vector.multi_reduction <add>, %mul3A_326, %reduce_sum3A_327 [1] : vector<128x3xf32> to vector<128xf32>
    %broadcast_in_dim3A_329 = vector.shape_cast %reduce_sum3A_328 : vector<128xf32> to vector<128x1xf32>
    %dot_general3A_330 = arith.constant dense<0.000000e+00> : vector<128x128xf32>
    %dot_general3A_331 = tpu.matmul %get3A_325, %get3A_3, %dot_general3A_330 {dimension_numbers = #tpu.dot_dimension_numbers<[1], [0], [0], [1], [0, 0, 1, 1], [], []>, transpose_lhs_hint = false} : vector<128x3xf32>, vector<3x128xf32>, vector<128x128xf32> -> vector<128x128xf32>
    %mul3A_332 = arith.constant 2.000000e+00 : f32
    %mul3A_333 = vector.broadcast %mul3A_332 : f32 to vector<128x128xf32>
    %mul3A_334 = arith.mulf %mul3A_333, %dot_general3A_331 : vector<128x128xf32>
    %sub3A_335 = vector.broadcast %broadcast_in_dim3A_329 : vector<128x1xf32> to vector<128x128xf32>
    %sub3A_336 = arith.subf %sub3A_335, %mul3A_334 : vector<128x128xf32>
    %swap3A_337 = arith.constant 2176 : index
    %swap3A_338 = arith.constant 0 : index
    %swap3A_339 = vector.load %arg5[%swap3A_337, %swap3A_338] : memref<4096x128xf32, #tpu.memory_space<vmem>>, vector<128x128xf32>
    tpu.vector_store %arg5[%swap3A_337, %swap3A_338], %sub3A_336 {strides = array<i32>} : memref<4096x128xf32, #tpu.memory_space<vmem>>, vector<128x128xf32>,
    %get3A_340 = arith.constant 0 : index
    %get3A_341 = arith.constant 2304 : index
    %get3A_342 = arith.constant 0 : index
    %get3A_343 = vector.load %arg2[%get3A_340, %get3A_341, %get3A_342] : memref<1x4096x3xf32, #tpu.memory_space<vmem>>, vector<1x128x3xf32>
    %get3A_344 = vector.shape_cast %get3A_343 : vector<1x128x3xf32> to vector<128x3xf32>
    %mul3A_345 = arith.mulf %get3A_344, %get3A_344 : vector<128x3xf32>
    %reduce_sum3A_346 = arith.constant dense<0.000000e+00> : vector<128xf32>
    %reduce_sum3A_347 = vector.multi_reduction <add>, %mul3A_345, %reduce_sum3A_346 [1] : vector<128x3xf32> to vector<128xf32>
    %broadcast_in_dim3A_348 = vector.shape_cast %reduce_sum3A_347 : vector<128xf32> to vector<128x1xf32>
    %dot_general3A_349 = arith.constant dense<0.000000e+00> : vector<128x128xf32>
    %dot_general3A_350 = tpu.matmul %get3A_344, %get3A_3, %dot_general3A_349 {dimension_numbers = #tpu.dot_dimension_numbers<[1], [0], [0], [1], [0, 0, 1, 1], [], []>, transpose_lhs_hint = false} : vector<128x3xf32>, vector<3x128xf32>, vector<128x128xf32> -> vector<128x128xf32>
    %mul3A_351 = arith.constant 2.000000e+00 : f32
    %mul3A_352 = vector.broadcast %mul3A_351 : f32 to vector<128x128xf32>
    %mul3A_353 = arith.mulf %mul3A_352, %dot_general3A_350 : vector<128x128xf32>
    %sub3A_354 = vector.broadcast %broadcast_in_dim3A_348 : vector<128x1xf32> to vector<128x128xf32>
    %sub3A_355 = arith.subf %sub3A_354, %mul3A_353 : vector<128x128xf32>
    %swap3A_356 = arith.constant 2304 : index
    %swap3A_357 = arith.constant 0 : index
    %swap3A_358 = vector.load %arg5[%swap3A_356, %swap3A_357] : memref<4096x128xf32, #tpu.memory_space<vmem>>, vector<128x128xf32>
    tpu.vector_store %arg5[%swap3A_356, %swap3A_357], %sub3A_355 {strides = array<i32>} : memref<4096x128xf32, #tpu.memory_space<vmem>>, vector<128x128xf32>,
    %get3A_359 = arith.constant 0 : index
    %get3A_360 = arith.constant 2432 : index
    %get3A_361 = arith.constant 0 : index
    %get3A_362 = vector.load %arg2[%get3A_359, %get3A_360, %get3A_361] : memref<1x4096x3xf32, #tpu.memory_space<vmem>>, vector<1x128x3xf32>
    %get3A_363 = vector.shape_cast %get3A_362 : vector<1x128x3xf32> to vector<128x3xf32>
    %mul3A_364 = arith.mulf %get3A_363, %get3A_363 : vector<128x3xf32>
    %reduce_sum3A_365 = arith.constant dense<0.000000e+00> : vector<128xf32>
    %reduce_sum3A_366 = vector.multi_reduction <add>, %mul3A_364, %reduce_sum3A_365 [1] : vector<128x3xf32> to vector<128xf32>
    %broadcast_in_dim3A_367 = vector.shape_cast %reduce_sum3A_366 : vector<128xf32> to vector<128x1xf32>
    %dot_general3A_368 = arith.constant dense<0.000000e+00> : vector<128x128xf32>
    %dot_general3A_369 = tpu.matmul %get3A_363, %get3A_3, %dot_general3A_368 {dimension_numbers = #tpu.dot_dimension_numbers<[1], [0], [0], [1], [0, 0, 1, 1], [], []>, transpose_lhs_hint = false} : vector<128x3xf32>, vector<3x128xf32>, vector<128x128xf32> -> vector<128x128xf32>
    %mul3A_370 = arith.constant 2.000000e+00 : f32
    %mul3A_371 = vector.broadcast %mul3A_370 : f32 to vector<128x128xf32>
    %mul3A_372 = arith.mulf %mul3A_371, %dot_general3A_369 : vector<128x128xf32>
    %sub3A_373 = vector.broadcast %broadcast_in_dim3A_367 : vector<128x1xf32> to vector<128x128xf32>
    %sub3A_374 = arith.subf %sub3A_373, %mul3A_372 : vector<128x128xf32>
    %swap3A_375 = arith.constant 2432 : index
    %swap3A_376 = arith.constant 0 : index
    %swap3A_377 = vector.load %arg5[%swap3A_375, %swap3A_376] : memref<4096x128xf32, #tpu.memory_space<vmem>>, vector<128x128xf32>
    tpu.vector_store %arg5[%swap3A_375, %swap3A_376], %sub3A_374 {strides = array<i32>} : memref<4096x128xf32, #tpu.memory_space<vmem>>, vector<128x128xf32>,
    %get3A_378 = arith.constant 0 : index
    %get3A_379 = arith.constant 2560 : index
    %get3A_380 = arith.constant 0 : index
    %get3A_381 = vector.load %arg2[%get3A_378, %get3A_379, %get3A_380] : memref<1x4096x3xf32, #tpu.memory_space<vmem>>, vector<1x128x3xf32>
    %get3A_382 = vector.shape_cast %get3A_381 : vector<1x128x3xf32> to vector<128x3xf32>
    %mul3A_383 = arith.mulf %get3A_382, %get3A_382 : vector<128x3xf32>
    %reduce_sum3A_384 = arith.constant dense<0.000000e+00> : vector<128xf32>
    %reduce_sum3A_385 = vector.multi_reduction <add>, %mul3A_383, %reduce_sum3A_384 [1] : vector<128x3xf32> to vector<128xf32>
    %broadcast_in_dim3A_386 = vector.shape_cast %reduce_sum3A_385 : vector<128xf32> to vector<128x1xf32>
    %dot_general3A_387 = arith.constant dense<0.000000e+00> : vector<128x128xf32>
    %dot_general3A_388 = tpu.matmul %get3A_382, %get3A_3, %dot_general3A_387 {dimension_numbers = #tpu.dot_dimension_numbers<[1], [0], [0], [1], [0, 0, 1, 1], [], []>, transpose_lhs_hint = false} : vector<128x3xf32>, vector<3x128xf32>, vector<128x128xf32> -> vector<128x128xf32>
    %mul3A_389 = arith.constant 2.000000e+00 : f32
    %mul3A_390 = vector.broadcast %mul3A_389 : f32 to vector<128x128xf32>
    %mul3A_391 = arith.mulf %mul3A_390, %dot_general3A_388 : vector<128x128xf32>
    %sub3A_392 = vector.broadcast %broadcast_in_dim3A_386 : vector<128x1xf32> to vector<128x128xf32>
    %sub3A_393 = arith.subf %sub3A_392, %mul3A_391 : vector<128x128xf32>
    %swap3A_394 = arith.constant 2560 : index
    %swap3A_395 = arith.constant 0 : index
    %swap3A_396 = vector.load %arg5[%swap3A_394, %swap3A_395] : memref<4096x128xf32, #tpu.memory_space<vmem>>, vector<128x128xf32>
    tpu.vector_store %arg5[%swap3A_394, %swap3A_395], %sub3A_393 {strides = array<i32>} : memref<4096x128xf32, #tpu.memory_space<vmem>>, vector<128x128xf32>,
    %get3A_397 = arith.constant 0 : index
    %get3A_398 = arith.constant 2688 : index
    %get3A_399 = arith.constant 0 : index
    %get3A_400 = vector.load %arg2[%get3A_397, %get3A_398, %get3A_399] : memref<1x4096x3xf32, #tpu.memory_space<vmem>>, vector<1x128x3xf32>
    %get3A_401 = vector.shape_cast %get3A_400 : vector<1x128x3xf32> to vector<128x3xf32>
    %mul3A_402 = arith.mulf %get3A_401, %get3A_401 : vector<128x3xf32>
    %reduce_sum3A_403 = arith.constant dense<0.000000e+00> : vector<128xf32>
    %reduce_sum3A_404 = vector.multi_reduction <add>, %mul3A_402, %reduce_sum3A_403 [1] : vector<128x3xf32> to vector<128xf32>
    %broadcast_in_dim3A_405 = vector.shape_cast %reduce_sum3A_404 : vector<128xf32> to vector<128x1xf32>
    %dot_general3A_406 = arith.constant dense<0.000000e+00> : vector<128x128xf32>
    %dot_general3A_407 = tpu.matmul %get3A_401, %get3A_3, %dot_general3A_406 {dimension_numbers = #tpu.dot_dimension_numbers<[1], [0], [0], [1], [0, 0, 1, 1], [], []>, transpose_lhs_hint = false} : vector<128x3xf32>, vector<3x128xf32>, vector<128x128xf32> -> vector<128x128xf32>
    %mul3A_408 = arith.constant 2.000000e+00 : f32
    %mul3A_409 = vector.broadcast %mul3A_408 : f32 to vector<128x128xf32>
    %mul3A_410 = arith.mulf %mul3A_409, %dot_general3A_407 : vector<128x128xf32>
    %sub3A_411 = vector.broadcast %broadcast_in_dim3A_405 : vector<128x1xf32> to vector<128x128xf32>
    %sub3A_412 = arith.subf %sub3A_411, %mul3A_410 : vector<128x128xf32>
    %swap3A_413 = arith.constant 2688 : index
    %swap3A_414 = arith.constant 0 : index
    %swap3A_415 = vector.load %arg5[%swap3A_413, %swap3A_414] : memref<4096x128xf32, #tpu.memory_space<vmem>>, vector<128x128xf32>
    tpu.vector_store %arg5[%swap3A_413, %swap3A_414], %sub3A_412 {strides = array<i32>} : memref<4096x128xf32, #tpu.memory_space<vmem>>, vector<128x128xf32>,
    %get3A_416 = arith.constant 0 : index
    %get3A_417 = arith.constant 2816 : index
    %get3A_418 = arith.constant 0 : index
    %get3A_419 = vector.load %arg2[%get3A_416, %get3A_417, %get3A_418] : memref<1x4096x3xf32, #tpu.memory_space<vmem>>, vector<1x128x3xf32>
    %get3A_420 = vector.shape_cast %get3A_419 : vector<1x128x3xf32> to vector<128x3xf32>
    %mul3A_421 = arith.mulf %get3A_420, %get3A_420 : vector<128x3xf32>
    %reduce_sum3A_422 = arith.constant dense<0.000000e+00> : vector<128xf32>
    %reduce_sum3A_423 = vector.multi_reduction <add>, %mul3A_421, %reduce_sum3A_422 [1] : vector<128x3xf32> to vector<128xf32>
    %broadcast_in_dim3A_424 = vector.shape_cast %reduce_sum3A_423 : vector<128xf32> to vector<128x1xf32>
    %dot_general3A_425 = arith.constant dense<0.000000e+00> : vector<128x128xf32>
    %dot_general3A_426 = tpu.matmul %get3A_420, %get3A_3, %dot_general3A_425 {dimension_numbers = #tpu.dot_dimension_numbers<[1], [0], [0], [1], [0, 0, 1, 1], [], []>, transpose_lhs_hint = false} : vector<128x3xf32>, vector<3x128xf32>, vector<128x128xf32> -> vector<128x128xf32>
    %mul3A_427 = arith.constant 2.000000e+00 : f32
    %mul3A_428 = vector.broadcast %mul3A_427 : f32 to vector<128x128xf32>
    %mul3A_429 = arith.mulf %mul3A_428, %dot_general3A_426 : vector<128x128xf32>
    %sub3A_430 = vector.broadcast %broadcast_in_dim3A_424 : vector<128x1xf32> to vector<128x128xf32>
    %sub3A_431 = arith.subf %sub3A_430, %mul3A_429 : vector<128x128xf32>
    %swap3A_432 = arith.constant 2816 : index
    %swap3A_433 = arith.constant 0 : index
    %swap3A_434 = vector.load %arg5[%swap3A_432, %swap3A_433] : memref<4096x128xf32, #tpu.memory_space<vmem>>, vector<128x128xf32>
    tpu.vector_store %arg5[%swap3A_432, %swap3A_433], %sub3A_431 {strides = array<i32>} : memref<4096x128xf32, #tpu.memory_space<vmem>>, vector<128x128xf32>,
    %get3A_435 = arith.constant 0 : index
    %get3A_436 = arith.constant 2944 : index
    %get3A_437 = arith.constant 0 : index
    %get3A_438 = vector.load %arg2[%get3A_435, %get3A_436, %get3A_437] : memref<1x4096x3xf32, #tpu.memory_space<vmem>>, vector<1x128x3xf32>
    %get3A_439 = vector.shape_cast %get3A_438 : vector<1x128x3xf32> to vector<128x3xf32>
    %mul3A_440 = arith.mulf %get3A_439, %get3A_439 : vector<128x3xf32>
    %reduce_sum3A_441 = arith.constant dense<0.000000e+00> : vector<128xf32>
    %reduce_sum3A_442 = vector.multi_reduction <add>, %mul3A_440, %reduce_sum3A_441 [1] : vector<128x3xf32> to vector<128xf32>
    %broadcast_in_dim3A_443 = vector.shape_cast %reduce_sum3A_442 : vector<128xf32> to vector<128x1xf32>
    %dot_general3A_444 = arith.constant dense<0.000000e+00> : vector<128x128xf32>
    %dot_general3A_445 = tpu.matmul %get3A_439, %get3A_3, %dot_general3A_444 {dimension_numbers = #tpu.dot_dimension_numbers<[1], [0], [0], [1], [0, 0, 1, 1], [], []>, transpose_lhs_hint = false} : vector<128x3xf32>, vector<3x128xf32>, vector<128x128xf32> -> vector<128x128xf32>
    %mul3A_446 = arith.constant 2.000000e+00 : f32
    %mul3A_447 = vector.broadcast %mul3A_446 : f32 to vector<128x128xf32>
    %mul3A_448 = arith.mulf %mul3A_447, %dot_general3A_445 : vector<128x128xf32>
    %sub3A_449 = vector.broadcast %broadcast_in_dim3A_443 : vector<128x1xf32> to vector<128x128xf32>
    %sub3A_450 = arith.subf %sub3A_449, %mul3A_448 : vector<128x128xf32>
    %swap3A_451 = arith.constant 2944 : index
    %swap3A_452 = arith.constant 0 : index
    %swap3A_453 = vector.load %arg5[%swap3A_451, %swap3A_452] : memref<4096x128xf32, #tpu.memory_space<vmem>>, vector<128x128xf32>
    tpu.vector_store %arg5[%swap3A_451, %swap3A_452], %sub3A_450 {strides = array<i32>} : memref<4096x128xf32, #tpu.memory_space<vmem>>, vector<128x128xf32>,
    %get3A_454 = arith.constant 0 : index
    %get3A_455 = arith.constant 3072 : index
    %get3A_456 = arith.constant 0 : index
    %get3A_457 = vector.load %arg2[%get3A_454, %get3A_455, %get3A_456] : memref<1x4096x3xf32, #tpu.memory_space<vmem>>, vector<1x128x3xf32>
    %get3A_458 = vector.shape_cast %get3A_457 : vector<1x128x3xf32> to vector<128x3xf32>
    %mul3A_459 = arith.mulf %get3A_458, %get3A_458 : vector<128x3xf32>
    %reduce_sum3A_460 = arith.constant dense<0.000000e+00> : vector<128xf32>
    %reduce_sum3A_461 = vector.multi_reduction <add>, %mul3A_459, %reduce_sum3A_460 [1] : vector<128x3xf32> to vector<128xf32>
    %broadcast_in_dim3A_462 = vector.shape_cast %reduce_sum3A_461 : vector<128xf32> to vector<128x1xf32>
    %dot_general3A_463 = arith.constant dense<0.000000e+00> : vector<128x128xf32>
    %dot_general3A_464 = tpu.matmul %get3A_458, %get3A_3, %dot_general3A_463 {dimension_numbers = #tpu.dot_dimension_numbers<[1], [0], [0], [1], [0, 0, 1, 1], [], []>, transpose_lhs_hint = false} : vector<128x3xf32>, vector<3x128xf32>, vector<128x128xf32> -> vector<128x128xf32>
    %mul3A_465 = arith.constant 2.000000e+00 : f32
    %mul3A_466 = vector.broadcast %mul3A_465 : f32 to vector<128x128xf32>
    %mul3A_467 = arith.mulf %mul3A_466, %dot_general3A_464 : vector<128x128xf32>
    %sub3A_468 = vector.broadcast %broadcast_in_dim3A_462 : vector<128x1xf32> to vector<128x128xf32>
    %sub3A_469 = arith.subf %sub3A_468, %mul3A_467 : vector<128x128xf32>
    %swap3A_470 = arith.constant 3072 : index
    %swap3A_471 = arith.constant 0 : index
    %swap3A_472 = vector.load %arg5[%swap3A_470, %swap3A_471] : memref<4096x128xf32, #tpu.memory_space<vmem>>, vector<128x128xf32>
    tpu.vector_store %arg5[%swap3A_470, %swap3A_471], %sub3A_469 {strides = array<i32>} : memref<4096x128xf32, #tpu.memory_space<vmem>>, vector<128x128xf32>,
    %get3A_473 = arith.constant 0 : index
    %get3A_474 = arith.constant 3200 : index
    %get3A_475 = arith.constant 0 : index
    %get3A_476 = vector.load %arg2[%get3A_473, %get3A_474, %get3A_475] : memref<1x4096x3xf32, #tpu.memory_space<vmem>>, vector<1x128x3xf32>
    %get3A_477 = vector.shape_cast %get3A_476 : vector<1x128x3xf32> to vector<128x3xf32>
    %mul3A_478 = arith.mulf %get3A_477, %get3A_477 : vector<128x3xf32>
    %reduce_sum3A_479 = arith.constant dense<0.000000e+00> : vector<128xf32>
    %reduce_sum3A_480 = vector.multi_reduction <add>, %mul3A_478, %reduce_sum3A_479 [1] : vector<128x3xf32> to vector<128xf32>
    %broadcast_in_dim3A_481 = vector.shape_cast %reduce_sum3A_480 : vector<128xf32> to vector<128x1xf32>
    %dot_general3A_482 = arith.constant dense<0.000000e+00> : vector<128x128xf32>
    %dot_general3A_483 = tpu.matmul %get3A_477, %get3A_3, %dot_general3A_482 {dimension_numbers = #tpu.dot_dimension_numbers<[1], [0], [0], [1], [0, 0, 1, 1], [], []>, transpose_lhs_hint = false} : vector<128x3xf32>, vector<3x128xf32>, vector<128x128xf32> -> vector<128x128xf32>
    %mul3A_484 = arith.constant 2.000000e+00 : f32
    %mul3A_485 = vector.broadcast %mul3A_484 : f32 to vector<128x128xf32>
    %mul3A_486 = arith.mulf %mul3A_485, %dot_general3A_483 : vector<128x128xf32>
    %sub3A_487 = vector.broadcast %broadcast_in_dim3A_481 : vector<128x1xf32> to vector<128x128xf32>
    %sub3A_488 = arith.subf %sub3A_487, %mul3A_486 : vector<128x128xf32>
    %swap3A_489 = arith.constant 3200 : index
    %swap3A_490 = arith.constant 0 : index
    %swap3A_491 = vector.load %arg5[%swap3A_489, %swap3A_490] : memref<4096x128xf32, #tpu.memory_space<vmem>>, vector<128x128xf32>
    tpu.vector_store %arg5[%swap3A_489, %swap3A_490], %sub3A_488 {strides = array<i32>} : memref<4096x128xf32, #tpu.memory_space<vmem>>, vector<128x128xf32>,
    %get3A_492 = arith.constant 0 : index
    %get3A_493 = arith.constant 3328 : index
    %get3A_494 = arith.constant 0 : index
    %get3A_495 = vector.load %arg2[%get3A_492, %get3A_493, %get3A_494] : memref<1x4096x3xf32, #tpu.memory_space<vmem>>, vector<1x128x3xf32>
    %get3A_496 = vector.shape_cast %get3A_495 : vector<1x128x3xf32> to vector<128x3xf32>
    %mul3A_497 = arith.mulf %get3A_496, %get3A_496 : vector<128x3xf32>
    %reduce_sum3A_498 = arith.constant dense<0.000000e+00> : vector<128xf32>
    %reduce_sum3A_499 = vector.multi_reduction <add>, %mul3A_497, %reduce_sum3A_498 [1] : vector<128x3xf32> to vector<128xf32>
    %broadcast_in_dim3A_500 = vector.shape_cast %reduce_sum3A_499 : vector<128xf32> to vector<128x1xf32>
    %dot_general3A_501 = arith.constant dense<0.000000e+00> : vector<128x128xf32>
    %dot_general3A_502 = tpu.matmul %get3A_496, %get3A_3, %dot_general3A_501 {dimension_numbers = #tpu.dot_dimension_numbers<[1], [0], [0], [1], [0, 0, 1, 1], [], []>, transpose_lhs_hint = false} : vector<128x3xf32>, vector<3x128xf32>, vector<128x128xf32> -> vector<128x128xf32>
    %mul3A_503 = arith.constant 2.000000e+00 : f32
    %mul3A_504 = vector.broadcast %mul3A_503 : f32 to vector<128x128xf32>
    %mul3A_505 = arith.mulf %mul3A_504, %dot_general3A_502 : vector<128x128xf32>
    %sub3A_506 = vector.broadcast %broadcast_in_dim3A_500 : vector<128x1xf32> to vector<128x128xf32>
    %sub3A_507 = arith.subf %sub3A_506, %mul3A_505 : vector<128x128xf32>
    %swap3A_508 = arith.constant 3328 : index
    %swap3A_509 = arith.constant 0 : index
    %swap3A_510 = vector.load %arg5[%swap3A_508, %swap3A_509] : memref<4096x128xf32, #tpu.memory_space<vmem>>, vector<128x128xf32>
    tpu.vector_store %arg5[%swap3A_508, %swap3A_509], %sub3A_507 {strides = array<i32>} : memref<4096x128xf32, #tpu.memory_space<vmem>>, vector<128x128xf32>,
    %get3A_511 = arith.constant 0 : index
    %get3A_512 = arith.constant 3456 : index
    %get3A_513 = arith.constant 0 : index
    %get3A_514 = vector.load %arg2[%get3A_511, %get3A_512, %get3A_513] : memref<1x4096x3xf32, #tpu.memory_space<vmem>>, vector<1x128x3xf32>
    %get3A_515 = vector.shape_cast %get3A_514 : vector<1x128x3xf32> to vector<128x3xf32>
    %mul3A_516 = arith.mulf %get3A_515, %get3A_515 : vector<128x3xf32>
    %reduce_sum3A_517 = arith.constant dense<0.000000e+00> : vector<128xf32>
    %reduce_sum3A_518 = vector.multi_reduction <add>, %mul3A_516, %reduce_sum3A_517 [1] : vector<128x3xf32> to vector<128xf32>
    %broadcast_in_dim3A_519 = vector.shape_cast %reduce_sum3A_518 : vector<128xf32> to vector<128x1xf32>
    %dot_general3A_520 = arith.constant dense<0.000000e+00> : vector<128x128xf32>
    %dot_general3A_521 = tpu.matmul %get3A_515, %get3A_3, %dot_general3A_520 {dimension_numbers = #tpu.dot_dimension_numbers<[1], [0], [0], [1], [0, 0, 1, 1], [], []>, transpose_lhs_hint = false} : vector<128x3xf32>, vector<3x128xf32>, vector<128x128xf32> -> vector<128x128xf32>
    %mul3A_522 = arith.constant 2.000000e+00 : f32
    %mul3A_523 = vector.broadcast %mul3A_522 : f32 to vector<128x128xf32>
    %mul3A_524 = arith.mulf %mul3A_523, %dot_general3A_521 : vector<128x128xf32>
    %sub3A_525 = vector.broadcast %broadcast_in_dim3A_519 : vector<128x1xf32> to vector<128x128xf32>
    %sub3A_526 = arith.subf %sub3A_525, %mul3A_524 : vector<128x128xf32>
    %swap3A_527 = arith.constant 3456 : index
    %swap3A_528 = arith.constant 0 : index
    %swap3A_529 = vector.load %arg5[%swap3A_527, %swap3A_528] : memref<4096x128xf32, #tpu.memory_space<vmem>>, vector<128x128xf32>
    tpu.vector_store %arg5[%swap3A_527, %swap3A_528], %sub3A_526 {strides = array<i32>} : memref<4096x128xf32, #tpu.memory_space<vmem>>, vector<128x128xf32>,
    %get3A_530 = arith.constant 0 : index
    %get3A_531 = arith.constant 3584 : index
    %get3A_532 = arith.constant 0 : index
    %get3A_533 = vector.load %arg2[%get3A_530, %get3A_531, %get3A_532] : memref<1x4096x3xf32, #tpu.memory_space<vmem>>, vector<1x128x3xf32>
    %get3A_534 = vector.shape_cast %get3A_533 : vector<1x128x3xf32> to vector<128x3xf32>
    %mul3A_535 = arith.mulf %get3A_534, %get3A_534 : vector<128x3xf32>
    %reduce_sum3A_536 = arith.constant dense<0.000000e+00> : vector<128xf32>
    %reduce_sum3A_537 = vector.multi_reduction <add>, %mul3A_535, %reduce_sum3A_536 [1] : vector<128x3xf32> to vector<128xf32>
    %broadcast_in_dim3A_538 = vector.shape_cast %reduce_sum3A_537 : vector<128xf32> to vector<128x1xf32>
    %dot_general3A_539 = arith.constant dense<0.000000e+00> : vector<128x128xf32>
    %dot_general3A_540 = tpu.matmul %get3A_534, %get3A_3, %dot_general3A_539 {dimension_numbers = #tpu.dot_dimension_numbers<[1], [0], [0], [1], [0, 0, 1, 1], [], []>, transpose_lhs_hint = false} : vector<128x3xf32>, vector<3x128xf32>, vector<128x128xf32> -> vector<128x128xf32>
    %mul3A_541 = arith.constant 2.000000e+00 : f32
    %mul3A_542 = vector.broadcast %mul3A_541 : f32 to vector<128x128xf32>
    %mul3A_543 = arith.mulf %mul3A_542, %dot_general3A_540 : vector<128x128xf32>
    %sub3A_544 = vector.broadcast %broadcast_in_dim3A_538 : vector<128x1xf32> to vector<128x128xf32>
    %sub3A_545 = arith.subf %sub3A_544, %mul3A_543 : vector<128x128xf32>
    %swap3A_546 = arith.constant 3584 : index
    %swap3A_547 = arith.constant 0 : index
    %swap3A_548 = vector.load %arg5[%swap3A_546, %swap3A_547] : memref<4096x128xf32, #tpu.memory_space<vmem>>, vector<128x128xf32>
    tpu.vector_store %arg5[%swap3A_546, %swap3A_547], %sub3A_545 {strides = array<i32>} : memref<4096x128xf32, #tpu.memory_space<vmem>>, vector<128x128xf32>,
    %get3A_549 = arith.constant 0 : index
    %get3A_550 = arith.constant 3712 : index
    %get3A_551 = arith.constant 0 : index
    %get3A_552 = vector.load %arg2[%get3A_549, %get3A_550, %get3A_551] : memref<1x4096x3xf32, #tpu.memory_space<vmem>>, vector<1x128x3xf32>
    %get3A_553 = vector.shape_cast %get3A_552 : vector<1x128x3xf32> to vector<128x3xf32>
    %mul3A_554 = arith.mulf %get3A_553, %get3A_553 : vector<128x3xf32>
    %reduce_sum3A_555 = arith.constant dense<0.000000e+00> : vector<128xf32>
    %reduce_sum3A_556 = vector.multi_reduction <add>, %mul3A_554, %reduce_sum3A_555 [1] : vector<128x3xf32> to vector<128xf32>
    %broadcast_in_dim3A_557 = vector.shape_cast %reduce_sum3A_556 : vector<128xf32> to vector<128x1xf32>
    %dot_general3A_558 = arith.constant dense<0.000000e+00> : vector<128x128xf32>
    %dot_general3A_559 = tpu.matmul %get3A_553, %get3A_3, %dot_general3A_558 {dimension_numbers = #tpu.dot_dimension_numbers<[1], [0], [0], [1], [0, 0, 1, 1], [], []>, transpose_lhs_hint = false} : vector<128x3xf32>, vector<3x128xf32>, vector<128x128xf32> -> vector<128x128xf32>
    %mul3A_560 = arith.constant 2.000000e+00 : f32
    %mul3A_561 = vector.broadcast %mul3A_560 : f32 to vector<128x128xf32>
    %mul3A_562 = arith.mulf %mul3A_561, %dot_general3A_559 : vector<128x128xf32>
    %sub3A_563 = vector.broadcast %broadcast_in_dim3A_557 : vector<128x1xf32> to vector<128x128xf32>
    %sub3A_564 = arith.subf %sub3A_563, %mul3A_562 : vector<128x128xf32>
    %swap3A_565 = arith.constant 3712 : index
    %swap3A_566 = arith.constant 0 : index
    %swap3A_567 = vector.load %arg5[%swap3A_565, %swap3A_566] : memref<4096x128xf32, #tpu.memory_space<vmem>>, vector<128x128xf32>
    tpu.vector_store %arg5[%swap3A_565, %swap3A_566], %sub3A_564 {strides = array<i32>} : memref<4096x128xf32, #tpu.memory_space<vmem>>, vector<128x128xf32>,
    %get3A_568 = arith.constant 0 : index
    %get3A_569 = arith.constant 3840 : index
    %get3A_570 = arith.constant 0 : index
    %get3A_571 = vector.load %arg2[%get3A_568, %get3A_569, %get3A_570] : memref<1x4096x3xf32, #tpu.memory_space<vmem>>, vector<1x128x3xf32>
    %get3A_572 = vector.shape_cast %get3A_571 : vector<1x128x3xf32> to vector<128x3xf32>
    %mul3A_573 = arith.mulf %get3A_572, %get3A_572 : vector<128x3xf32>
    %reduce_sum3A_574 = arith.constant dense<0.000000e+00> : vector<128xf32>
    %reduce_sum3A_575 = vector.multi_reduction <add>, %mul3A_573, %reduce_sum3A_574 [1] : vector<128x3xf32> to vector<128xf32>
    %broadcast_in_dim3A_576 = vector.shape_cast %reduce_sum3A_575 : vector<128xf32> to vector<128x1xf32>
    %dot_general3A_577 = arith.constant dense<0.000000e+00> : vector<128x128xf32>
    %dot_general3A_578 = tpu.matmul %get3A_572, %get3A_3, %dot_general3A_577 {dimension_numbers = #tpu.dot_dimension_numbers<[1], [0], [0], [1], [0, 0, 1, 1], [], []>, transpose_lhs_hint = false} : vector<128x3xf32>, vector<3x128xf32>, vector<128x128xf32> -> vector<128x128xf32>
    %mul3A_579 = arith.constant 2.000000e+00 : f32
    %mul3A_580 = vector.broadcast %mul3A_579 : f32 to vector<128x128xf32>
    %mul3A_581 = arith.mulf %mul3A_580, %dot_general3A_578 : vector<128x128xf32>
    %sub3A_582 = vector.broadcast %broadcast_in_dim3A_576 : vector<128x1xf32> to vector<128x128xf32>
    %sub3A_583 = arith.subf %sub3A_582, %mul3A_581 : vector<128x128xf32>
    %swap3A_584 = arith.constant 3840 : index
    %swap3A_585 = arith.constant 0 : index
    %swap3A_586 = vector.load %arg5[%swap3A_584, %swap3A_585] : memref<4096x128xf32, #tpu.memory_space<vmem>>, vector<128x128xf32>
    tpu.vector_store %arg5[%swap3A_584, %swap3A_585], %sub3A_583 {strides = array<i32>} : memref<4096x128xf32, #tpu.memory_space<vmem>>, vector<128x128xf32>,
    %get3A_587 = arith.constant 0 : index
    %get3A_588 = arith.constant 3968 : index
    %get3A_589 = arith.constant 0 : index
    %get3A_590 = vector.load %arg2[%get3A_587, %get3A_588, %get3A_589] : memref<1x4096x3xf32, #tpu.memory_space<vmem>>, vector<1x128x3xf32>
    %get3A_591 = vector.shape_cast %get3A_590 : vector<1x128x3xf32> to vector<128x3xf32>
    %mul3A_592 = arith.mulf %get3A_591, %get3A_591 : vector<128x3xf32>
    %reduce_sum3A_593 = arith.constant dense<0.000000e+00> : vector<128xf32>
    %reduce_sum3A_594 = vector.multi_reduction <add>, %mul3A_592, %reduce_sum3A_593 [1] : vector<128x3xf32> to vector<128xf32>
    %broadcast_in_dim3A_595 = vector.shape_cast %reduce_sum3A_594 : vector<128xf32> to vector<128x1xf32>
    %dot_general3A_596 = arith.constant dense<0.000000e+00> : vector<128x128xf32>
    %dot_general3A_597 = tpu.matmul %get3A_591, %get3A_3, %dot_general3A_596 {dimension_numbers = #tpu.dot_dimension_numbers<[1], [0], [0], [1], [0, 0, 1, 1], [], []>, transpose_lhs_hint = false} : vector<128x3xf32>, vector<3x128xf32>, vector<128x128xf32> -> vector<128x128xf32>
    %mul3A_598 = arith.constant 2.000000e+00 : f32
    %mul3A_599 = vector.broadcast %mul3A_598 : f32 to vector<128x128xf32>
    %mul3A_600 = arith.mulf %mul3A_599, %dot_general3A_597 : vector<128x128xf32>
    %sub3A_601 = vector.broadcast %broadcast_in_dim3A_595 : vector<128x1xf32> to vector<128x128xf32>
    %sub3A_602 = arith.subf %sub3A_601, %mul3A_600 : vector<128x128xf32>
    %swap3A_603 = arith.constant 3968 : index
    %swap3A_604 = arith.constant 0 : index
    %swap3A_605 = vector.load %arg5[%swap3A_603, %swap3A_604] : memref<4096x128xf32, #tpu.memory_space<vmem>>, vector<128x128xf32>
    tpu.vector_store %arg5[%swap3A_603, %swap3A_604], %sub3A_602 {strides = array<i32>} : memref<4096x128xf32, #tpu.memory_space<vmem>>, vector<128x128xf32>,
    %broadcast_in_dim3A_606 = arith.constant 0x7F800000 : f32
    %broadcast_in_dim3A_607 = vector.broadcast %broadcast_in_dim3A_606 : f32 to vector<1024x128xf32>
    %swap3A_608 = arith.constant 0 : index
    %swap3A_609 = arith.constant 0 : index
    %swap3A_610 = vector.load %arg6[%swap3A_608, %swap3A_609] : memref<1024x128xf32, #tpu.memory_space<vmem>>, vector<1024x128xf32>
    tpu.vector_store %arg6[%swap3A_608, %swap3A_609], %broadcast_in_dim3A_607 {strides = array<i32>} : memref<1024x128xf32, #tpu.memory_space<vmem>>, vector<1024x128xf32>,
    %broadcast_in_dim3A_611 = arith.constant 0 : i32
    %broadcast_in_dim3A_612 = vector.broadcast %broadcast_in_dim3A_611 : i32 to vector<1024x128xi32>
    %swap3A_613 = arith.constant 0 : index
    %swap3A_614 = arith.constant 0 : index
    %swap3A_615 = vector.load %arg7[%swap3A_613, %swap3A_614] : memref<1024x128xi32, #tpu.memory_space<vmem>>, vector<1024x128xi32>
    tpu.vector_store %arg7[%swap3A_613, %swap3A_614], %broadcast_in_dim3A_612 {strides = array<i32>} : memref<1024x128xi32, #tpu.memory_space<vmem>>, vector<1024x128xi32>,
    %iota3A = tpu.iota {dimensions = array<i32: 1>} : vector<32x128x128xi32>
    %get3A_616 = arith.constant 0 : index
    %get3A_617 = arith.constant 0 : index
    %get3A_618 = vector.load %arg5[%get3A_616, %get3A_617] : memref<4096x128xf32, #tpu.memory_space<vmem>>, vector<4096x128xf32>
    %reshape3A = vector.shape_cast %get3A_618 : vector<4096x128xf32> to vector<32x128x128xf32>
    %reduce_min3A = arith.constant dense<0x7F800000> : vector<32x128xf32>
    %reduce_min3A_619 = vector.multi_reduction <minimumf>, %reshape3A, %reduce_min3A [1] : vector<32x128x128xf32> to vector<32x128xf32>
    %while3A = arith.constant 0x7F800000 : f32
    %while3A_620 = arith.constant 0 : i32
    %while3A_621 = arith.constant false
    %while3A_622:3 = scf.while (%while3A_637 = %while3A_620, %while3A_638 = %reduce_min3A_619, %while3A_639 = %while3A_621) : (i32, vector<32x128xf32>, i1) -> (i32, vector<32x128xf32>, i1) {
      %lt3A = arith.constant 32 : i32
      %lt3A_640 = arith.cmpi slt, %while3A_637, %lt3A : i32
      %not3A = arith.constant true
      %not3A_641 = arith.xori %while3A_639, %not3A : i1
      %and3A = arith.andi %lt3A_640, %not3A_641 : i1
      scf.condition(%and3A) %while3A_637, %while3A_638, %while3A_639 : i32, vector<32x128xf32>, i1
    } do {
    ^bb0(%while3A_637: i32, %while3A_638: vector<32x128xf32>, %while3A_639: i1):
      %get3A_640 = arith.constant 0 : index
      %get3A_641 = arith.constant 0 : index
      %get3A_642 = vector.load %arg5[%get3A_640, %get3A_641] : memref<4096x128xf32, #tpu.memory_space<vmem>>, vector<4096x128xf32>
      %reshape3A_643 = vector.shape_cast %get3A_642 : vector<4096x128xf32> to vector<32x128x128xf32>
      %broadcast_in_dim3A_644 = vector.shape_cast %while3A_638 : vector<32x128xf32> to vector<32x1x128xf32>
      %eq3A = vector.broadcast %broadcast_in_dim3A_644 : vector<32x1x128xf32> to vector<32x128x128xf32>
      %eq3A_645 = arith.cmpf oeq, %reshape3A_643, %eq3A : vector<32x128x128xf32>
      %jit3A = arith.constant 128 : i32
      %broadcast_in_dim3A_646 = vector.broadcast %jit3A : i32 to vector<32x128x128xi32>
      %select_n3A = arith.select %eq3A_645, %iota3A, %broadcast_in_dim3A_646 : vector<32x128x128xi1>, vector<32x128x128xi32>
      %reduce_min3A_647 = arith.constant dense<2147483647> : vector<32x128xi32>
      %reduce_min3A_648 = vector.multi_reduction <minsi>, %select_n3A, %reduce_min3A_647 [1] : vector<32x128x128xi32> to vector<32x128xi32>
      %mul3A_649 = arith.constant 32 : i32
      %mul3A_650 = arith.muli %while3A_637, %mul3A_649 : i32
      %swap3A_651 = arith.index_cast %mul3A_650 : i32 to index
      %swap3A_652 = arith.constant 0 : index
      %swap3A_653 = vector.load %arg6[%swap3A_651, %swap3A_652] : memref<1024x128xf32, #tpu.memory_space<vmem>>, vector<32x128xf32>
      tpu.vector_store %arg6[%swap3A_651, %swap3A_652], %while3A_638 {strides = array<i32>} : memref<1024x128xf32, #tpu.memory_space<vmem>>, vector<32x128xf32>,
      %iota3A_654 = tpu.iota {dimensions = array<i32: 0>} : vector<32x128xi32>
      %mul3A_655 = arith.constant 128 : i32
      %mul3A_656 = vector.broadcast %mul3A_655 : i32 to vector<32x128xi32>
      %mul3A_657 = arith.muli %iota3A_654, %mul3A_656 : vector<32x128xi32>
      %add3A_658 = arith.addi %mul3A_657, %reduce_min3A_648 : vector<32x128xi32>
      %mul3A_659 = arith.constant 32 : i32
      %mul3A_660 = arith.muli %while3A_637, %mul3A_659 : i32
      %swap3A_661 = arith.index_cast %mul3A_660 : i32 to index
      %swap3A_662 = arith.constant 0 : index
      %swap3A_663 = vector.load %arg7[%swap3A_661, %swap3A_662] : memref<1024x128xi32, #tpu.memory_space<vmem>>, vector<32x128xi32>
      tpu.vector_store %arg7[%swap3A_661, %swap3A_662], %add3A_658 {strides = array<i32>} : memref<1024x128xi32, #tpu.memory_space<vmem>>, vector<32x128xi32>,
      %broadcast_in_dim3A_664 = vector.shape_cast %reduce_min3A_648 : vector<32x128xi32> to vector<32x1x128xi32>
      %eq3A_665 = vector.broadcast %broadcast_in_dim3A_664 : vector<32x1x128xi32> to vector<32x128x128xi32>
      %eq3A_666 = arith.cmpi eq, %iota3A, %eq3A_665 : vector<32x128x128xi32>
      %broadcast_in_dim3A_667 = vector.broadcast %while3A : f32 to vector<32x128x128xf32>
      %select_n3A_668 = arith.select %eq3A_666, %broadcast_in_dim3A_667, %reshape3A_643 : vector<32x128x128xi1>, vector<32x128x128xf32>
      %reshape3A_669 = vector.shape_cast %select_n3A_668 : vector<32x128x128xf32> to vector<4096x128xf32>
      %swap3A_670 = arith.constant 0 : index
      %swap3A_671 = arith.constant 0 : index
      %swap3A_672 = vector.load %arg5[%swap3A_670, %swap3A_671] : memref<4096x128xf32, #tpu.memory_space<vmem>>, vector<4096x128xf32>
      tpu.vector_store %arg5[%swap3A_670, %swap3A_671], %reshape3A_669 {strides = array<i32>} : memref<4096x128xf32, #tpu.memory_space<vmem>>, vector<4096x128xf32>,
      %reduce_min3A_673 = arith.constant dense<0x7F800000> : vector<32x128xf32>
      %reduce_min3A_674 = vector.multi_reduction <minimumf>, %select_n3A_668, %reduce_min3A_673 [1] : vector<32x128x128xf32> to vector<32x128xf32>
      %reduce_min3A_675 = arith.constant dense<0x7F800000> : vector<128xf32>
      %reduce_min3A_676 = vector.multi_reduction <minimumf>, %reduce_min3A_674, %reduce_min3A_675 [0] : vector<32x128xf32> to vector<128xf32>
      %broadcast_in_dim3A_677 = vector.shape_cast %reduce_min3A_676 : vector<128xf32> to vector<1x128xf32>
      %get3A_678 = arith.constant 0 : index
      %get3A_679 = arith.constant 0 : index
      %get3A_680 = vector.load %arg6[%get3A_678, %get3A_679] : memref<1024x128xf32, #tpu.memory_space<vmem>>, vector<1024x128xf32>
      %lt3A = vector.broadcast %broadcast_in_dim3A_677 : vector<1x128xf32> to vector<1024x128xf32>
      %lt3A_681 = arith.cmpf olt, %get3A_680, %lt3A : vector<1024x128xf32>
      %convert_element_type3A_682 = arith.extui %lt3A_681 : vector<1024x128xi1> to vector<1024x128xi32>
      %reduce_sum3A_683 = arith.constant dense<0> : vector<128xi32>
      %reduce_sum3A_684 = vector.multi_reduction <add>, %convert_element_type3A_682, %reduce_sum3A_683 [0] : vector<1024x128xi32> to vector<128xi32>
      %broadcast_in_dim3A_685 = vector.shape_cast %reduce_sum3A_684 : vector<128xi32> to vector<1x128xi32>
      %add3A_686 = arith.constant 1 : i32
      %add3A_687 = arith.addi %while3A_637, %add3A_686 : i32
      %ge3A = arith.constant 32 : i32
      %ge3A_688 = vector.broadcast %ge3A : i32 to vector<1x128xi32>
      %ge3A_689 = arith.cmpi sge, %broadcast_in_dim3A_685, %ge3A_688 : vector<1x128xi32>
      %reduce_and3A = arith.constant 1.000000e+00 : f32
      %reduce_and3A_690 = arith.constant 0.000000e+00 : f32
      %reduce_and3A_691 = vector.broadcast %reduce_and3A : f32 to vector<1x128xf32>
      %reduce_and3A_692 = vector.broadcast %reduce_and3A_690 : f32 to vector<1x128xf32>
      %reduce_and3A_693 = arith.select %ge3A_689, %reduce_and3A_691, %reduce_and3A_692 : vector<1x128xi1>, vector<1x128xf32>
      %reduce_and3A_694 = vector.shape_cast %reduce_and3A_693 : vector<1x128xf32> to vector<1x1x128xf32>
      %reduce_and3A_695 = arith.constant dense<0x7F800000> : vector<1xf32>
      %reduce_and3A_696 = vector.multi_reduction <minimumf>, %reduce_and3A_694, %reduce_and3A_695 [1, 2] : vector<1x1x128xf32> to vector<1xf32>
      %reduce_and3A_697 = vector.shape_cast %reduce_and3A_696 : vector<1xf32> to vector<1x1x1xf32>
      %reduce_and3A_698 = vector.extract %reduce_and3A_697[0, 0, 0] : f32 from vector<1x1x1xf32>
      %reduce_and3A_699 = arith.constant 0.000000e+00 : f32
      %reduce_and3A_700 = arith.cmpf ogt, %reduce_and3A_698, %reduce_and3A_699 : f32
      scf.yield %add3A_687, %reduce_min3A_674, %reduce_and3A_700 : i32, vector<32x128xf32>, i1
    }
    %le3A = arith.constant 8 : i32
    %le3A_623 = arith.cmpi sle, %while3A_622#0, %le3A : i32
    %convert_element_type3A = arith.extui %le3A_623 : i1 to i32
    %cond3A = arith.constant 0x7F800000 : f32
    %cond3A_624 = arith.constant 0 : i32
    %cond3A_625 = arith.cmpi ne, %convert_element_type3A, %cond3A_624 : i32
    %cond3A_626 = scf.if %cond3A_625 -> (vector<32x128xi32>) {
      %get3A_637 = arith.constant 0 : index
      %get3A_638 = arith.constant 0 : index
      %get3A_639 = vector.load %arg6[%get3A_637, %get3A_638] : memref<1024x128xf32, #tpu.memory_space<vmem>>, vector<256x128xf32>
      %get3A_640 = arith.constant 0 : index
      %get3A_641 = arith.constant 0 : index
      %get3A_642 = vector.load %arg7[%get3A_640, %get3A_641] : memref<1024x128xi32, #tpu.memory_space<vmem>>, vector<256x128xi32>
      %iota3A_643 = tpu.iota {dimensions = array<i32: 0>} : vector<256x128xi32>
      %reduce_min3A_644 = arith.constant dense<0x7F800000> : vector<128xf32>
      %reduce_min3A_645 = vector.multi_reduction <minimumf>, %get3A_639, %reduce_min3A_644 [0] : vector<256x128xf32> to vector<128xf32>
      %broadcast_in_dim3A_646 = vector.shape_cast %reduce_min3A_645 : vector<128xf32> to vector<1x128xf32>
      %eq3A = vector.broadcast %broadcast_in_dim3A_646 : vector<1x128xf32> to vector<256x128xf32>
      %eq3A_647 = arith.cmpf oeq, %get3A_639, %eq3A : vector<256x128xf32>
      %jit3A = arith.constant 256 : i32
      %broadcast_in_dim3A_648 = vector.broadcast %jit3A : i32 to vector<256x128xi32>
      %select_n3A = arith.select %eq3A_647, %iota3A_643, %broadcast_in_dim3A_648 : vector<256x128xi1>, vector<256x128xi32>
      %reduce_min3A_649 = arith.constant dense<2147483647> : vector<128xi32>
      %reduce_min3A_650 = vector.multi_reduction <minsi>, %select_n3A, %reduce_min3A_649 [0] : vector<256x128xi32> to vector<128xi32>
      %broadcast_in_dim3A_651 = vector.shape_cast %reduce_min3A_650 : vector<128xi32> to vector<1x128xi32>
      %eq3A_652 = vector.broadcast %broadcast_in_dim3A_651 : vector<1x128xi32> to vector<256x128xi32>
      %eq3A_653 = arith.cmpi eq, %iota3A_643, %eq3A_652 : vector<256x128xi32>
      %jit3A_654 = arith.constant 4096 : i32
      %broadcast_in_dim3A_655 = vector.broadcast %jit3A_654 : i32 to vector<256x128xi32>
      %select_n3A_656 = arith.select %eq3A_653, %get3A_642, %broadcast_in_dim3A_655 : vector<256x128xi1>, vector<256x128xi32>
      %reduce_min3A_657 = arith.constant dense<2147483647> : vector<128xi32>
      %reduce_min3A_658 = vector.multi_reduction <minsi>, %select_n3A_656, %reduce_min3A_657 [0] : vector<256x128xi32> to vector<128xi32>
      %broadcast_in_dim3A_659 = vector.shape_cast %reduce_min3A_658 : vector<128xi32> to vector<1x128xi32>
      %broadcast_in_dim3A_660 = vector.broadcast %cond3A : f32 to vector<256x128xf32>
      %select_n3A_661 = arith.select %eq3A_653, %broadcast_in_dim3A_660, %get3A_639 : vector<256x128xi1>, vector<256x128xf32>
      %reduce_min3A_662 = arith.constant dense<0x7F800000> : vector<128xf32>
      %reduce_min3A_663 = vector.multi_reduction <minimumf>, %select_n3A_661, %reduce_min3A_662 [0] : vector<256x128xf32> to vector<128xf32>
      %broadcast_in_dim3A_664 = vector.shape_cast %reduce_min3A_663 : vector<128xf32> to vector<1x128xf32>
      %eq3A_665 = vector.broadcast %broadcast_in_dim3A_664 : vector<1x128xf32> to vector<256x128xf32>
      %eq3A_666 = arith.cmpf oeq, %select_n3A_661, %eq3A_665 : vector<256x128xf32>
      %jit3A_667 = arith.constant 256 : i32
      %broadcast_in_dim3A_668 = vector.broadcast %jit3A_667 : i32 to vector<256x128xi32>
      %select_n3A_669 = arith.select %eq3A_666, %iota3A_643, %broadcast_in_dim3A_668 : vector<256x128xi1>, vector<256x128xi32>
      %reduce_min3A_670 = arith.constant dense<2147483647> : vector<128xi32>
      %reduce_min3A_671 = vector.multi_reduction <minsi>, %select_n3A_669, %reduce_min3A_670 [0] : vector<256x128xi32> to vector<128xi32>
      %broadcast_in_dim3A_672 = vector.shape_cast %reduce_min3A_671 : vector<128xi32> to vector<1x128xi32>
      %eq3A_673 = vector.broadcast %broadcast_in_dim3A_672 : vector<1x128xi32> to vector<256x128xi32>
      %eq3A_674 = arith.cmpi eq, %iota3A_643, %eq3A_673 : vector<256x128xi32>
      %jit3A_675 = arith.constant 4096 : i32
      %broadcast_in_dim3A_676 = vector.broadcast %jit3A_675 : i32 to vector<256x128xi32>
      %select_n3A_677 = arith.select %eq3A_674, %get3A_642, %broadcast_in_dim3A_676 : vector<256x128xi1>, vector<256x128xi32>
      %reduce_min3A_678 = arith.constant dense<2147483647> : vector<128xi32>
      %reduce_min3A_679 = vector.multi_reduction <minsi>, %select_n3A_677, %reduce_min3A_678 [0] : vector<256x128xi32> to vector<128xi32>
      %broadcast_in_dim3A_680 = vector.shape_cast %reduce_min3A_679 : vector<128xi32> to vector<1x128xi32>
      %broadcast_in_dim3A_681 = vector.broadcast %cond3A : f32 to vector<256x128xf32>
      %select_n3A_682 = arith.select %eq3A_674, %broadcast_in_dim3A_681, %select_n3A_661 : vector<256x128xi1>, vector<256x128xf32>
      %reduce_min3A_683 = arith.constant dense<0x7F800000> : vector<128xf32>
      %reduce_min3A_684 = vector.multi_reduction <minimumf>, %select_n3A_682, %reduce_min3A_683 [0] : vector<256x128xf32> to vector<128xf32>
      %broadcast_in_dim3A_685 = vector.shape_cast %reduce_min3A_684 : vector<128xf32> to vector<1x128xf32>
      %eq3A_686 = vector.broadcast %broadcast_in_dim3A_685 : vector<1x128xf32> to vector<256x128xf32>
      %eq3A_687 = arith.cmpf oeq, %select_n3A_682, %eq3A_686 : vector<256x128xf32>
      %jit3A_688 = arith.constant 256 : i32
      %broadcast_in_dim3A_689 = vector.broadcast %jit3A_688 : i32 to vector<256x128xi32>
      %select_n3A_690 = arith.select %eq3A_687, %iota3A_643, %broadcast_in_dim3A_689 : vector<256x128xi1>, vector<256x128xi32>
      %reduce_min3A_691 = arith.constant dense<2147483647> : vector<128xi32>
      %reduce_min3A_692 = vector.multi_reduction <minsi>, %select_n3A_690, %reduce_min3A_691 [0] : vector<256x128xi32> to vector<128xi32>
      %broadcast_in_dim3A_693 = vector.shape_cast %reduce_min3A_692 : vector<128xi32> to vector<1x128xi32>
      %eq3A_694 = vector.broadcast %broadcast_in_dim3A_693 : vector<1x128xi32> to vector<256x128xi32>
      %eq3A_695 = arith.cmpi eq, %iota3A_643, %eq3A_694 : vector<256x128xi32>
      %jit3A_696 = arith.constant 4096 : i32
      %broadcast_in_dim3A_697 = vector.broadcast %jit3A_696 : i32 to vector<256x128xi32>
      %select_n3A_698 = arith.select %eq3A_695, %get3A_642, %broadcast_in_dim3A_697 : vector<256x128xi1>, vector<256x128xi32>
      %reduce_min3A_699 = arith.constant dense<2147483647> : vector<128xi32>
      %reduce_min3A_700 = vector.multi_reduction <minsi>, %select_n3A_698, %reduce_min3A_699 [0] : vector<256x128xi32> to vector<128xi32>
      %broadcast_in_dim3A_701 = vector.shape_cast %reduce_min3A_700 : vector<128xi32> to vector<1x128xi32>
      %broadcast_in_dim3A_702 = vector.broadcast %cond3A : f32 to vector<256x128xf32>
      %select_n3A_703 = arith.select %eq3A_695, %broadcast_in_dim3A_702, %select_n3A_682 : vector<256x128xi1>, vector<256x128xf32>
      %reduce_min3A_704 = arith.constant dense<0x7F800000> : vector<128xf32>
      %reduce_min3A_705 = vector.multi_reduction <minimumf>, %select_n3A_703, %reduce_min3A_704 [0] : vector<256x128xf32> to vector<128xf32>
      %broadcast_in_dim3A_706 = vector.shape_cast %reduce_min3A_705 : vector<128xf32> to vector<1x128xf32>
      %eq3A_707 = vector.broadcast %broadcast_in_dim3A_706 : vector<1x128xf32> to vector<256x128xf32>
      %eq3A_708 = arith.cmpf oeq, %select_n3A_703, %eq3A_707 : vector<256x128xf32>
      %jit3A_709 = arith.constant 256 : i32
      %broadcast_in_dim3A_710 = vector.broadcast %jit3A_709 : i32 to vector<256x128xi32>
      %select_n3A_711 = arith.select %eq3A_708, %iota3A_643, %broadcast_in_dim3A_710 : vector<256x128xi1>, vector<256x128xi32>
      %reduce_min3A_712 = arith.constant dense<2147483647> : vector<128xi32>
      %reduce_min3A_713 = vector.multi_reduction <minsi>, %select_n3A_711, %reduce_min3A_712 [0] : vector<256x128xi32> to vector<128xi32>
      %broadcast_in_dim3A_714 = vector.shape_cast %reduce_min3A_713 : vector<128xi32> to vector<1x128xi32>
      %eq3A_715 = vector.broadcast %broadcast_in_dim3A_714 : vector<1x128xi32> to vector<256x128xi32>
      %eq3A_716 = arith.cmpi eq, %iota3A_643, %eq3A_715 : vector<256x128xi32>
      %jit3A_717 = arith.constant 4096 : i32
      %broadcast_in_dim3A_718 = vector.broadcast %jit3A_717 : i32 to vector<256x128xi32>
      %select_n3A_719 = arith.select %eq3A_716, %get3A_642, %broadcast_in_dim3A_718 : vector<256x128xi1>, vector<256x128xi32>
      %reduce_min3A_720 = arith.constant dense<2147483647> : vector<128xi32>
      %reduce_min3A_721 = vector.multi_reduction <minsi>, %select_n3A_719, %reduce_min3A_720 [0] : vector<256x128xi32> to vector<128xi32>
      %broadcast_in_dim3A_722 = vector.shape_cast %reduce_min3A_721 : vector<128xi32> to vector<1x128xi32>
      %broadcast_in_dim3A_723 = vector.broadcast %cond3A : f32 to vector<256x128xf32>
      %select_n3A_724 = arith.select %eq3A_716, %broadcast_in_dim3A_723, %select_n3A_703 : vector<256x128xi1>, vector<256x128xf32>
      %reduce_min3A_725 = arith.constant dense<0x7F800000> : vector<128xf32>
      %reduce_min3A_726 = vector.multi_reduction <minimumf>, %select_n3A_724, %reduce_min3A_725 [0] : vector<256x128xf32> to vector<128xf32>
      %broadcast_in_dim3A_727 = vector.shape_cast %reduce_min3A_726 : vector<128xf32> to vector<1x128xf32>
      %eq3A_728 = vector.broadcast %broadcast_in_dim3A_727 : vector<1x128xf32> to vector<256x128xf32>
      %eq3A_729 = arith.cmpf oeq, %select_n3A_724, %eq3A_728 : vector<256x128xf32>
      %jit3A_730 = arith.constant 256 : i32
      %broadcast_in_dim3A_731 = vector.broadcast %jit3A_730 : i32 to vector<256x128xi32>
      %select_n3A_732 = arith.select %eq3A_729, %iota3A_643, %broadcast_in_dim3A_731 : vector<256x128xi1>, vector<256x128xi32>
      %reduce_min3A_733 = arith.constant dense<2147483647> : vector<128xi32>
      %reduce_min3A_734 = vector.multi_reduction <minsi>, %select_n3A_732, %reduce_min3A_733 [0] : vector<256x128xi32> to vector<128xi32>
      %broadcast_in_dim3A_735 = vector.shape_cast %reduce_min3A_734 : vector<128xi32> to vector<1x128xi32>
      %eq3A_736 = vector.broadcast %broadcast_in_dim3A_735 : vector<1x128xi32> to vector<256x128xi32>
      %eq3A_737 = arith.cmpi eq, %iota3A_643, %eq3A_736 : vector<256x128xi32>
      %jit3A_738 = arith.constant 4096 : i32
      %broadcast_in_dim3A_739 = vector.broadcast %jit3A_738 : i32 to vector<256x128xi32>
      %select_n3A_740 = arith.select %eq3A_737, %get3A_642, %broadcast_in_dim3A_739 : vector<256x128xi1>, vector<256x128xi32>
      %reduce_min3A_741 = arith.constant dense<2147483647> : vector<128xi32>
      %reduce_min3A_742 = vector.multi_reduction <minsi>, %select_n3A_740, %reduce_min3A_741 [0] : vector<256x128xi32> to vector<128xi32>
      %broadcast_in_dim3A_743 = vector.shape_cast %reduce_min3A_742 : vector<128xi32> to vector<1x128xi32>
      %broadcast_in_dim3A_744 = vector.broadcast %cond3A : f32 to vector<256x128xf32>
      %select_n3A_745 = arith.select %eq3A_737, %broadcast_in_dim3A_744, %select_n3A_724 : vector<256x128xi1>, vector<256x128xf32>
      %reduce_min3A_746 = arith.constant dense<0x7F800000> : vector<128xf32>
      %reduce_min3A_747 = vector.multi_reduction <minimumf>, %select_n3A_745, %reduce_min3A_746 [0] : vector<256x128xf32> to vector<128xf32>
      %broadcast_in_dim3A_748 = vector.shape_cast %reduce_min3A_747 : vector<128xf32> to vector<1x128xf32>
      %eq3A_749 = vector.broadcast %broadcast_in_dim3A_748 : vector<1x128xf32> to vector<256x128xf32>
      %eq3A_750 = arith.cmpf oeq, %select_n3A_745, %eq3A_749 : vector<256x128xf32>
      %jit3A_751 = arith.constant 256 : i32
      %broadcast_in_dim3A_752 = vector.broadcast %jit3A_751 : i32 to vector<256x128xi32>
      %select_n3A_753 = arith.select %eq3A_750, %iota3A_643, %broadcast_in_dim3A_752 : vector<256x128xi1>, vector<256x128xi32>
      %reduce_min3A_754 = arith.constant dense<2147483647> : vector<128xi32>
      %reduce_min3A_755 = vector.multi_reduction <minsi>, %select_n3A_753, %reduce_min3A_754 [0] : vector<256x128xi32> to vector<128xi32>
      %broadcast_in_dim3A_756 = vector.shape_cast %reduce_min3A_755 : vector<128xi32> to vector<1x128xi32>
      %eq3A_757 = vector.broadcast %broadcast_in_dim3A_756 : vector<1x128xi32> to vector<256x128xi32>
      %eq3A_758 = arith.cmpi eq, %iota3A_643, %eq3A_757 : vector<256x128xi32>
      %jit3A_759 = arith.constant 4096 : i32
      %broadcast_in_dim3A_760 = vector.broadcast %jit3A_759 : i32 to vector<256x128xi32>
      %select_n3A_761 = arith.select %eq3A_758, %get3A_642, %broadcast_in_dim3A_760 : vector<256x128xi1>, vector<256x128xi32>
      %reduce_min3A_762 = arith.constant dense<2147483647> : vector<128xi32>
      %reduce_min3A_763 = vector.multi_reduction <minsi>, %select_n3A_761, %reduce_min3A_762 [0] : vector<256x128xi32> to vector<128xi32>
      %broadcast_in_dim3A_764 = vector.shape_cast %reduce_min3A_763 : vector<128xi32> to vector<1x128xi32>
      %broadcast_in_dim3A_765 = vector.broadcast %cond3A : f32 to vector<256x128xf32>
      %select_n3A_766 = arith.select %eq3A_758, %broadcast_in_dim3A_765, %select_n3A_745 : vector<256x128xi1>, vector<256x128xf32>
      %reduce_min3A_767 = arith.constant dense<0x7F800000> : vector<128xf32>
      %reduce_min3A_768 = vector.multi_reduction <minimumf>, %select_n3A_766, %reduce_min3A_767 [0] : vector<256x128xf32> to vector<128xf32>
      %broadcast_in_dim3A_769 = vector.shape_cast %reduce_min3A_768 : vector<128xf32> to vector<1x128xf32>
      %eq3A_770 = vector.broadcast %broadcast_in_dim3A_769 : vector<1x128xf32> to vector<256x128xf32>
      %eq3A_771 = arith.cmpf oeq, %select_n3A_766, %eq3A_770 : vector<256x128xf32>
      %jit3A_772 = arith.constant 256 : i32
      %broadcast_in_dim3A_773 = vector.broadcast %jit3A_772 : i32 to vector<256x128xi32>
      %select_n3A_774 = arith.select %eq3A_771, %iota3A_643, %broadcast_in_dim3A_773 : vector<256x128xi1>, vector<256x128xi32>
      %reduce_min3A_775 = arith.constant dense<2147483647> : vector<128xi32>
      %reduce_min3A_776 = vector.multi_reduction <minsi>, %select_n3A_774, %reduce_min3A_775 [0] : vector<256x128xi32> to vector<128xi32>
      %broadcast_in_dim3A_777 = vector.shape_cast %reduce_min3A_776 : vector<128xi32> to vector<1x128xi32>
      %eq3A_778 = vector.broadcast %broadcast_in_dim3A_777 : vector<1x128xi32> to vector<256x128xi32>
      %eq3A_779 = arith.cmpi eq, %iota3A_643, %eq3A_778 : vector<256x128xi32>
      %jit3A_780 = arith.constant 4096 : i32
      %broadcast_in_dim3A_781 = vector.broadcast %jit3A_780 : i32 to vector<256x128xi32>
      %select_n3A_782 = arith.select %eq3A_779, %get3A_642, %broadcast_in_dim3A_781 : vector<256x128xi1>, vector<256x128xi32>
      %reduce_min3A_783 = arith.constant dense<2147483647> : vector<128xi32>
      %reduce_min3A_784 = vector.multi_reduction <minsi>, %select_n3A_782, %reduce_min3A_783 [0] : vector<256x128xi32> to vector<128xi32>
      %broadcast_in_dim3A_785 = vector.shape_cast %reduce_min3A_784 : vector<128xi32> to vector<1x128xi32>
      %broadcast_in_dim3A_786 = vector.broadcast %cond3A : f32 to vector<256x128xf32>
      %select_n3A_787 = arith.select %eq3A_779, %broadcast_in_dim3A_786, %select_n3A_766 : vector<256x128xi1>, vector<256x128xf32>
      %reduce_min3A_788 = arith.constant dense<0x7F800000> : vector<128xf32>
      %reduce_min3A_789 = vector.multi_reduction <minimumf>, %select_n3A_787, %reduce_min3A_788 [0] : vector<256x128xf32> to vector<128xf32>
      %broadcast_in_dim3A_790 = vector.shape_cast %reduce_min3A_789 : vector<128xf32> to vector<1x128xf32>
      %eq3A_791 = vector.broadcast %broadcast_in_dim3A_790 : vector<1x128xf32> to vector<256x128xf32>
      %eq3A_792 = arith.cmpf oeq, %select_n3A_787, %eq3A_791 : vector<256x128xf32>
      %jit3A_793 = arith.constant 256 : i32
      %broadcast_in_dim3A_794 = vector.broadcast %jit3A_793 : i32 to vector<256x128xi32>
      %select_n3A_795 = arith.select %eq3A_792, %iota3A_643, %broadcast_in_dim3A_794 : vector<256x128xi1>, vector<256x128xi32>
      %reduce_min3A_796 = arith.constant dense<2147483647> : vector<128xi32>
      %reduce_min3A_797 = vector.multi_reduction <minsi>, %select_n3A_795, %reduce_min3A_796 [0] : vector<256x128xi32> to vector<128xi32>
      %broadcast_in_dim3A_798 = vector.shape_cast %reduce_min3A_797 : vector<128xi32> to vector<1x128xi32>
      %eq3A_799 = vector.broadcast %broadcast_in_dim3A_798 : vector<1x128xi32> to vector<256x128xi32>
      %eq3A_800 = arith.cmpi eq, %iota3A_643, %eq3A_799 : vector<256x128xi32>
      %jit3A_801 = arith.constant 4096 : i32
      %broadcast_in_dim3A_802 = vector.broadcast %jit3A_801 : i32 to vector<256x128xi32>
      %select_n3A_803 = arith.select %eq3A_800, %get3A_642, %broadcast_in_dim3A_802 : vector<256x128xi1>, vector<256x128xi32>
      %reduce_min3A_804 = arith.constant dense<2147483647> : vector<128xi32>
      %reduce_min3A_805 = vector.multi_reduction <minsi>, %select_n3A_803, %reduce_min3A_804 [0] : vector<256x128xi32> to vector<128xi32>
      %broadcast_in_dim3A_806 = vector.shape_cast %reduce_min3A_805 : vector<128xi32> to vector<1x128xi32>
      %broadcast_in_dim3A_807 = vector.broadcast %cond3A : f32 to vector<256x128xf32>
      %select_n3A_808 = arith.select %eq3A_800, %broadcast_in_dim3A_807, %select_n3A_787 : vector<256x128xi1>, vector<256x128xf32>
      %reduce_min3A_809 = arith.constant dense<0x7F800000> : vector<128xf32>
      %reduce_min3A_810 = vector.multi_reduction <minimumf>, %select_n3A_808, %reduce_min3A_809 [0] : vector<256x128xf32> to vector<128xf32>
      %broadcast_in_dim3A_811 = vector.shape_cast %reduce_min3A_810 : vector<128xf32> to vector<1x128xf32>
      %eq3A_812 = vector.broadcast %broadcast_in_dim3A_811 : vector<1x128xf32> to vector<256x128xf32>
      %eq3A_813 = arith.cmpf oeq, %select_n3A_808, %eq3A_812 : vector<256x128xf32>
      %jit3A_814 = arith.constant 256 : i32
      %broadcast_in_dim3A_815 = vector.broadcast %jit3A_814 : i32 to vector<256x128xi32>
      %select_n3A_816 = arith.select %eq3A_813, %iota3A_643, %broadcast_in_dim3A_815 : vector<256x128xi1>, vector<256x128xi32>
      %reduce_min3A_817 = arith.constant dense<2147483647> : vector<128xi32>
      %reduce_min3A_818 = vector.multi_reduction <minsi>, %select_n3A_816, %reduce_min3A_817 [0] : vector<256x128xi32> to vector<128xi32>
      %broadcast_in_dim3A_819 = vector.shape_cast %reduce_min3A_818 : vector<128xi32> to vector<1x128xi32>
      %eq3A_820 = vector.broadcast %broadcast_in_dim3A_819 : vector<1x128xi32> to vector<256x128xi32>
      %eq3A_821 = arith.cmpi eq, %iota3A_643, %eq3A_820 : vector<256x128xi32>
      %jit3A_822 = arith.constant 4096 : i32
      %broadcast_in_dim3A_823 = vector.broadcast %jit3A_822 : i32 to vector<256x128xi32>
      %select_n3A_824 = arith.select %eq3A_821, %get3A_642, %broadcast_in_dim3A_823 : vector<256x128xi1>, vector<256x128xi32>
      %reduce_min3A_825 = arith.constant dense<2147483647> : vector<128xi32>
      %reduce_min3A_826 = vector.multi_reduction <minsi>, %select_n3A_824, %reduce_min3A_825 [0] : vector<256x128xi32> to vector<128xi32>
      %broadcast_in_dim3A_827 = vector.shape_cast %reduce_min3A_826 : vector<128xi32> to vector<1x128xi32>
      %broadcast_in_dim3A_828 = vector.broadcast %cond3A : f32 to vector<256x128xf32>
      %select_n3A_829 = arith.select %eq3A_821, %broadcast_in_dim3A_828, %select_n3A_808 : vector<256x128xi1>, vector<256x128xf32>
      %reduce_min3A_830 = arith.constant dense<0x7F800000> : vector<128xf32>
      %reduce_min3A_831 = vector.multi_reduction <minimumf>, %select_n3A_829, %reduce_min3A_830 [0] : vector<256x128xf32> to vector<128xf32>
      %broadcast_in_dim3A_832 = vector.shape_cast %reduce_min3A_831 : vector<128xf32> to vector<1x128xf32>
      %eq3A_833 = vector.broadcast %broadcast_in_dim3A_832 : vector<1x128xf32> to vector<256x128xf32>
      %eq3A_834 = arith.cmpf oeq, %select_n3A_829, %eq3A_833 : vector<256x128xf32>
      %jit3A_835 = arith.constant 256 : i32
      %broadcast_in_dim3A_836 = vector.broadcast %jit3A_835 : i32 to vector<256x128xi32>
      %select_n3A_837 = arith.select %eq3A_834, %iota3A_643, %broadcast_in_dim3A_836 : vector<256x128xi1>, vector<256x128xi32>
      %reduce_min3A_838 = arith.constant dense<2147483647> : vector<128xi32>
      %reduce_min3A_839 = vector.multi_reduction <minsi>, %select_n3A_837, %reduce_min3A_838 [0] : vector<256x128xi32> to vector<128xi32>
      %broadcast_in_dim3A_840 = vector.shape_cast %reduce_min3A_839 : vector<128xi32> to vector<1x128xi32>
      %eq3A_841 = vector.broadcast %broadcast_in_dim3A_840 : vector<1x128xi32> to vector<256x128xi32>
      %eq3A_842 = arith.cmpi eq, %iota3A_643, %eq3A_841 : vector<256x128xi32>
      %jit3A_843 = arith.constant 4096 : i32
      %broadcast_in_dim3A_844 = vector.broadcast %jit3A_843 : i32 to vector<256x128xi32>
      %select_n3A_845 = arith.select %eq3A_842, %get3A_642, %broadcast_in_dim3A_844 : vector<256x128xi1>, vector<256x128xi32>
      %reduce_min3A_846 = arith.constant dense<2147483647> : vector<128xi32>
      %reduce_min3A_847 = vector.multi_reduction <minsi>, %select_n3A_845, %reduce_min3A_846 [0] : vector<256x128xi32> to vector<128xi32>
      %broadcast_in_dim3A_848 = vector.shape_cast %reduce_min3A_847 : vector<128xi32> to vector<1x128xi32>
      %broadcast_in_dim3A_849 = vector.broadcast %cond3A : f32 to vector<256x128xf32>
      %select_n3A_850 = arith.select %eq3A_842, %broadcast_in_dim3A_849, %select_n3A_829 : vector<256x128xi1>, vector<256x128xf32>
      %reduce_min3A_851 = arith.constant dense<0x7F800000> : vector<128xf32>
      %reduce_min3A_852 = vector.multi_reduction <minimumf>, %select_n3A_850, %reduce_min3A_851 [0] : vector<256x128xf32> to vector<128xf32>
      %broadcast_in_dim3A_853 = vector.shape_cast %reduce_min3A_852 : vector<128xf32> to vector<1x128xf32>
      %eq3A_854 = vector.broadcast %broadcast_in_dim3A_853 : vector<1x128xf32> to vector<256x128xf32>
      %eq3A_855 = arith.cmpf oeq, %select_n3A_850, %eq3A_854 : vector<256x128xf32>
      %jit3A_856 = arith.constant 256 : i32
      %broadcast_in_dim3A_857 = vector.broadcast %jit3A_856 : i32 to vector<256x128xi32>
      %select_n3A_858 = arith.select %eq3A_855, %iota3A_643, %broadcast_in_dim3A_857 : vector<256x128xi1>, vector<256x128xi32>
      %reduce_min3A_859 = arith.constant dense<2147483647> : vector<128xi32>
      %reduce_min3A_860 = vector.multi_reduction <minsi>, %select_n3A_858, %reduce_min3A_859 [0] : vector<256x128xi32> to vector<128xi32>
      %broadcast_in_dim3A_861 = vector.shape_cast %reduce_min3A_860 : vector<128xi32> to vector<1x128xi32>
      %eq3A_862 = vector.broadcast %broadcast_in_dim3A_861 : vector<1x128xi32> to vector<256x128xi32>
      %eq3A_863 = arith.cmpi eq, %iota3A_643, %eq3A_862 : vector<256x128xi32>
      %jit3A_864 = arith.constant 4096 : i32
      %broadcast_in_dim3A_865 = vector.broadcast %jit3A_864 : i32 to vector<256x128xi32>
      %select_n3A_866 = arith.select %eq3A_863, %get3A_642, %broadcast_in_dim3A_865 : vector<256x128xi1>, vector<256x128xi32>
      %reduce_min3A_867 = arith.constant dense<2147483647> : vector<128xi32>
      %reduce_min3A_868 = vector.multi_reduction <minsi>, %select_n3A_866, %reduce_min3A_867 [0] : vector<256x128xi32> to vector<128xi32>
      %broadcast_in_dim3A_869 = vector.shape_cast %reduce_min3A_868 : vector<128xi32> to vector<1x128xi32>
      %broadcast_in_dim3A_870 = vector.broadcast %cond3A : f32 to vector<256x128xf32>
      %select_n3A_871 = arith.select %eq3A_863, %broadcast_in_dim3A_870, %select_n3A_850 : vector<256x128xi1>, vector<256x128xf32>
      %reduce_min3A_872 = arith.constant dense<0x7F800000> : vector<128xf32>
      %reduce_min3A_873 = vector.multi_reduction <minimumf>, %select_n3A_871, %reduce_min3A_872 [0] : vector<256x128xf32> to vector<128xf32>
      %broadcast_in_dim3A_874 = vector.shape_cast %reduce_min3A_873 : vector<128xf32> to vector<1x128xf32>
      %eq3A_875 = vector.broadcast %broadcast_in_dim3A_874 : vector<1x128xf32> to vector<256x128xf32>
      %eq3A_876 = arith.cmpf oeq, %select_n3A_871, %eq3A_875 : vector<256x128xf32>
      %jit3A_877 = arith.constant 256 : i32
      %broadcast_in_dim3A_878 = vector.broadcast %jit3A_877 : i32 to vector<256x128xi32>
      %select_n3A_879 = arith.select %eq3A_876, %iota3A_643, %broadcast_in_dim3A_878 : vector<256x128xi1>, vector<256x128xi32>
      %reduce_min3A_880 = arith.constant dense<2147483647> : vector<128xi32>
      %reduce_min3A_881 = vector.multi_reduction <minsi>, %select_n3A_879, %reduce_min3A_880 [0] : vector<256x128xi32> to vector<128xi32>
      %broadcast_in_dim3A_882 = vector.shape_cast %reduce_min3A_881 : vector<128xi32> to vector<1x128xi32>
      %eq3A_883 = vector.broadcast %broadcast_in_dim3A_882 : vector<1x128xi32> to vector<256x128xi32>
      %eq3A_884 = arith.cmpi eq, %iota3A_643, %eq3A_883 : vector<256x128xi32>
      %jit3A_885 = arith.constant 4096 : i32
      %broadcast_in_dim3A_886 = vector.broadcast %jit3A_885 : i32 to vector<256x128xi32>
      %select_n3A_887 = arith.select %eq3A_884, %get3A_642, %broadcast_in_dim3A_886 : vector<256x128xi1>, vector<256x128xi32>
      %reduce_min3A_888 = arith.constant dense<2147483647> : vector<128xi32>
      %reduce_min3A_889 = vector.multi_reduction <minsi>, %select_n3A_887, %reduce_min3A_888 [0] : vector<256x128xi32> to vector<128xi32>
      %broadcast_in_dim3A_890 = vector.shape_cast %reduce_min3A_889 : vector<128xi32> to vector<1x128xi32>
      %broadcast_in_dim3A_891 = vector.broadcast %cond3A : f32 to vector<256x128xf32>
      %select_n3A_892 = arith.select %eq3A_884, %broadcast_in_dim3A_891, %select_n3A_871 : vector<256x128xi1>, vector<256x128xf32>
      %reduce_min3A_893 = arith.constant dense<0x7F800000> : vector<128xf32>
      %reduce_min3A_894 = vector.multi_reduction <minimumf>, %select_n3A_892, %reduce_min3A_893 [0] : vector<256x128xf32> to vector<128xf32>
      %broadcast_in_dim3A_895 = vector.shape_cast %reduce_min3A_894 : vector<128xf32> to vector<1x128xf32>
      %eq3A_896 = vector.broadcast %broadcast_in_dim3A_895 : vector<1x128xf32> to vector<256x128xf32>
      %eq3A_897 = arith.cmpf oeq, %select_n3A_892, %eq3A_896 : vector<256x128xf32>
      %jit3A_898 = arith.constant 256 : i32
      %broadcast_in_dim3A_899 = vector.broadcast %jit3A_898 : i32 to vector<256x128xi32>
      %select_n3A_900 = arith.select %eq3A_897, %iota3A_643, %broadcast_in_dim3A_899 : vector<256x128xi1>, vector<256x128xi32>
      %reduce_min3A_901 = arith.constant dense<2147483647> : vector<128xi32>
      %reduce_min3A_902 = vector.multi_reduction <minsi>, %select_n3A_900, %reduce_min3A_901 [0] : vector<256x128xi32> to vector<128xi32>
      %broadcast_in_dim3A_903 = vector.shape_cast %reduce_min3A_902 : vector<128xi32> to vector<1x128xi32>
      %eq3A_904 = vector.broadcast %broadcast_in_dim3A_903 : vector<1x128xi32> to vector<256x128xi32>
      %eq3A_905 = arith.cmpi eq, %iota3A_643, %eq3A_904 : vector<256x128xi32>
      %jit3A_906 = arith.constant 4096 : i32
      %broadcast_in_dim3A_907 = vector.broadcast %jit3A_906 : i32 to vector<256x128xi32>
      %select_n3A_908 = arith.select %eq3A_905, %get3A_642, %broadcast_in_dim3A_907 : vector<256x128xi1>, vector<256x128xi32>
      %reduce_min3A_909 = arith.constant dense<2147483647> : vector<128xi32>
      %reduce_min3A_910 = vector.multi_reduction <minsi>, %select_n3A_908, %reduce_min3A_909 [0] : vector<256x128xi32> to vector<128xi32>
      %broadcast_in_dim3A_911 = vector.shape_cast %reduce_min3A_910 : vector<128xi32> to vector<1x128xi32>
      %broadcast_in_dim3A_912 = vector.broadcast %cond3A : f32 to vector<256x128xf32>
      %select_n3A_913 = arith.select %eq3A_905, %broadcast_in_dim3A_912, %select_n3A_892 : vector<256x128xi1>, vector<256x128xf32>
      %reduce_min3A_914 = arith.constant dense<0x7F800000> : vector<128xf32>
      %reduce_min3A_915 = vector.multi_reduction <minimumf>, %select_n3A_913, %reduce_min3A_914 [0] : vector<256x128xf32> to vector<128xf32>
      %broadcast_in_dim3A_916 = vector.shape_cast %reduce_min3A_915 : vector<128xf32> to vector<1x128xf32>
      %eq3A_917 = vector.broadcast %broadcast_in_dim3A_916 : vector<1x128xf32> to vector<256x128xf32>
      %eq3A_918 = arith.cmpf oeq, %select_n3A_913, %eq3A_917 : vector<256x128xf32>
      %jit3A_919 = arith.constant 256 : i32
      %broadcast_in_dim3A_920 = vector.broadcast %jit3A_919 : i32 to vector<256x128xi32>
      %select_n3A_921 = arith.select %eq3A_918, %iota3A_643, %broadcast_in_dim3A_920 : vector<256x128xi1>, vector<256x128xi32>
      %reduce_min3A_922 = arith.constant dense<2147483647> : vector<128xi32>
      %reduce_min3A_923 = vector.multi_reduction <minsi>, %select_n3A_921, %reduce_min3A_922 [0] : vector<256x128xi32> to vector<128xi32>
      %broadcast_in_dim3A_924 = vector.shape_cast %reduce_min3A_923 : vector<128xi32> to vector<1x128xi32>
      %eq3A_925 = vector.broadcast %broadcast_in_dim3A_924 : vector<1x128xi32> to vector<256x128xi32>
      %eq3A_926 = arith.cmpi eq, %iota3A_643, %eq3A_925 : vector<256x128xi32>
      %jit3A_927 = arith.constant 4096 : i32
      %broadcast_in_dim3A_928 = vector.broadcast %jit3A_927 : i32 to vector<256x128xi32>
      %select_n3A_929 = arith.select %eq3A_926, %get3A_642, %broadcast_in_dim3A_928 : vector<256x128xi1>, vector<256x128xi32>
      %reduce_min3A_930 = arith.constant dense<2147483647> : vector<128xi32>
      %reduce_min3A_931 = vector.multi_reduction <minsi>, %select_n3A_929, %reduce_min3A_930 [0] : vector<256x128xi32> to vector<128xi32>
      %broadcast_in_dim3A_932 = vector.shape_cast %reduce_min3A_931 : vector<128xi32> to vector<1x128xi32>
      %broadcast_in_dim3A_933 = vector.broadcast %cond3A : f32 to vector<256x128xf32>
      %select_n3A_934 = arith.select %eq3A_926, %broadcast_in_dim3A_933, %select_n3A_913 : vector<256x128xi1>, vector<256x128xf32>
      %reduce_min3A_935 = arith.constant dense<0x7F800000> : vector<128xf32>
      %reduce_min3A_936 = vector.multi_reduction <minimumf>, %select_n3A_934, %reduce_min3A_935 [0] : vector<256x128xf32> to vector<128xf32>
      %broadcast_in_dim3A_937 = vector.shape_cast %reduce_min3A_936 : vector<128xf32> to vector<1x128xf32>
      %eq3A_938 = vector.broadcast %broadcast_in_dim3A_937 : vector<1x128xf32> to vector<256x128xf32>
      %eq3A_939 = arith.cmpf oeq, %select_n3A_934, %eq3A_938 : vector<256x128xf32>
      %jit3A_940 = arith.constant 256 : i32
      %broadcast_in_dim3A_941 = vector.broadcast %jit3A_940 : i32 to vector<256x128xi32>
      %select_n3A_942 = arith.select %eq3A_939, %iota3A_643, %broadcast_in_dim3A_941 : vector<256x128xi1>, vector<256x128xi32>
      %reduce_min3A_943 = arith.constant dense<2147483647> : vector<128xi32>
      %reduce_min3A_944 = vector.multi_reduction <minsi>, %select_n3A_942, %reduce_min3A_943 [0] : vector<256x128xi32> to vector<128xi32>
      %broadcast_in_dim3A_945 = vector.shape_cast %reduce_min3A_944 : vector<128xi32> to vector<1x128xi32>
      %eq3A_946 = vector.broadcast %broadcast_in_dim3A_945 : vector<1x128xi32> to vector<256x128xi32>
      %eq3A_947 = arith.cmpi eq, %iota3A_643, %eq3A_946 : vector<256x128xi32>
      %jit3A_948 = arith.constant 4096 : i32
      %broadcast_in_dim3A_949 = vector.broadcast %jit3A_948 : i32 to vector<256x128xi32>
      %select_n3A_950 = arith.select %eq3A_947, %get3A_642, %broadcast_in_dim3A_949 : vector<256x128xi1>, vector<256x128xi32>
      %reduce_min3A_951 = arith.constant dense<2147483647> : vector<128xi32>
      %reduce_min3A_952 = vector.multi_reduction <minsi>, %select_n3A_950, %reduce_min3A_951 [0] : vector<256x128xi32> to vector<128xi32>
      %broadcast_in_dim3A_953 = vector.shape_cast %reduce_min3A_952 : vector<128xi32> to vector<1x128xi32>
      %broadcast_in_dim3A_954 = vector.broadcast %cond3A : f32 to vector<256x128xf32>
      %select_n3A_955 = arith.select %eq3A_947, %broadcast_in_dim3A_954, %select_n3A_934 : vector<256x128xi1>, vector<256x128xf32>
      %reduce_min3A_956 = arith.constant dense<0x7F800000> : vector<128xf32>
      %reduce_min3A_957 = vector.multi_reduction <minimumf>, %select_n3A_955, %reduce_min3A_956 [0] : vector<256x128xf32> to vector<128xf32>
      %broadcast_in_dim3A_958 = vector.shape_cast %reduce_min3A_957 : vector<128xf32> to vector<1x128xf32>
      %eq3A_959 = vector.broadcast %broadcast_in_dim3A_958 : vector<1x128xf32> to vector<256x128xf32>
      %eq3A_960 = arith.cmpf oeq, %select_n3A_955, %eq3A_959 : vector<256x128xf32>
      %jit3A_961 = arith.constant 256 : i32
      %broadcast_in_dim3A_962 = vector.broadcast %jit3A_961 : i32 to vector<256x128xi32>
      %select_n3A_963 = arith.select %eq3A_960, %iota3A_643, %broadcast_in_dim3A_962 : vector<256x128xi1>, vector<256x128xi32>
      %reduce_min3A_964 = arith.constant dense<2147483647> : vector<128xi32>
      %reduce_min3A_965 = vector.multi_reduction <minsi>, %select_n3A_963, %reduce_min3A_964 [0] : vector<256x128xi32> to vector<128xi32>
      %broadcast_in_dim3A_966 = vector.shape_cast %reduce_min3A_965 : vector<128xi32> to vector<1x128xi32>
      %eq3A_967 = vector.broadcast %broadcast_in_dim3A_966 : vector<1x128xi32> to vector<256x128xi32>
      %eq3A_968 = arith.cmpi eq, %iota3A_643, %eq3A_967 : vector<256x128xi32>
      %jit3A_969 = arith.constant 4096 : i32
      %broadcast_in_dim3A_970 = vector.broadcast %jit3A_969 : i32 to vector<256x128xi32>
      %select_n3A_971 = arith.select %eq3A_968, %get3A_642, %broadcast_in_dim3A_970 : vector<256x128xi1>, vector<256x128xi32>
      %reduce_min3A_972 = arith.constant dense<2147483647> : vector<128xi32>
      %reduce_min3A_973 = vector.multi_reduction <minsi>, %select_n3A_971, %reduce_min3A_972 [0] : vector<256x128xi32> to vector<128xi32>
      %broadcast_in_dim3A_974 = vector.shape_cast %reduce_min3A_973 : vector<128xi32> to vector<1x128xi32>
      %broadcast_in_dim3A_975 = vector.broadcast %cond3A : f32 to vector<256x128xf32>
      %select_n3A_976 = arith.select %eq3A_968, %broadcast_in_dim3A_975, %select_n3A_955 : vector<256x128xi1>, vector<256x128xf32>
      %reduce_min3A_977 = arith.constant dense<0x7F800000> : vector<128xf32>
      %reduce_min3A_978 = vector.multi_reduction <minimumf>, %select_n3A_976, %reduce_min3A_977 [0] : vector<256x128xf32> to vector<128xf32>
      %broadcast_in_dim3A_979 = vector.shape_cast %reduce_min3A_978 : vector<128xf32> to vector<1x128xf32>
      %eq3A_980 = vector.broadcast %broadcast_in_dim3A_979 : vector<1x128xf32> to vector<256x128xf32>
      %eq3A_981 = arith.cmpf oeq, %select_n3A_976, %eq3A_980 : vector<256x128xf32>
      %jit3A_982 = arith.constant 256 : i32
      %broadcast_in_dim3A_983 = vector.broadcast %jit3A_982 : i32 to vector<256x128xi32>
      %select_n3A_984 = arith.select %eq3A_981, %iota3A_643, %broadcast_in_dim3A_983 : vector<256x128xi1>, vector<256x128xi32>
      %reduce_min3A_985 = arith.constant dense<2147483647> : vector<128xi32>
      %reduce_min3A_986 = vector.multi_reduction <minsi>, %select_n3A_984, %reduce_min3A_985 [0] : vector<256x128xi32> to vector<128xi32>
      %broadcast_in_dim3A_987 = vector.shape_cast %reduce_min3A_986 : vector<128xi32> to vector<1x128xi32>
      %eq3A_988 = vector.broadcast %broadcast_in_dim3A_987 : vector<1x128xi32> to vector<256x128xi32>
      %eq3A_989 = arith.cmpi eq, %iota3A_643, %eq3A_988 : vector<256x128xi32>
      %jit3A_990 = arith.constant 4096 : i32
      %broadcast_in_dim3A_991 = vector.broadcast %jit3A_990 : i32 to vector<256x128xi32>
      %select_n3A_992 = arith.select %eq3A_989, %get3A_642, %broadcast_in_dim3A_991 : vector<256x128xi1>, vector<256x128xi32>
      %reduce_min3A_993 = arith.constant dense<2147483647> : vector<128xi32>
      %reduce_min3A_994 = vector.multi_reduction <minsi>, %select_n3A_992, %reduce_min3A_993 [0] : vector<256x128xi32> to vector<128xi32>
      %broadcast_in_dim3A_995 = vector.shape_cast %reduce_min3A_994 : vector<128xi32> to vector<1x128xi32>
      %broadcast_in_dim3A_996 = vector.broadcast %cond3A : f32 to vector<256x128xf32>
      %select_n3A_997 = arith.select %eq3A_989, %broadcast_in_dim3A_996, %select_n3A_976 : vector<256x128xi1>, vector<256x128xf32>
      %reduce_min3A_998 = arith.constant dense<0x7F800000> : vector<128xf32>
      %reduce_min3A_999 = vector.multi_reduction <minimumf>, %select_n3A_997, %reduce_min3A_998 [0] : vector<256x128xf32> to vector<128xf32>
      %broadcast_in_dim3A_1000 = vector.shape_cast %reduce_min3A_999 : vector<128xf32> to vector<1x128xf32>
      %eq3A_1001 = vector.broadcast %broadcast_in_dim3A_1000 : vector<1x128xf32> to vector<256x128xf32>
      %eq3A_1002 = arith.cmpf oeq, %select_n3A_997, %eq3A_1001 : vector<256x128xf32>
      %jit3A_1003 = arith.constant 256 : i32
      %broadcast_in_dim3A_1004 = vector.broadcast %jit3A_1003 : i32 to vector<256x128xi32>
      %select_n3A_1005 = arith.select %eq3A_1002, %iota3A_643, %broadcast_in_dim3A_1004 : vector<256x128xi1>, vector<256x128xi32>
      %reduce_min3A_1006 = arith.constant dense<2147483647> : vector<128xi32>
      %reduce_min3A_1007 = vector.multi_reduction <minsi>, %select_n3A_1005, %reduce_min3A_1006 [0] : vector<256x128xi32> to vector<128xi32>
      %broadcast_in_dim3A_1008 = vector.shape_cast %reduce_min3A_1007 : vector<128xi32> to vector<1x128xi32>
      %eq3A_1009 = vector.broadcast %broadcast_in_dim3A_1008 : vector<1x128xi32> to vector<256x128xi32>
      %eq3A_1010 = arith.cmpi eq, %iota3A_643, %eq3A_1009 : vector<256x128xi32>
      %jit3A_1011 = arith.constant 4096 : i32
      %broadcast_in_dim3A_1012 = vector.broadcast %jit3A_1011 : i32 to vector<256x128xi32>
      %select_n3A_1013 = arith.select %eq3A_1010, %get3A_642, %broadcast_in_dim3A_1012 : vector<256x128xi1>, vector<256x128xi32>
      %reduce_min3A_1014 = arith.constant dense<2147483647> : vector<128xi32>
      %reduce_min3A_1015 = vector.multi_reduction <minsi>, %select_n3A_1013, %reduce_min3A_1014 [0] : vector<256x128xi32> to vector<128xi32>
      %broadcast_in_dim3A_1016 = vector.shape_cast %reduce_min3A_1015 : vector<128xi32> to vector<1x128xi32>
      %broadcast_in_dim3A_1017 = vector.broadcast %cond3A : f32 to vector<256x128xf32>
      %select_n3A_1018 = arith.select %eq3A_1010, %broadcast_in_dim3A_1017, %select_n3A_997 : vector<256x128xi1>, vector<256x128xf32>
      %reduce_min3A_1019 = arith.constant dense<0x7F800000> : vector<128xf32>
      %reduce_min3A_1020 = vector.multi_reduction <minimumf>, %select_n3A_1018, %reduce_min3A_1019 [0] : vector<256x128xf32> to vector<128xf32>
      %broadcast_in_dim3A_1021 = vector.shape_cast %reduce_min3A_1020 : vector<128xf32> to vector<1x128xf32>
      %eq3A_1022 = vector.broadcast %broadcast_in_dim3A_1021 : vector<1x128xf32> to vector<256x128xf32>
      %eq3A_1023 = arith.cmpf oeq, %select_n3A_1018, %eq3A_1022 : vector<256x128xf32>
      %jit3A_1024 = arith.constant 256 : i32
      %broadcast_in_dim3A_1025 = vector.broadcast %jit3A_1024 : i32 to vector<256x128xi32>
      %select_n3A_1026 = arith.select %eq3A_1023, %iota3A_643, %broadcast_in_dim3A_1025 : vector<256x128xi1>, vector<256x128xi32>
      %reduce_min3A_1027 = arith.constant dense<2147483647> : vector<128xi32>
      %reduce_min3A_1028 = vector.multi_reduction <minsi>, %select_n3A_1026, %reduce_min3A_1027 [0] : vector<256x128xi32> to vector<128xi32>
      %broadcast_in_dim3A_1029 = vector.shape_cast %reduce_min3A_1028 : vector<128xi32> to vector<1x128xi32>
      %eq3A_1030 = vector.broadcast %broadcast_in_dim3A_1029 : vector<1x128xi32> to vector<256x128xi32>
      %eq3A_1031 = arith.cmpi eq, %iota3A_643, %eq3A_1030 : vector<256x128xi32>
      %jit3A_1032 = arith.constant 4096 : i32
      %broadcast_in_dim3A_1033 = vector.broadcast %jit3A_1032 : i32 to vector<256x128xi32>
      %select_n3A_1034 = arith.select %eq3A_1031, %get3A_642, %broadcast_in_dim3A_1033 : vector<256x128xi1>, vector<256x128xi32>
      %reduce_min3A_1035 = arith.constant dense<2147483647> : vector<128xi32>
      %reduce_min3A_1036 = vector.multi_reduction <minsi>, %select_n3A_1034, %reduce_min3A_1035 [0] : vector<256x128xi32> to vector<128xi32>
      %broadcast_in_dim3A_1037 = vector.shape_cast %reduce_min3A_1036 : vector<128xi32> to vector<1x128xi32>
      %broadcast_in_dim3A_1038 = vector.broadcast %cond3A : f32 to vector<256x128xf32>
      %select_n3A_1039 = arith.select %eq3A_1031, %broadcast_in_dim3A_1038, %select_n3A_1018 : vector<256x128xi1>, vector<256x128xf32>
      %reduce_min3A_1040 = arith.constant dense<0x7F800000> : vector<128xf32>
      %reduce_min3A_1041 = vector.multi_reduction <minimumf>, %select_n3A_1039, %reduce_min3A_1040 [0] : vector<256x128xf32> to vector<128xf32>
      %broadcast_in_dim3A_1042 = vector.shape_cast %reduce_min3A_1041 : vector<128xf32> to vector<1x128xf32>
      %eq3A_1043 = vector.broadcast %broadcast_in_dim3A_1042 : vector<1x128xf32> to vector<256x128xf32>
      %eq3A_1044 = arith.cmpf oeq, %select_n3A_1039, %eq3A_1043 : vector<256x128xf32>
      %jit3A_1045 = arith.constant 256 : i32
      %broadcast_in_dim3A_1046 = vector.broadcast %jit3A_1045 : i32 to vector<256x128xi32>
      %select_n3A_1047 = arith.select %eq3A_1044, %iota3A_643, %broadcast_in_dim3A_1046 : vector<256x128xi1>, vector<256x128xi32>
      %reduce_min3A_1048 = arith.constant dense<2147483647> : vector<128xi32>
      %reduce_min3A_1049 = vector.multi_reduction <minsi>, %select_n3A_1047, %reduce_min3A_1048 [0] : vector<256x128xi32> to vector<128xi32>
      %broadcast_in_dim3A_1050 = vector.shape_cast %reduce_min3A_1049 : vector<128xi32> to vector<1x128xi32>
      %eq3A_1051 = vector.broadcast %broadcast_in_dim3A_1050 : vector<1x128xi32> to vector<256x128xi32>
      %eq3A_1052 = arith.cmpi eq, %iota3A_643, %eq3A_1051 : vector<256x128xi32>
      %jit3A_1053 = arith.constant 4096 : i32
      %broadcast_in_dim3A_1054 = vector.broadcast %jit3A_1053 : i32 to vector<256x128xi32>
      %select_n3A_1055 = arith.select %eq3A_1052, %get3A_642, %broadcast_in_dim3A_1054 : vector<256x128xi1>, vector<256x128xi32>
      %reduce_min3A_1056 = arith.constant dense<2147483647> : vector<128xi32>
      %reduce_min3A_1057 = vector.multi_reduction <minsi>, %select_n3A_1055, %reduce_min3A_1056 [0] : vector<256x128xi32> to vector<128xi32>
      %broadcast_in_dim3A_1058 = vector.shape_cast %reduce_min3A_1057 : vector<128xi32> to vector<1x128xi32>
      %broadcast_in_dim3A_1059 = vector.broadcast %cond3A : f32 to vector<256x128xf32>
      %select_n3A_1060 = arith.select %eq3A_1052, %broadcast_in_dim3A_1059, %select_n3A_1039 : vector<256x128xi1>, vector<256x128xf32>
      %reduce_min3A_1061 = arith.constant dense<0x7F800000> : vector<128xf32>
      %reduce_min3A_1062 = vector.multi_reduction <minimumf>, %select_n3A_1060, %reduce_min3A_1061 [0] : vector<256x128xf32> to vector<128xf32>
      %broadcast_in_dim3A_1063 = vector.shape_cast %reduce_min3A_1062 : vector<128xf32> to vector<1x128xf32>
      %eq3A_1064 = vector.broadcast %broadcast_in_dim3A_1063 : vector<1x128xf32> to vector<256x128xf32>
      %eq3A_1065 = arith.cmpf oeq, %select_n3A_1060, %eq3A_1064 : vector<256x128xf32>
      %jit3A_1066 = arith.constant 256 : i32
      %broadcast_in_dim3A_1067 = vector.broadcast %jit3A_1066 : i32 to vector<256x128xi32>
      %select_n3A_1068 = arith.select %eq3A_1065, %iota3A_643, %broadcast_in_dim3A_1067 : vector<256x128xi1>, vector<256x128xi32>
      %reduce_min3A_1069 = arith.constant dense<2147483647> : vector<128xi32>
      %reduce_min3A_1070 = vector.multi_reduction <minsi>, %select_n3A_1068, %reduce_min3A_1069 [0] : vector<256x128xi32> to vector<128xi32>
      %broadcast_in_dim3A_1071 = vector.shape_cast %reduce_min3A_1070 : vector<128xi32> to vector<1x128xi32>
      %eq3A_1072 = vector.broadcast %broadcast_in_dim3A_1071 : vector<1x128xi32> to vector<256x128xi32>
      %eq3A_1073 = arith.cmpi eq, %iota3A_643, %eq3A_1072 : vector<256x128xi32>
      %jit3A_1074 = arith.constant 4096 : i32
      %broadcast_in_dim3A_1075 = vector.broadcast %jit3A_1074 : i32 to vector<256x128xi32>
      %select_n3A_1076 = arith.select %eq3A_1073, %get3A_642, %broadcast_in_dim3A_1075 : vector<256x128xi1>, vector<256x128xi32>
      %reduce_min3A_1077 = arith.constant dense<2147483647> : vector<128xi32>
      %reduce_min3A_1078 = vector.multi_reduction <minsi>, %select_n3A_1076, %reduce_min3A_1077 [0] : vector<256x128xi32> to vector<128xi32>
      %broadcast_in_dim3A_1079 = vector.shape_cast %reduce_min3A_1078 : vector<128xi32> to vector<1x128xi32>
      %broadcast_in_dim3A_1080 = vector.broadcast %cond3A : f32 to vector<256x128xf32>
      %select_n3A_1081 = arith.select %eq3A_1073, %broadcast_in_dim3A_1080, %select_n3A_1060 : vector<256x128xi1>, vector<256x128xf32>
      %reduce_min3A_1082 = arith.constant dense<0x7F800000> : vector<128xf32>
      %reduce_min3A_1083 = vector.multi_reduction <minimumf>, %select_n3A_1081, %reduce_min3A_1082 [0] : vector<256x128xf32> to vector<128xf32>
      %broadcast_in_dim3A_1084 = vector.shape_cast %reduce_min3A_1083 : vector<128xf32> to vector<1x128xf32>
      %eq3A_1085 = vector.broadcast %broadcast_in_dim3A_1084 : vector<1x128xf32> to vector<256x128xf32>
      %eq3A_1086 = arith.cmpf oeq, %select_n3A_1081, %eq3A_1085 : vector<256x128xf32>
      %jit3A_1087 = arith.constant 256 : i32
      %broadcast_in_dim3A_1088 = vector.broadcast %jit3A_1087 : i32 to vector<256x128xi32>
      %select_n3A_1089 = arith.select %eq3A_1086, %iota3A_643, %broadcast_in_dim3A_1088 : vector<256x128xi1>, vector<256x128xi32>
      %reduce_min3A_1090 = arith.constant dense<2147483647> : vector<128xi32>
      %reduce_min3A_1091 = vector.multi_reduction <minsi>, %select_n3A_1089, %reduce_min3A_1090 [0] : vector<256x128xi32> to vector<128xi32>
      %broadcast_in_dim3A_1092 = vector.shape_cast %reduce_min3A_1091 : vector<128xi32> to vector<1x128xi32>
      %eq3A_1093 = vector.broadcast %broadcast_in_dim3A_1092 : vector<1x128xi32> to vector<256x128xi32>
      %eq3A_1094 = arith.cmpi eq, %iota3A_643, %eq3A_1093 : vector<256x128xi32>
      %jit3A_1095 = arith.constant 4096 : i32
      %broadcast_in_dim3A_1096 = vector.broadcast %jit3A_1095 : i32 to vector<256x128xi32>
      %select_n3A_1097 = arith.select %eq3A_1094, %get3A_642, %broadcast_in_dim3A_1096 : vector<256x128xi1>, vector<256x128xi32>
      %reduce_min3A_1098 = arith.constant dense<2147483647> : vector<128xi32>
      %reduce_min3A_1099 = vector.multi_reduction <minsi>, %select_n3A_1097, %reduce_min3A_1098 [0] : vector<256x128xi32> to vector<128xi32>
      %broadcast_in_dim3A_1100 = vector.shape_cast %reduce_min3A_1099 : vector<128xi32> to vector<1x128xi32>
      %broadcast_in_dim3A_1101 = vector.broadcast %cond3A : f32 to vector<256x128xf32>
      %select_n3A_1102 = arith.select %eq3A_1094, %broadcast_in_dim3A_1101, %select_n3A_1081 : vector<256x128xi1>, vector<256x128xf32>
      %reduce_min3A_1103 = arith.constant dense<0x7F800000> : vector<128xf32>
      %reduce_min3A_1104 = vector.multi_reduction <minimumf>, %select_n3A_1102, %reduce_min3A_1103 [0] : vector<256x128xf32> to vector<128xf32>
      %broadcast_in_dim3A_1105 = vector.shape_cast %reduce_min3A_1104 : vector<128xf32> to vector<1x128xf32>
      %eq3A_1106 = vector.broadcast %broadcast_in_dim3A_1105 : vector<1x128xf32> to vector<256x128xf32>
      %eq3A_1107 = arith.cmpf oeq, %select_n3A_1102, %eq3A_1106 : vector<256x128xf32>
      %jit3A_1108 = arith.constant 256 : i32
      %broadcast_in_dim3A_1109 = vector.broadcast %jit3A_1108 : i32 to vector<256x128xi32>
      %select_n3A_1110 = arith.select %eq3A_1107, %iota3A_643, %broadcast_in_dim3A_1109 : vector<256x128xi1>, vector<256x128xi32>
      %reduce_min3A_1111 = arith.constant dense<2147483647> : vector<128xi32>
      %reduce_min3A_1112 = vector.multi_reduction <minsi>, %select_n3A_1110, %reduce_min3A_1111 [0] : vector<256x128xi32> to vector<128xi32>
      %broadcast_in_dim3A_1113 = vector.shape_cast %reduce_min3A_1112 : vector<128xi32> to vector<1x128xi32>
      %eq3A_1114 = vector.broadcast %broadcast_in_dim3A_1113 : vector<1x128xi32> to vector<256x128xi32>
      %eq3A_1115 = arith.cmpi eq, %iota3A_643, %eq3A_1114 : vector<256x128xi32>
      %jit3A_1116 = arith.constant 4096 : i32
      %broadcast_in_dim3A_1117 = vector.broadcast %jit3A_1116 : i32 to vector<256x128xi32>
      %select_n3A_1118 = arith.select %eq3A_1115, %get3A_642, %broadcast_in_dim3A_1117 : vector<256x128xi1>, vector<256x128xi32>
      %reduce_min3A_1119 = arith.constant dense<2147483647> : vector<128xi32>
      %reduce_min3A_1120 = vector.multi_reduction <minsi>, %select_n3A_1118, %reduce_min3A_1119 [0] : vector<256x128xi32> to vector<128xi32>
      %broadcast_in_dim3A_1121 = vector.shape_cast %reduce_min3A_1120 : vector<128xi32> to vector<1x128xi32>
      %broadcast_in_dim3A_1122 = vector.broadcast %cond3A : f32 to vector<256x128xf32>
      %select_n3A_1123 = arith.select %eq3A_1115, %broadcast_in_dim3A_1122, %select_n3A_1102 : vector<256x128xi1>, vector<256x128xf32>
      %reduce_min3A_1124 = arith.constant dense<0x7F800000> : vector<128xf32>
      %reduce_min3A_1125 = vector.multi_reduction <minimumf>, %select_n3A_1123, %reduce_min3A_1124 [0] : vector<256x128xf32> to vector<128xf32>
      %broadcast_in_dim3A_1126 = vector.shape_cast %reduce_min3A_1125 : vector<128xf32> to vector<1x128xf32>
      %eq3A_1127 = vector.broadcast %broadcast_in_dim3A_1126 : vector<1x128xf32> to vector<256x128xf32>
      %eq3A_1128 = arith.cmpf oeq, %select_n3A_1123, %eq3A_1127 : vector<256x128xf32>
      %jit3A_1129 = arith.constant 256 : i32
      %broadcast_in_dim3A_1130 = vector.broadcast %jit3A_1129 : i32 to vector<256x128xi32>
      %select_n3A_1131 = arith.select %eq3A_1128, %iota3A_643, %broadcast_in_dim3A_1130 : vector<256x128xi1>, vector<256x128xi32>
      %reduce_min3A_1132 = arith.constant dense<2147483647> : vector<128xi32>
      %reduce_min3A_1133 = vector.multi_reduction <minsi>, %select_n3A_1131, %reduce_min3A_1132 [0] : vector<256x128xi32> to vector<128xi32>
      %broadcast_in_dim3A_1134 = vector.shape_cast %reduce_min3A_1133 : vector<128xi32> to vector<1x128xi32>
      %eq3A_1135 = vector.broadcast %broadcast_in_dim3A_1134 : vector<1x128xi32> to vector<256x128xi32>
      %eq3A_1136 = arith.cmpi eq, %iota3A_643, %eq3A_1135 : vector<256x128xi32>
      %jit3A_1137 = arith.constant 4096 : i32
      %broadcast_in_dim3A_1138 = vector.broadcast %jit3A_1137 : i32 to vector<256x128xi32>
      %select_n3A_1139 = arith.select %eq3A_1136, %get3A_642, %broadcast_in_dim3A_1138 : vector<256x128xi1>, vector<256x128xi32>
      %reduce_min3A_1140 = arith.constant dense<2147483647> : vector<128xi32>
      %reduce_min3A_1141 = vector.multi_reduction <minsi>, %select_n3A_1139, %reduce_min3A_1140 [0] : vector<256x128xi32> to vector<128xi32>
      %broadcast_in_dim3A_1142 = vector.shape_cast %reduce_min3A_1141 : vector<128xi32> to vector<1x128xi32>
      %broadcast_in_dim3A_1143 = vector.broadcast %cond3A : f32 to vector<256x128xf32>
      %select_n3A_1144 = arith.select %eq3A_1136, %broadcast_in_dim3A_1143, %select_n3A_1123 : vector<256x128xi1>, vector<256x128xf32>
      %reduce_min3A_1145 = arith.constant dense<0x7F800000> : vector<128xf32>
      %reduce_min3A_1146 = vector.multi_reduction <minimumf>, %select_n3A_1144, %reduce_min3A_1145 [0] : vector<256x128xf32> to vector<128xf32>
      %broadcast_in_dim3A_1147 = vector.shape_cast %reduce_min3A_1146 : vector<128xf32> to vector<1x128xf32>
      %eq3A_1148 = vector.broadcast %broadcast_in_dim3A_1147 : vector<1x128xf32> to vector<256x128xf32>
      %eq3A_1149 = arith.cmpf oeq, %select_n3A_1144, %eq3A_1148 : vector<256x128xf32>
      %jit3A_1150 = arith.constant 256 : i32
      %broadcast_in_dim3A_1151 = vector.broadcast %jit3A_1150 : i32 to vector<256x128xi32>
      %select_n3A_1152 = arith.select %eq3A_1149, %iota3A_643, %broadcast_in_dim3A_1151 : vector<256x128xi1>, vector<256x128xi32>
      %reduce_min3A_1153 = arith.constant dense<2147483647> : vector<128xi32>
      %reduce_min3A_1154 = vector.multi_reduction <minsi>, %select_n3A_1152, %reduce_min3A_1153 [0] : vector<256x128xi32> to vector<128xi32>
      %broadcast_in_dim3A_1155 = vector.shape_cast %reduce_min3A_1154 : vector<128xi32> to vector<1x128xi32>
      %eq3A_1156 = vector.broadcast %broadcast_in_dim3A_1155 : vector<1x128xi32> to vector<256x128xi32>
      %eq3A_1157 = arith.cmpi eq, %iota3A_643, %eq3A_1156 : vector<256x128xi32>
      %jit3A_1158 = arith.constant 4096 : i32
      %broadcast_in_dim3A_1159 = vector.broadcast %jit3A_1158 : i32 to vector<256x128xi32>
      %select_n3A_1160 = arith.select %eq3A_1157, %get3A_642, %broadcast_in_dim3A_1159 : vector<256x128xi1>, vector<256x128xi32>
      %reduce_min3A_1161 = arith.constant dense<2147483647> : vector<128xi32>
      %reduce_min3A_1162 = vector.multi_reduction <minsi>, %select_n3A_1160, %reduce_min3A_1161 [0] : vector<256x128xi32> to vector<128xi32>
      %broadcast_in_dim3A_1163 = vector.shape_cast %reduce_min3A_1162 : vector<128xi32> to vector<1x128xi32>
      %broadcast_in_dim3A_1164 = vector.broadcast %cond3A : f32 to vector<256x128xf32>
      %select_n3A_1165 = arith.select %eq3A_1157, %broadcast_in_dim3A_1164, %select_n3A_1144 : vector<256x128xi1>, vector<256x128xf32>
      %reduce_min3A_1166 = arith.constant dense<0x7F800000> : vector<128xf32>
      %reduce_min3A_1167 = vector.multi_reduction <minimumf>, %select_n3A_1165, %reduce_min3A_1166 [0] : vector<256x128xf32> to vector<128xf32>
      %broadcast_in_dim3A_1168 = vector.shape_cast %reduce_min3A_1167 : vector<128xf32> to vector<1x128xf32>
      %eq3A_1169 = vector.broadcast %broadcast_in_dim3A_1168 : vector<1x128xf32> to vector<256x128xf32>
      %eq3A_1170 = arith.cmpf oeq, %select_n3A_1165, %eq3A_1169 : vector<256x128xf32>
      %jit3A_1171 = arith.constant 256 : i32
      %broadcast_in_dim3A_1172 = vector.broadcast %jit3A_1171 : i32 to vector<256x128xi32>
      %select_n3A_1173 = arith.select %eq3A_1170, %iota3A_643, %broadcast_in_dim3A_1172 : vector<256x128xi1>, vector<256x128xi32>
      %reduce_min3A_1174 = arith.constant dense<2147483647> : vector<128xi32>
      %reduce_min3A_1175 = vector.multi_reduction <minsi>, %select_n3A_1173, %reduce_min3A_1174 [0] : vector<256x128xi32> to vector<128xi32>
      %broadcast_in_dim3A_1176 = vector.shape_cast %reduce_min3A_1175 : vector<128xi32> to vector<1x128xi32>
      %eq3A_1177 = vector.broadcast %broadcast_in_dim3A_1176 : vector<1x128xi32> to vector<256x128xi32>
      %eq3A_1178 = arith.cmpi eq, %iota3A_643, %eq3A_1177 : vector<256x128xi32>
      %jit3A_1179 = arith.constant 4096 : i32
      %broadcast_in_dim3A_1180 = vector.broadcast %jit3A_1179 : i32 to vector<256x128xi32>
      %select_n3A_1181 = arith.select %eq3A_1178, %get3A_642, %broadcast_in_dim3A_1180 : vector<256x128xi1>, vector<256x128xi32>
      %reduce_min3A_1182 = arith.constant dense<2147483647> : vector<128xi32>
      %reduce_min3A_1183 = vector.multi_reduction <minsi>, %select_n3A_1181, %reduce_min3A_1182 [0] : vector<256x128xi32> to vector<128xi32>
      %broadcast_in_dim3A_1184 = vector.shape_cast %reduce_min3A_1183 : vector<128xi32> to vector<1x128xi32>
      %broadcast_in_dim3A_1185 = vector.broadcast %cond3A : f32 to vector<256x128xf32>
      %select_n3A_1186 = arith.select %eq3A_1178, %broadcast_in_dim3A_1185, %select_n3A_1165 : vector<256x128xi1>, vector<256x128xf32>
      %reduce_min3A_1187 = arith.constant dense<0x7F800000> : vector<128xf32>
      %reduce_min3A_1188 = vector.multi_reduction <minimumf>, %select_n3A_1186, %reduce_min3A_1187 [0] : vector<256x128xf32> to vector<128xf32>
      %broadcast_in_dim3A_1189 = vector.shape_cast %reduce_min3A_1188 : vector<128xf32> to vector<1x128xf32>
      %eq3A_1190 = vector.broadcast %broadcast_in_dim3A_1189 : vector<1x128xf32> to vector<256x128xf32>
      %eq3A_1191 = arith.cmpf oeq, %select_n3A_1186, %eq3A_1190 : vector<256x128xf32>
      %jit3A_1192 = arith.constant 256 : i32
      %broadcast_in_dim3A_1193 = vector.broadcast %jit3A_1192 : i32 to vector<256x128xi32>
      %select_n3A_1194 = arith.select %eq3A_1191, %iota3A_643, %broadcast_in_dim3A_1193 : vector<256x128xi1>, vector<256x128xi32>
      %reduce_min3A_1195 = arith.constant dense<2147483647> : vector<128xi32>
      %reduce_min3A_1196 = vector.multi_reduction <minsi>, %select_n3A_1194, %reduce_min3A_1195 [0] : vector<256x128xi32> to vector<128xi32>
      %broadcast_in_dim3A_1197 = vector.shape_cast %reduce_min3A_1196 : vector<128xi32> to vector<1x128xi32>
      %eq3A_1198 = vector.broadcast %broadcast_in_dim3A_1197 : vector<1x128xi32> to vector<256x128xi32>
      %eq3A_1199 = arith.cmpi eq, %iota3A_643, %eq3A_1198 : vector<256x128xi32>
      %jit3A_1200 = arith.constant 4096 : i32
      %broadcast_in_dim3A_1201 = vector.broadcast %jit3A_1200 : i32 to vector<256x128xi32>
      %select_n3A_1202 = arith.select %eq3A_1199, %get3A_642, %broadcast_in_dim3A_1201 : vector<256x128xi1>, vector<256x128xi32>
      %reduce_min3A_1203 = arith.constant dense<2147483647> : vector<128xi32>
      %reduce_min3A_1204 = vector.multi_reduction <minsi>, %select_n3A_1202, %reduce_min3A_1203 [0] : vector<256x128xi32> to vector<128xi32>
      %broadcast_in_dim3A_1205 = vector.shape_cast %reduce_min3A_1204 : vector<128xi32> to vector<1x128xi32>
      %broadcast_in_dim3A_1206 = vector.broadcast %cond3A : f32 to vector<256x128xf32>
      %select_n3A_1207 = arith.select %eq3A_1199, %broadcast_in_dim3A_1206, %select_n3A_1186 : vector<256x128xi1>, vector<256x128xf32>
      %reduce_min3A_1208 = arith.constant dense<0x7F800000> : vector<128xf32>
      %reduce_min3A_1209 = vector.multi_reduction <minimumf>, %select_n3A_1207, %reduce_min3A_1208 [0] : vector<256x128xf32> to vector<128xf32>
      %broadcast_in_dim3A_1210 = vector.shape_cast %reduce_min3A_1209 : vector<128xf32> to vector<1x128xf32>
      %eq3A_1211 = vector.broadcast %broadcast_in_dim3A_1210 : vector<1x128xf32> to vector<256x128xf32>
      %eq3A_1212 = arith.cmpf oeq, %select_n3A_1207, %eq3A_1211 : vector<256x128xf32>
      %jit3A_1213 = arith.constant 256 : i32
      %broadcast_in_dim3A_1214 = vector.broadcast %jit3A_1213 : i32 to vector<256x128xi32>
      %select_n3A_1215 = arith.select %eq3A_1212, %iota3A_643, %broadcast_in_dim3A_1214 : vector<256x128xi1>, vector<256x128xi32>
      %reduce_min3A_1216 = arith.constant dense<2147483647> : vector<128xi32>
      %reduce_min3A_1217 = vector.multi_reduction <minsi>, %select_n3A_1215, %reduce_min3A_1216 [0] : vector<256x128xi32> to vector<128xi32>
      %broadcast_in_dim3A_1218 = vector.shape_cast %reduce_min3A_1217 : vector<128xi32> to vector<1x128xi32>
      %eq3A_1219 = vector.broadcast %broadcast_in_dim3A_1218 : vector<1x128xi32> to vector<256x128xi32>
      %eq3A_1220 = arith.cmpi eq, %iota3A_643, %eq3A_1219 : vector<256x128xi32>
      %jit3A_1221 = arith.constant 4096 : i32
      %broadcast_in_dim3A_1222 = vector.broadcast %jit3A_1221 : i32 to vector<256x128xi32>
      %select_n3A_1223 = arith.select %eq3A_1220, %get3A_642, %broadcast_in_dim3A_1222 : vector<256x128xi1>, vector<256x128xi32>
      %reduce_min3A_1224 = arith.constant dense<2147483647> : vector<128xi32>
      %reduce_min3A_1225 = vector.multi_reduction <minsi>, %select_n3A_1223, %reduce_min3A_1224 [0] : vector<256x128xi32> to vector<128xi32>
      %broadcast_in_dim3A_1226 = vector.shape_cast %reduce_min3A_1225 : vector<128xi32> to vector<1x128xi32>
      %broadcast_in_dim3A_1227 = vector.broadcast %cond3A : f32 to vector<256x128xf32>
      %select_n3A_1228 = arith.select %eq3A_1220, %broadcast_in_dim3A_1227, %select_n3A_1207 : vector<256x128xi1>, vector<256x128xf32>
      %reduce_min3A_1229 = arith.constant dense<0x7F800000> : vector<128xf32>
      %reduce_min3A_1230 = vector.multi_reduction <minimumf>, %select_n3A_1228, %reduce_min3A_1229 [0] : vector<256x128xf32> to vector<128xf32>
      %broadcast_in_dim3A_1231 = vector.shape_cast %reduce_min3A_1230 : vector<128xf32> to vector<1x128xf32>
      %eq3A_1232 = vector.broadcast %broadcast_in_dim3A_1231 : vector<1x128xf32> to vector<256x128xf32>
      %eq3A_1233 = arith.cmpf oeq, %select_n3A_1228, %eq3A_1232 : vector<256x128xf32>
      %jit3A_1234 = arith.constant 256 : i32
      %broadcast_in_dim3A_1235 = vector.broadcast %jit3A_1234 : i32 to vector<256x128xi32>
      %select_n3A_1236 = arith.select %eq3A_1233, %iota3A_643, %broadcast_in_dim3A_1235 : vector<256x128xi1>, vector<256x128xi32>
      %reduce_min3A_1237 = arith.constant dense<2147483647> : vector<128xi32>
      %reduce_min3A_1238 = vector.multi_reduction <minsi>, %select_n3A_1236, %reduce_min3A_1237 [0] : vector<256x128xi32> to vector<128xi32>
      %broadcast_in_dim3A_1239 = vector.shape_cast %reduce_min3A_1238 : vector<128xi32> to vector<1x128xi32>
      %eq3A_1240 = vector.broadcast %broadcast_in_dim3A_1239 : vector<1x128xi32> to vector<256x128xi32>
      %eq3A_1241 = arith.cmpi eq, %iota3A_643, %eq3A_1240 : vector<256x128xi32>
      %jit3A_1242 = arith.constant 4096 : i32
      %broadcast_in_dim3A_1243 = vector.broadcast %jit3A_1242 : i32 to vector<256x128xi32>
      %select_n3A_1244 = arith.select %eq3A_1241, %get3A_642, %broadcast_in_dim3A_1243 : vector<256x128xi1>, vector<256x128xi32>
      %reduce_min3A_1245 = arith.constant dense<2147483647> : vector<128xi32>
      %reduce_min3A_1246 = vector.multi_reduction <minsi>, %select_n3A_1244, %reduce_min3A_1245 [0] : vector<256x128xi32> to vector<128xi32>
      %broadcast_in_dim3A_1247 = vector.shape_cast %reduce_min3A_1246 : vector<128xi32> to vector<1x128xi32>
      %broadcast_in_dim3A_1248 = vector.broadcast %cond3A : f32 to vector<256x128xf32>
      %select_n3A_1249 = arith.select %eq3A_1241, %broadcast_in_dim3A_1248, %select_n3A_1228 : vector<256x128xi1>, vector<256x128xf32>
      %reduce_min3A_1250 = arith.constant dense<0x7F800000> : vector<128xf32>
      %reduce_min3A_1251 = vector.multi_reduction <minimumf>, %select_n3A_1249, %reduce_min3A_1250 [0] : vector<256x128xf32> to vector<128xf32>
      %broadcast_in_dim3A_1252 = vector.shape_cast %reduce_min3A_1251 : vector<128xf32> to vector<1x128xf32>
      %eq3A_1253 = vector.broadcast %broadcast_in_dim3A_1252 : vector<1x128xf32> to vector<256x128xf32>
      %eq3A_1254 = arith.cmpf oeq, %select_n3A_1249, %eq3A_1253 : vector<256x128xf32>
      %jit3A_1255 = arith.constant 256 : i32
      %broadcast_in_dim3A_1256 = vector.broadcast %jit3A_1255 : i32 to vector<256x128xi32>
      %select_n3A_1257 = arith.select %eq3A_1254, %iota3A_643, %broadcast_in_dim3A_1256 : vector<256x128xi1>, vector<256x128xi32>
      %reduce_min3A_1258 = arith.constant dense<2147483647> : vector<128xi32>
      %reduce_min3A_1259 = vector.multi_reduction <minsi>, %select_n3A_1257, %reduce_min3A_1258 [0] : vector<256x128xi32> to vector<128xi32>
      %broadcast_in_dim3A_1260 = vector.shape_cast %reduce_min3A_1259 : vector<128xi32> to vector<1x128xi32>
      %eq3A_1261 = vector.broadcast %broadcast_in_dim3A_1260 : vector<1x128xi32> to vector<256x128xi32>
      %eq3A_1262 = arith.cmpi eq, %iota3A_643, %eq3A_1261 : vector<256x128xi32>
      %jit3A_1263 = arith.constant 4096 : i32
      %broadcast_in_dim3A_1264 = vector.broadcast %jit3A_1263 : i32 to vector<256x128xi32>
      %select_n3A_1265 = arith.select %eq3A_1262, %get3A_642, %broadcast_in_dim3A_1264 : vector<256x128xi1>, vector<256x128xi32>
      %reduce_min3A_1266 = arith.constant dense<2147483647> : vector<128xi32>
      %reduce_min3A_1267 = vector.multi_reduction <minsi>, %select_n3A_1265, %reduce_min3A_1266 [0] : vector<256x128xi32> to vector<128xi32>
      %broadcast_in_dim3A_1268 = vector.shape_cast %reduce_min3A_1267 : vector<128xi32> to vector<1x128xi32>
      %broadcast_in_dim3A_1269 = vector.broadcast %cond3A : f32 to vector<256x128xf32>
      %select_n3A_1270 = arith.select %eq3A_1262, %broadcast_in_dim3A_1269, %select_n3A_1249 : vector<256x128xi1>, vector<256x128xf32>
      %reduce_min3A_1271 = arith.constant dense<0x7F800000> : vector<128xf32>
      %reduce_min3A_1272 = vector.multi_reduction <minimumf>, %select_n3A_1270, %reduce_min3A_1271 [0] : vector<256x128xf32> to vector<128xf32>
      %broadcast_in_dim3A_1273 = vector.shape_cast %reduce_min3A_1272 : vector<128xf32> to vector<1x128xf32>
      %eq3A_1274 = vector.broadcast %broadcast_in_dim3A_1273 : vector<1x128xf32> to vector<256x128xf32>
      %eq3A_1275 = arith.cmpf oeq, %select_n3A_1270, %eq3A_1274 : vector<256x128xf32>
      %jit3A_1276 = arith.constant 256 : i32
      %broadcast_in_dim3A_1277 = vector.broadcast %jit3A_1276 : i32 to vector<256x128xi32>
      %select_n3A_1278 = arith.select %eq3A_1275, %iota3A_643, %broadcast_in_dim3A_1277 : vector<256x128xi1>, vector<256x128xi32>
      %reduce_min3A_1279 = arith.constant dense<2147483647> : vector<128xi32>
      %reduce_min3A_1280 = vector.multi_reduction <minsi>, %select_n3A_1278, %reduce_min3A_1279 [0] : vector<256x128xi32> to vector<128xi32>
      %broadcast_in_dim3A_1281 = vector.shape_cast %reduce_min3A_1280 : vector<128xi32> to vector<1x128xi32>
      %eq3A_1282 = vector.broadcast %broadcast_in_dim3A_1281 : vector<1x128xi32> to vector<256x128xi32>
      %eq3A_1283 = arith.cmpi eq, %iota3A_643, %eq3A_1282 : vector<256x128xi32>
      %jit3A_1284 = arith.constant 4096 : i32
      %broadcast_in_dim3A_1285 = vector.broadcast %jit3A_1284 : i32 to vector<256x128xi32>
      %select_n3A_1286 = arith.select %eq3A_1283, %get3A_642, %broadcast_in_dim3A_1285 : vector<256x128xi1>, vector<256x128xi32>
      %reduce_min3A_1287 = arith.constant dense<2147483647> : vector<128xi32>
      %reduce_min3A_1288 = vector.multi_reduction <minsi>, %select_n3A_1286, %reduce_min3A_1287 [0] : vector<256x128xi32> to vector<128xi32>
      %broadcast_in_dim3A_1289 = vector.shape_cast %reduce_min3A_1288 : vector<128xi32> to vector<1x128xi32>
      %broadcast_in_dim3A_1290 = vector.broadcast %cond3A : f32 to vector<256x128xf32>
      %select_n3A_1291 = arith.select %eq3A_1283, %broadcast_in_dim3A_1290, %select_n3A_1270 : vector<256x128xi1>, vector<256x128xf32>
      %reduce_min3A_1292 = arith.constant dense<0x7F800000> : vector<128xf32>
      %reduce_min3A_1293 = vector.multi_reduction <minimumf>, %select_n3A_1291, %reduce_min3A_1292 [0] : vector<256x128xf32> to vector<128xf32>
      %broadcast_in_dim3A_1294 = vector.shape_cast %reduce_min3A_1293 : vector<128xf32> to vector<1x128xf32>
      %eq3A_1295 = vector.broadcast %broadcast_in_dim3A_1294 : vector<1x128xf32> to vector<256x128xf32>
      %eq3A_1296 = arith.cmpf oeq, %select_n3A_1291, %eq3A_1295 : vector<256x128xf32>
      %jit3A_1297 = arith.constant 256 : i32
      %broadcast_in_dim3A_1298 = vector.broadcast %jit3A_1297 : i32 to vector<256x128xi32>
      %select_n3A_1299 = arith.select %eq3A_1296, %iota3A_643, %broadcast_in_dim3A_1298 : vector<256x128xi1>, vector<256x128xi32>
      %reduce_min3A_1300 = arith.constant dense<2147483647> : vector<128xi32>
      %reduce_min3A_1301 = vector.multi_reduction <minsi>, %select_n3A_1299, %reduce_min3A_1300 [0] : vector<256x128xi32> to vector<128xi32>
      %broadcast_in_dim3A_1302 = vector.shape_cast %reduce_min3A_1301 : vector<128xi32> to vector<1x128xi32>
      %eq3A_1303 = vector.broadcast %broadcast_in_dim3A_1302 : vector<1x128xi32> to vector<256x128xi32>
      %eq3A_1304 = arith.cmpi eq, %iota3A_643, %eq3A_1303 : vector<256x128xi32>
      %jit3A_1305 = arith.constant 4096 : i32
      %broadcast_in_dim3A_1306 = vector.broadcast %jit3A_1305 : i32 to vector<256x128xi32>
      %select_n3A_1307 = arith.select %eq3A_1304, %get3A_642, %broadcast_in_dim3A_1306 : vector<256x128xi1>, vector<256x128xi32>
      %reduce_min3A_1308 = arith.constant dense<2147483647> : vector<128xi32>
      %reduce_min3A_1309 = vector.multi_reduction <minsi>, %select_n3A_1307, %reduce_min3A_1308 [0] : vector<256x128xi32> to vector<128xi32>
      %broadcast_in_dim3A_1310 = vector.shape_cast %reduce_min3A_1309 : vector<128xi32> to vector<1x128xi32>
      %concatenate3A = tpu.concatenate %broadcast_in_dim3A_659, %broadcast_in_dim3A_680, %broadcast_in_dim3A_701, %broadcast_in_dim3A_722, %broadcast_in_dim3A_743, %broadcast_in_dim3A_764, %broadcast_in_dim3A_785, %broadcast_in_dim3A_806, %broadcast_in_dim3A_827, %broadcast_in_dim3A_848, %broadcast_in_dim3A_869, %broadcast_in_dim3A_890, %broadcast_in_dim3A_911, %broadcast_in_dim3A_932, %broadcast_in_dim3A_953, %broadcast_in_dim3A_974, %broadcast_in_dim3A_995, %broadcast_in_dim3A_1016, %broadcast_in_dim3A_1037, %broadcast_in_dim3A_1058, %broadcast_in_dim3A_1079, %broadcast_in_dim3A_1100, %broadcast_in_dim3A_1121, %broadcast_in_dim3A_1142, %broadcast_in_dim3A_1163, %broadcast_in_dim3A_1184, %broadcast_in_dim3A_1205, %broadcast_in_dim3A_1226, %broadcast_in_dim3A_1247, %broadcast_in_dim3A_1268, %broadcast_in_dim3A_1289, %broadcast_in_dim3A_1310 in 0 : vector<1x128xi32>, vector<1x128xi32>, vector<1x128xi32>, vector<1x128xi32>, vector<1x128xi32>, vector<1x128xi32>, vector<1x128xi32>, vector<1x128xi32>, vector<1x128xi32>, vector<1x128xi32>, vector<1x128xi32>, vector<1x128xi32>, vector<1x128xi32>, vector<1x128xi32>, vector<1x128xi32>, vector<1x128xi32>, vector<1x128xi32>, vector<1x128xi32>, vector<1x128xi32>, vector<1x128xi32>, vector<1x128xi32>, vector<1x128xi32>, vector<1x128xi32>, vector<1x128xi32>, vector<1x128xi32>, vector<1x128xi32>, vector<1x128xi32>, vector<1x128xi32>, vector<1x128xi32>, vector<1x128xi32>, vector<1x128xi32>, vector<1x128xi32> -> vector<32x128xi32>
      scf.yield %concatenate3A : vector<32x128xi32>
    } else {
      %get3A_637 = arith.constant 0 : index
      %get3A_638 = arith.constant 0 : index
      %get3A_639 = vector.load %arg6[%get3A_637, %get3A_638] : memref<1024x128xf32, #tpu.memory_space<vmem>>, vector<1024x128xf32>
      %get3A_640 = arith.constant 0 : index
      %get3A_641 = arith.constant 0 : index
      %get3A_642 = vector.load %arg7[%get3A_640, %get3A_641] : memref<1024x128xi32, #tpu.memory_space<vmem>>, vector<1024x128xi32>
      %iota3A_643 = tpu.iota {dimensions = array<i32: 0>} : vector<1024x128xi32>
      %reduce_min3A_644 = arith.constant dense<0x7F800000> : vector<128xf32>
      %reduce_min3A_645 = vector.multi_reduction <minimumf>, %get3A_639, %reduce_min3A_644 [0] : vector<1024x128xf32> to vector<128xf32>
      %broadcast_in_dim3A_646 = vector.shape_cast %reduce_min3A_645 : vector<128xf32> to vector<1x128xf32>
      %eq3A = vector.broadcast %broadcast_in_dim3A_646 : vector<1x128xf32> to vector<1024x128xf32>
      %eq3A_647 = arith.cmpf oeq, %get3A_639, %eq3A : vector<1024x128xf32>
      %jit3A = arith.constant 1024 : i32
      %broadcast_in_dim3A_648 = vector.broadcast %jit3A : i32 to vector<1024x128xi32>
      %select_n3A = arith.select %eq3A_647, %iota3A_643, %broadcast_in_dim3A_648 : vector<1024x128xi1>, vector<1024x128xi32>
      %reduce_min3A_649 = arith.constant dense<2147483647> : vector<128xi32>
      %reduce_min3A_650 = vector.multi_reduction <minsi>, %select_n3A, %reduce_min3A_649 [0] : vector<1024x128xi32> to vector<128xi32>
      %broadcast_in_dim3A_651 = vector.shape_cast %reduce_min3A_650 : vector<128xi32> to vector<1x128xi32>
      %eq3A_652 = vector.broadcast %broadcast_in_dim3A_651 : vector<1x128xi32> to vector<1024x128xi32>
      %eq3A_653 = arith.cmpi eq, %iota3A_643, %eq3A_652 : vector<1024x128xi32>
      %jit3A_654 = arith.constant 4096 : i32
      %broadcast_in_dim3A_655 = vector.broadcast %jit3A_654 : i32 to vector<1024x128xi32>
      %select_n3A_656 = arith.select %eq3A_653, %get3A_642, %broadcast_in_dim3A_655 : vector<1024x128xi1>, vector<1024x128xi32>
      %reduce_min3A_657 = arith.constant dense<2147483647> : vector<128xi32>
      %reduce_min3A_658 = vector.multi_reduction <minsi>, %select_n3A_656, %reduce_min3A_657 [0] : vector<1024x128xi32> to vector<128xi32>
      %broadcast_in_dim3A_659 = vector.shape_cast %reduce_min3A_658 : vector<128xi32> to vector<1x128xi32>
      %broadcast_in_dim3A_660 = vector.broadcast %cond3A : f32 to vector<1024x128xf32>
      %select_n3A_661 = arith.select %eq3A_653, %broadcast_in_dim3A_660, %get3A_639 : vector<1024x128xi1>, vector<1024x128xf32>
      %reduce_min3A_662 = arith.constant dense<0x7F800000> : vector<128xf32>
      %reduce_min3A_663 = vector.multi_reduction <minimumf>, %select_n3A_661, %reduce_min3A_662 [0] : vector<1024x128xf32> to vector<128xf32>
      %broadcast_in_dim3A_664 = vector.shape_cast %reduce_min3A_663 : vector<128xf32> to vector<1x128xf32>
      %eq3A_665 = vector.broadcast %broadcast_in_dim3A_664 : vector<1x128xf32> to vector<1024x128xf32>
      %eq3A_666 = arith.cmpf oeq, %select_n3A_661, %eq3A_665 : vector<1024x128xf32>
      %jit3A_667 = arith.constant 1024 : i32
      %broadcast_in_dim3A_668 = vector.broadcast %jit3A_667 : i32 to vector<1024x128xi32>
      %select_n3A_669 = arith.select %eq3A_666, %iota3A_643, %broadcast_in_dim3A_668 : vector<1024x128xi1>, vector<1024x128xi32>
      %reduce_min3A_670 = arith.constant dense<2147483647> : vector<128xi32>
      %reduce_min3A_671 = vector.multi_reduction <minsi>, %select_n3A_669, %reduce_min3A_670 [0] : vector<1024x128xi32> to vector<128xi32>
      %broadcast_in_dim3A_672 = vector.shape_cast %reduce_min3A_671 : vector<128xi32> to vector<1x128xi32>
      %eq3A_673 = vector.broadcast %broadcast_in_dim3A_672 : vector<1x128xi32> to vector<1024x128xi32>
      %eq3A_674 = arith.cmpi eq, %iota3A_643, %eq3A_673 : vector<1024x128xi32>
      %jit3A_675 = arith.constant 4096 : i32
      %broadcast_in_dim3A_676 = vector.broadcast %jit3A_675 : i32 to vector<1024x128xi32>
      %select_n3A_677 = arith.select %eq3A_674, %get3A_642, %broadcast_in_dim3A_676 : vector<1024x128xi1>, vector<1024x128xi32>
      %reduce_min3A_678 = arith.constant dense<2147483647> : vector<128xi32>
      %reduce_min3A_679 = vector.multi_reduction <minsi>, %select_n3A_677, %reduce_min3A_678 [0] : vector<1024x128xi32> to vector<128xi32>
      %broadcast_in_dim3A_680 = vector.shape_cast %reduce_min3A_679 : vector<128xi32> to vector<1x128xi32>
      %broadcast_in_dim3A_681 = vector.broadcast %cond3A : f32 to vector<1024x128xf32>
      %select_n3A_682 = arith.select %eq3A_674, %broadcast_in_dim3A_681, %select_n3A_661 : vector<1024x128xi1>, vector<1024x128xf32>
      %reduce_min3A_683 = arith.constant dense<0x7F800000> : vector<128xf32>
      %reduce_min3A_684 = vector.multi_reduction <minimumf>, %select_n3A_682, %reduce_min3A_683 [0] : vector<1024x128xf32> to vector<128xf32>
      %broadcast_in_dim3A_685 = vector.shape_cast %reduce_min3A_684 : vector<128xf32> to vector<1x128xf32>
      %eq3A_686 = vector.broadcast %broadcast_in_dim3A_685 : vector<1x128xf32> to vector<1024x128xf32>
      %eq3A_687 = arith.cmpf oeq, %select_n3A_682, %eq3A_686 : vector<1024x128xf32>
      %jit3A_688 = arith.constant 1024 : i32
      %broadcast_in_dim3A_689 = vector.broadcast %jit3A_688 : i32 to vector<1024x128xi32>
      %select_n3A_690 = arith.select %eq3A_687, %iota3A_643, %broadcast_in_dim3A_689 : vector<1024x128xi1>, vector<1024x128xi32>
      %reduce_min3A_691 = arith.constant dense<2147483647> : vector<128xi32>
      %reduce_min3A_692 = vector.multi_reduction <minsi>, %select_n3A_690, %reduce_min3A_691 [0] : vector<1024x128xi32> to vector<128xi32>
      %broadcast_in_dim3A_693 = vector.shape_cast %reduce_min3A_692 : vector<128xi32> to vector<1x128xi32>
      %eq3A_694 = vector.broadcast %broadcast_in_dim3A_693 : vector<1x128xi32> to vector<1024x128xi32>
      %eq3A_695 = arith.cmpi eq, %iota3A_643, %eq3A_694 : vector<1024x128xi32>
      %jit3A_696 = arith.constant 4096 : i32
      %broadcast_in_dim3A_697 = vector.broadcast %jit3A_696 : i32 to vector<1024x128xi32>
      %select_n3A_698 = arith.select %eq3A_695, %get3A_642, %broadcast_in_dim3A_697 : vector<1024x128xi1>, vector<1024x128xi32>
      %reduce_min3A_699 = arith.constant dense<2147483647> : vector<128xi32>
      %reduce_min3A_700 = vector.multi_reduction <minsi>, %select_n3A_698, %reduce_min3A_699 [0] : vector<1024x128xi32> to vector<128xi32>
      %broadcast_in_dim3A_701 = vector.shape_cast %reduce_min3A_700 : vector<128xi32> to vector<1x128xi32>
      %broadcast_in_dim3A_702 = vector.broadcast %cond3A : f32 to vector<1024x128xf32>
      %select_n3A_703 = arith.select %eq3A_695, %broadcast_in_dim3A_702, %select_n3A_682 : vector<1024x128xi1>, vector<1024x128xf32>
      %reduce_min3A_704 = arith.constant dense<0x7F800000> : vector<128xf32>
      %reduce_min3A_705 = vector.multi_reduction <minimumf>, %select_n3A_703, %reduce_min3A_704 [0] : vector<1024x128xf32> to vector<128xf32>
      %broadcast_in_dim3A_706 = vector.shape_cast %reduce_min3A_705 : vector<128xf32> to vector<1x128xf32>
      %eq3A_707 = vector.broadcast %broadcast_in_dim3A_706 : vector<1x128xf32> to vector<1024x128xf32>
      %eq3A_708 = arith.cmpf oeq, %select_n3A_703, %eq3A_707 : vector<1024x128xf32>
      %jit3A_709 = arith.constant 1024 : i32
      %broadcast_in_dim3A_710 = vector.broadcast %jit3A_709 : i32 to vector<1024x128xi32>
      %select_n3A_711 = arith.select %eq3A_708, %iota3A_643, %broadcast_in_dim3A_710 : vector<1024x128xi1>, vector<1024x128xi32>
      %reduce_min3A_712 = arith.constant dense<2147483647> : vector<128xi32>
      %reduce_min3A_713 = vector.multi_reduction <minsi>, %select_n3A_711, %reduce_min3A_712 [0] : vector<1024x128xi32> to vector<128xi32>
      %broadcast_in_dim3A_714 = vector.shape_cast %reduce_min3A_713 : vector<128xi32> to vector<1x128xi32>
      %eq3A_715 = vector.broadcast %broadcast_in_dim3A_714 : vector<1x128xi32> to vector<1024x128xi32>
      %eq3A_716 = arith.cmpi eq, %iota3A_643, %eq3A_715 : vector<1024x128xi32>
      %jit3A_717 = arith.constant 4096 : i32
      %broadcast_in_dim3A_718 = vector.broadcast %jit3A_717 : i32 to vector<1024x128xi32>
      %select_n3A_719 = arith.select %eq3A_716, %get3A_642, %broadcast_in_dim3A_718 : vector<1024x128xi1>, vector<1024x128xi32>
      %reduce_min3A_720 = arith.constant dense<2147483647> : vector<128xi32>
      %reduce_min3A_721 = vector.multi_reduction <minsi>, %select_n3A_719, %reduce_min3A_720 [0] : vector<1024x128xi32> to vector<128xi32>
      %broadcast_in_dim3A_722 = vector.shape_cast %reduce_min3A_721 : vector<128xi32> to vector<1x128xi32>
      %broadcast_in_dim3A_723 = vector.broadcast %cond3A : f32 to vector<1024x128xf32>
      %select_n3A_724 = arith.select %eq3A_716, %broadcast_in_dim3A_723, %select_n3A_703 : vector<1024x128xi1>, vector<1024x128xf32>
      %reduce_min3A_725 = arith.constant dense<0x7F800000> : vector<128xf32>
      %reduce_min3A_726 = vector.multi_reduction <minimumf>, %select_n3A_724, %reduce_min3A_725 [0] : vector<1024x128xf32> to vector<128xf32>
      %broadcast_in_dim3A_727 = vector.shape_cast %reduce_min3A_726 : vector<128xf32> to vector<1x128xf32>
      %eq3A_728 = vector.broadcast %broadcast_in_dim3A_727 : vector<1x128xf32> to vector<1024x128xf32>
      %eq3A_729 = arith.cmpf oeq, %select_n3A_724, %eq3A_728 : vector<1024x128xf32>
      %jit3A_730 = arith.constant 1024 : i32
      %broadcast_in_dim3A_731 = vector.broadcast %jit3A_730 : i32 to vector<1024x128xi32>
      %select_n3A_732 = arith.select %eq3A_729, %iota3A_643, %broadcast_in_dim3A_731 : vector<1024x128xi1>, vector<1024x128xi32>
      %reduce_min3A_733 = arith.constant dense<2147483647> : vector<128xi32>
      %reduce_min3A_734 = vector.multi_reduction <minsi>, %select_n3A_732, %reduce_min3A_733 [0] : vector<1024x128xi32> to vector<128xi32>
      %broadcast_in_dim3A_735 = vector.shape_cast %reduce_min3A_734 : vector<128xi32> to vector<1x128xi32>
      %eq3A_736 = vector.broadcast %broadcast_in_dim3A_735 : vector<1x128xi32> to vector<1024x128xi32>
      %eq3A_737 = arith.cmpi eq, %iota3A_643, %eq3A_736 : vector<1024x128xi32>
      %jit3A_738 = arith.constant 4096 : i32
      %broadcast_in_dim3A_739 = vector.broadcast %jit3A_738 : i32 to vector<1024x128xi32>
      %select_n3A_740 = arith.select %eq3A_737, %get3A_642, %broadcast_in_dim3A_739 : vector<1024x128xi1>, vector<1024x128xi32>
      %reduce_min3A_741 = arith.constant dense<2147483647> : vector<128xi32>
      %reduce_min3A_742 = vector.multi_reduction <minsi>, %select_n3A_740, %reduce_min3A_741 [0] : vector<1024x128xi32> to vector<128xi32>
      %broadcast_in_dim3A_743 = vector.shape_cast %reduce_min3A_742 : vector<128xi32> to vector<1x128xi32>
      %broadcast_in_dim3A_744 = vector.broadcast %cond3A : f32 to vector<1024x128xf32>
      %select_n3A_745 = arith.select %eq3A_737, %broadcast_in_dim3A_744, %select_n3A_724 : vector<1024x128xi1>, vector<1024x128xf32>
      %reduce_min3A_746 = arith.constant dense<0x7F800000> : vector<128xf32>
      %reduce_min3A_747 = vector.multi_reduction <minimumf>, %select_n3A_745, %reduce_min3A_746 [0] : vector<1024x128xf32> to vector<128xf32>
      %broadcast_in_dim3A_748 = vector.shape_cast %reduce_min3A_747 : vector<128xf32> to vector<1x128xf32>
      %eq3A_749 = vector.broadcast %broadcast_in_dim3A_748 : vector<1x128xf32> to vector<1024x128xf32>
      %eq3A_750 = arith.cmpf oeq, %select_n3A_745, %eq3A_749 : vector<1024x128xf32>
      %jit3A_751 = arith.constant 1024 : i32
      %broadcast_in_dim3A_752 = vector.broadcast %jit3A_751 : i32 to vector<1024x128xi32>
      %select_n3A_753 = arith.select %eq3A_750, %iota3A_643, %broadcast_in_dim3A_752 : vector<1024x128xi1>, vector<1024x128xi32>
      %reduce_min3A_754 = arith.constant dense<2147483647> : vector<128xi32>
      %reduce_min3A_755 = vector.multi_reduction <minsi>, %select_n3A_753, %reduce_min3A_754 [0] : vector<1024x128xi32> to vector<128xi32>
      %broadcast_in_dim3A_756 = vector.shape_cast %reduce_min3A_755 : vector<128xi32> to vector<1x128xi32>
      %eq3A_757 = vector.broadcast %broadcast_in_dim3A_756 : vector<1x128xi32> to vector<1024x128xi32>
      %eq3A_758 = arith.cmpi eq, %iota3A_643, %eq3A_757 : vector<1024x128xi32>
      %jit3A_759 = arith.constant 4096 : i32
      %broadcast_in_dim3A_760 = vector.broadcast %jit3A_759 : i32 to vector<1024x128xi32>
      %select_n3A_761 = arith.select %eq3A_758, %get3A_642, %broadcast_in_dim3A_760 : vector<1024x128xi1>, vector<1024x128xi32>
      %reduce_min3A_762 = arith.constant dense<2147483647> : vector<128xi32>
      %reduce_min3A_763 = vector.multi_reduction <minsi>, %select_n3A_761, %reduce_min3A_762 [0] : vector<1024x128xi32> to vector<128xi32>
      %broadcast_in_dim3A_764 = vector.shape_cast %reduce_min3A_763 : vector<128xi32> to vector<1x128xi32>
      %broadcast_in_dim3A_765 = vector.broadcast %cond3A : f32 to vector<1024x128xf32>
      %select_n3A_766 = arith.select %eq3A_758, %broadcast_in_dim3A_765, %select_n3A_745 : vector<1024x128xi1>, vector<1024x128xf32>
      %reduce_min3A_767 = arith.constant dense<0x7F800000> : vector<128xf32>
      %reduce_min3A_768 = vector.multi_reduction <minimumf>, %select_n3A_766, %reduce_min3A_767 [0] : vector<1024x128xf32> to vector<128xf32>
      %broadcast_in_dim3A_769 = vector.shape_cast %reduce_min3A_768 : vector<128xf32> to vector<1x128xf32>
      %eq3A_770 = vector.broadcast %broadcast_in_dim3A_769 : vector<1x128xf32> to vector<1024x128xf32>
      %eq3A_771 = arith.cmpf oeq, %select_n3A_766, %eq3A_770 : vector<1024x128xf32>
      %jit3A_772 = arith.constant 1024 : i32
      %broadcast_in_dim3A_773 = vector.broadcast %jit3A_772 : i32 to vector<1024x128xi32>
      %select_n3A_774 = arith.select %eq3A_771, %iota3A_643, %broadcast_in_dim3A_773 : vector<1024x128xi1>, vector<1024x128xi32>
      %reduce_min3A_775 = arith.constant dense<2147483647> : vector<128xi32>
      %reduce_min3A_776 = vector.multi_reduction <minsi>, %select_n3A_774, %reduce_min3A_775 [0] : vector<1024x128xi32> to vector<128xi32>
      %broadcast_in_dim3A_777 = vector.shape_cast %reduce_min3A_776 : vector<128xi32> to vector<1x128xi32>
      %eq3A_778 = vector.broadcast %broadcast_in_dim3A_777 : vector<1x128xi32> to vector<1024x128xi32>
      %eq3A_779 = arith.cmpi eq, %iota3A_643, %eq3A_778 : vector<1024x128xi32>
      %jit3A_780 = arith.constant 4096 : i32
      %broadcast_in_dim3A_781 = vector.broadcast %jit3A_780 : i32 to vector<1024x128xi32>
      %select_n3A_782 = arith.select %eq3A_779, %get3A_642, %broadcast_in_dim3A_781 : vector<1024x128xi1>, vector<1024x128xi32>
      %reduce_min3A_783 = arith.constant dense<2147483647> : vector<128xi32>
      %reduce_min3A_784 = vector.multi_reduction <minsi>, %select_n3A_782, %reduce_min3A_783 [0] : vector<1024x128xi32> to vector<128xi32>
      %broadcast_in_dim3A_785 = vector.shape_cast %reduce_min3A_784 : vector<128xi32> to vector<1x128xi32>
      %broadcast_in_dim3A_786 = vector.broadcast %cond3A : f32 to vector<1024x128xf32>
      %select_n3A_787 = arith.select %eq3A_779, %broadcast_in_dim3A_786, %select_n3A_766 : vector<1024x128xi1>, vector<1024x128xf32>
      %reduce_min3A_788 = arith.constant dense<0x7F800000> : vector<128xf32>
      %reduce_min3A_789 = vector.multi_reduction <minimumf>, %select_n3A_787, %reduce_min3A_788 [0] : vector<1024x128xf32> to vector<128xf32>
      %broadcast_in_dim3A_790 = vector.shape_cast %reduce_min3A_789 : vector<128xf32> to vector<1x128xf32>
      %eq3A_791 = vector.broadcast %broadcast_in_dim3A_790 : vector<1x128xf32> to vector<1024x128xf32>
      %eq3A_792 = arith.cmpf oeq, %select_n3A_787, %eq3A_791 : vector<1024x128xf32>
      %jit3A_793 = arith.constant 1024 : i32
      %broadcast_in_dim3A_794 = vector.broadcast %jit3A_793 : i32 to vector<1024x128xi32>
      %select_n3A_795 = arith.select %eq3A_792, %iota3A_643, %broadcast_in_dim3A_794 : vector<1024x128xi1>, vector<1024x128xi32>
      %reduce_min3A_796 = arith.constant dense<2147483647> : vector<128xi32>
      %reduce_min3A_797 = vector.multi_reduction <minsi>, %select_n3A_795, %reduce_min3A_796 [0] : vector<1024x128xi32> to vector<128xi32>
      %broadcast_in_dim3A_798 = vector.shape_cast %reduce_min3A_797 : vector<128xi32> to vector<1x128xi32>
      %eq3A_799 = vector.broadcast %broadcast_in_dim3A_798 : vector<1x128xi32> to vector<1024x128xi32>
      %eq3A_800 = arith.cmpi eq, %iota3A_643, %eq3A_799 : vector<1024x128xi32>
      %jit3A_801 = arith.constant 4096 : i32
      %broadcast_in_dim3A_802 = vector.broadcast %jit3A_801 : i32 to vector<1024x128xi32>
      %select_n3A_803 = arith.select %eq3A_800, %get3A_642, %broadcast_in_dim3A_802 : vector<1024x128xi1>, vector<1024x128xi32>
      %reduce_min3A_804 = arith.constant dense<2147483647> : vector<128xi32>
      %reduce_min3A_805 = vector.multi_reduction <minsi>, %select_n3A_803, %reduce_min3A_804 [0] : vector<1024x128xi32> to vector<128xi32>
      %broadcast_in_dim3A_806 = vector.shape_cast %reduce_min3A_805 : vector<128xi32> to vector<1x128xi32>
      %broadcast_in_dim3A_807 = vector.broadcast %cond3A : f32 to vector<1024x128xf32>
      %select_n3A_808 = arith.select %eq3A_800, %broadcast_in_dim3A_807, %select_n3A_787 : vector<1024x128xi1>, vector<1024x128xf32>
      %reduce_min3A_809 = arith.constant dense<0x7F800000> : vector<128xf32>
      %reduce_min3A_810 = vector.multi_reduction <minimumf>, %select_n3A_808, %reduce_min3A_809 [0] : vector<1024x128xf32> to vector<128xf32>
      %broadcast_in_dim3A_811 = vector.shape_cast %reduce_min3A_810 : vector<128xf32> to vector<1x128xf32>
      %eq3A_812 = vector.broadcast %broadcast_in_dim3A_811 : vector<1x128xf32> to vector<1024x128xf32>
      %eq3A_813 = arith.cmpf oeq, %select_n3A_808, %eq3A_812 : vector<1024x128xf32>
      %jit3A_814 = arith.constant 1024 : i32
      %broadcast_in_dim3A_815 = vector.broadcast %jit3A_814 : i32 to vector<1024x128xi32>
      %select_n3A_816 = arith.select %eq3A_813, %iota3A_643, %broadcast_in_dim3A_815 : vector<1024x128xi1>, vector<1024x128xi32>
      %reduce_min3A_817 = arith.constant dense<2147483647> : vector<128xi32>
      %reduce_min3A_818 = vector.multi_reduction <minsi>, %select_n3A_816, %reduce_min3A_817 [0] : vector<1024x128xi32> to vector<128xi32>
      %broadcast_in_dim3A_819 = vector.shape_cast %reduce_min3A_818 : vector<128xi32> to vector<1x128xi32>
      %eq3A_820 = vector.broadcast %broadcast_in_dim3A_819 : vector<1x128xi32> to vector<1024x128xi32>
      %eq3A_821 = arith.cmpi eq, %iota3A_643, %eq3A_820 : vector<1024x128xi32>
      %jit3A_822 = arith.constant 4096 : i32
      %broadcast_in_dim3A_823 = vector.broadcast %jit3A_822 : i32 to vector<1024x128xi32>
      %select_n3A_824 = arith.select %eq3A_821, %get3A_642, %broadcast_in_dim3A_823 : vector<1024x128xi1>, vector<1024x128xi32>
      %reduce_min3A_825 = arith.constant dense<2147483647> : vector<128xi32>
      %reduce_min3A_826 = vector.multi_reduction <minsi>, %select_n3A_824, %reduce_min3A_825 [0] : vector<1024x128xi32> to vector<128xi32>
      %broadcast_in_dim3A_827 = vector.shape_cast %reduce_min3A_826 : vector<128xi32> to vector<1x128xi32>
      %broadcast_in_dim3A_828 = vector.broadcast %cond3A : f32 to vector<1024x128xf32>
      %select_n3A_829 = arith.select %eq3A_821, %broadcast_in_dim3A_828, %select_n3A_808 : vector<1024x128xi1>, vector<1024x128xf32>
      %reduce_min3A_830 = arith.constant dense<0x7F800000> : vector<128xf32>
      %reduce_min3A_831 = vector.multi_reduction <minimumf>, %select_n3A_829, %reduce_min3A_830 [0] : vector<1024x128xf32> to vector<128xf32>
      %broadcast_in_dim3A_832 = vector.shape_cast %reduce_min3A_831 : vector<128xf32> to vector<1x128xf32>
      %eq3A_833 = vector.broadcast %broadcast_in_dim3A_832 : vector<1x128xf32> to vector<1024x128xf32>
      %eq3A_834 = arith.cmpf oeq, %select_n3A_829, %eq3A_833 : vector<1024x128xf32>
      %jit3A_835 = arith.constant 1024 : i32
      %broadcast_in_dim3A_836 = vector.broadcast %jit3A_835 : i32 to vector<1024x128xi32>
      %select_n3A_837 = arith.select %eq3A_834, %iota3A_643, %broadcast_in_dim3A_836 : vector<1024x128xi1>, vector<1024x128xi32>
      %reduce_min3A_838 = arith.constant dense<2147483647> : vector<128xi32>
      %reduce_min3A_839 = vector.multi_reduction <minsi>, %select_n3A_837, %reduce_min3A_838 [0] : vector<1024x128xi32> to vector<128xi32>
      %broadcast_in_dim3A_840 = vector.shape_cast %reduce_min3A_839 : vector<128xi32> to vector<1x128xi32>
      %eq3A_841 = vector.broadcast %broadcast_in_dim3A_840 : vector<1x128xi32> to vector<1024x128xi32>
      %eq3A_842 = arith.cmpi eq, %iota3A_643, %eq3A_841 : vector<1024x128xi32>
      %jit3A_843 = arith.constant 4096 : i32
      %broadcast_in_dim3A_844 = vector.broadcast %jit3A_843 : i32 to vector<1024x128xi32>
      %select_n3A_845 = arith.select %eq3A_842, %get3A_642, %broadcast_in_dim3A_844 : vector<1024x128xi1>, vector<1024x128xi32>
      %reduce_min3A_846 = arith.constant dense<2147483647> : vector<128xi32>
      %reduce_min3A_847 = vector.multi_reduction <minsi>, %select_n3A_845, %reduce_min3A_846 [0] : vector<1024x128xi32> to vector<128xi32>
      %broadcast_in_dim3A_848 = vector.shape_cast %reduce_min3A_847 : vector<128xi32> to vector<1x128xi32>
      %broadcast_in_dim3A_849 = vector.broadcast %cond3A : f32 to vector<1024x128xf32>
      %select_n3A_850 = arith.select %eq3A_842, %broadcast_in_dim3A_849, %select_n3A_829 : vector<1024x128xi1>, vector<1024x128xf32>
      %reduce_min3A_851 = arith.constant dense<0x7F800000> : vector<128xf32>
      %reduce_min3A_852 = vector.multi_reduction <minimumf>, %select_n3A_850, %reduce_min3A_851 [0] : vector<1024x128xf32> to vector<128xf32>
      %broadcast_in_dim3A_853 = vector.shape_cast %reduce_min3A_852 : vector<128xf32> to vector<1x128xf32>
      %eq3A_854 = vector.broadcast %broadcast_in_dim3A_853 : vector<1x128xf32> to vector<1024x128xf32>
      %eq3A_855 = arith.cmpf oeq, %select_n3A_850, %eq3A_854 : vector<1024x128xf32>
      %jit3A_856 = arith.constant 1024 : i32
      %broadcast_in_dim3A_857 = vector.broadcast %jit3A_856 : i32 to vector<1024x128xi32>
      %select_n3A_858 = arith.select %eq3A_855, %iota3A_643, %broadcast_in_dim3A_857 : vector<1024x128xi1>, vector<1024x128xi32>
      %reduce_min3A_859 = arith.constant dense<2147483647> : vector<128xi32>
      %reduce_min3A_860 = vector.multi_reduction <minsi>, %select_n3A_858, %reduce_min3A_859 [0] : vector<1024x128xi32> to vector<128xi32>
      %broadcast_in_dim3A_861 = vector.shape_cast %reduce_min3A_860 : vector<128xi32> to vector<1x128xi32>
      %eq3A_862 = vector.broadcast %broadcast_in_dim3A_861 : vector<1x128xi32> to vector<1024x128xi32>
      %eq3A_863 = arith.cmpi eq, %iota3A_643, %eq3A_862 : vector<1024x128xi32>
      %jit3A_864 = arith.constant 4096 : i32
      %broadcast_in_dim3A_865 = vector.broadcast %jit3A_864 : i32 to vector<1024x128xi32>
      %select_n3A_866 = arith.select %eq3A_863, %get3A_642, %broadcast_in_dim3A_865 : vector<1024x128xi1>, vector<1024x128xi32>
      %reduce_min3A_867 = arith.constant dense<2147483647> : vector<128xi32>
      %reduce_min3A_868 = vector.multi_reduction <minsi>, %select_n3A_866, %reduce_min3A_867 [0] : vector<1024x128xi32> to vector<128xi32>
      %broadcast_in_dim3A_869 = vector.shape_cast %reduce_min3A_868 : vector<128xi32> to vector<1x128xi32>
      %broadcast_in_dim3A_870 = vector.broadcast %cond3A : f32 to vector<1024x128xf32>
      %select_n3A_871 = arith.select %eq3A_863, %broadcast_in_dim3A_870, %select_n3A_850 : vector<1024x128xi1>, vector<1024x128xf32>
      %reduce_min3A_872 = arith.constant dense<0x7F800000> : vector<128xf32>
      %reduce_min3A_873 = vector.multi_reduction <minimumf>, %select_n3A_871, %reduce_min3A_872 [0] : vector<1024x128xf32> to vector<128xf32>
      %broadcast_in_dim3A_874 = vector.shape_cast %reduce_min3A_873 : vector<128xf32> to vector<1x128xf32>
      %eq3A_875 = vector.broadcast %broadcast_in_dim3A_874 : vector<1x128xf32> to vector<1024x128xf32>
      %eq3A_876 = arith.cmpf oeq, %select_n3A_871, %eq3A_875 : vector<1024x128xf32>
      %jit3A_877 = arith.constant 1024 : i32
      %broadcast_in_dim3A_878 = vector.broadcast %jit3A_877 : i32 to vector<1024x128xi32>
      %select_n3A_879 = arith.select %eq3A_876, %iota3A_643, %broadcast_in_dim3A_878 : vector<1024x128xi1>, vector<1024x128xi32>
      %reduce_min3A_880 = arith.constant dense<2147483647> : vector<128xi32>
      %reduce_min3A_881 = vector.multi_reduction <minsi>, %select_n3A_879, %reduce_min3A_880 [0] : vector<1024x128xi32> to vector<128xi32>
      %broadcast_in_dim3A_882 = vector.shape_cast %reduce_min3A_881 : vector<128xi32> to vector<1x128xi32>
      %eq3A_883 = vector.broadcast %broadcast_in_dim3A_882 : vector<1x128xi32> to vector<1024x128xi32>
      %eq3A_884 = arith.cmpi eq, %iota3A_643, %eq3A_883 : vector<1024x128xi32>
      %jit3A_885 = arith.constant 4096 : i32
      %broadcast_in_dim3A_886 = vector.broadcast %jit3A_885 : i32 to vector<1024x128xi32>
      %select_n3A_887 = arith.select %eq3A_884, %get3A_642, %broadcast_in_dim3A_886 : vector<1024x128xi1>, vector<1024x128xi32>
      %reduce_min3A_888 = arith.constant dense<2147483647> : vector<128xi32>
      %reduce_min3A_889 = vector.multi_reduction <minsi>, %select_n3A_887, %reduce_min3A_888 [0] : vector<1024x128xi32> to vector<128xi32>
      %broadcast_in_dim3A_890 = vector.shape_cast %reduce_min3A_889 : vector<128xi32> to vector<1x128xi32>
      %broadcast_in_dim3A_891 = vector.broadcast %cond3A : f32 to vector<1024x128xf32>
      %select_n3A_892 = arith.select %eq3A_884, %broadcast_in_dim3A_891, %select_n3A_871 : vector<1024x128xi1>, vector<1024x128xf32>
      %reduce_min3A_893 = arith.constant dense<0x7F800000> : vector<128xf32>
      %reduce_min3A_894 = vector.multi_reduction <minimumf>, %select_n3A_892, %reduce_min3A_893 [0] : vector<1024x128xf32> to vector<128xf32>
      %broadcast_in_dim3A_895 = vector.shape_cast %reduce_min3A_894 : vector<128xf32> to vector<1x128xf32>
      %eq3A_896 = vector.broadcast %broadcast_in_dim3A_895 : vector<1x128xf32> to vector<1024x128xf32>
      %eq3A_897 = arith.cmpf oeq, %select_n3A_892, %eq3A_896 : vector<1024x128xf32>
      %jit3A_898 = arith.constant 1024 : i32
      %broadcast_in_dim3A_899 = vector.broadcast %jit3A_898 : i32 to vector<1024x128xi32>
      %select_n3A_900 = arith.select %eq3A_897, %iota3A_643, %broadcast_in_dim3A_899 : vector<1024x128xi1>, vector<1024x128xi32>
      %reduce_min3A_901 = arith.constant dense<2147483647> : vector<128xi32>
      %reduce_min3A_902 = vector.multi_reduction <minsi>, %select_n3A_900, %reduce_min3A_901 [0] : vector<1024x128xi32> to vector<128xi32>
      %broadcast_in_dim3A_903 = vector.shape_cast %reduce_min3A_902 : vector<128xi32> to vector<1x128xi32>
      %eq3A_904 = vector.broadcast %broadcast_in_dim3A_903 : vector<1x128xi32> to vector<1024x128xi32>
      %eq3A_905 = arith.cmpi eq, %iota3A_643, %eq3A_904 : vector<1024x128xi32>
      %jit3A_906 = arith.constant 4096 : i32
      %broadcast_in_dim3A_907 = vector.broadcast %jit3A_906 : i32 to vector<1024x128xi32>
      %select_n3A_908 = arith.select %eq3A_905, %get3A_642, %broadcast_in_dim3A_907 : vector<1024x128xi1>, vector<1024x128xi32>
      %reduce_min3A_909 = arith.constant dense<2147483647> : vector<128xi32>
      %reduce_min3A_910 = vector.multi_reduction <minsi>, %select_n3A_908, %reduce_min3A_909 [0] : vector<1024x128xi32> to vector<128xi32>
      %broadcast_in_dim3A_911 = vector.shape_cast %reduce_min3A_910 : vector<128xi32> to vector<1x128xi32>
      %broadcast_in_dim3A_912 = vector.broadcast %cond3A : f32 to vector<1024x128xf32>
      %select_n3A_913 = arith.select %eq3A_905, %broadcast_in_dim3A_912, %select_n3A_892 : vector<1024x128xi1>, vector<1024x128xf32>
      %reduce_min3A_914 = arith.constant dense<0x7F800000> : vector<128xf32>
      %reduce_min3A_915 = vector.multi_reduction <minimumf>, %select_n3A_913, %reduce_min3A_914 [0] : vector<1024x128xf32> to vector<128xf32>
      %broadcast_in_dim3A_916 = vector.shape_cast %reduce_min3A_915 : vector<128xf32> to vector<1x128xf32>
      %eq3A_917 = vector.broadcast %broadcast_in_dim3A_916 : vector<1x128xf32> to vector<1024x128xf32>
      %eq3A_918 = arith.cmpf oeq, %select_n3A_913, %eq3A_917 : vector<1024x128xf32>
      %jit3A_919 = arith.constant 1024 : i32
      %broadcast_in_dim3A_920 = vector.broadcast %jit3A_919 : i32 to vector<1024x128xi32>
      %select_n3A_921 = arith.select %eq3A_918, %iota3A_643, %broadcast_in_dim3A_920 : vector<1024x128xi1>, vector<1024x128xi32>
      %reduce_min3A_922 = arith.constant dense<2147483647> : vector<128xi32>
      %reduce_min3A_923 = vector.multi_reduction <minsi>, %select_n3A_921, %reduce_min3A_922 [0] : vector<1024x128xi32> to vector<128xi32>
      %broadcast_in_dim3A_924 = vector.shape_cast %reduce_min3A_923 : vector<128xi32> to vector<1x128xi32>
      %eq3A_925 = vector.broadcast %broadcast_in_dim3A_924 : vector<1x128xi32> to vector<1024x128xi32>
      %eq3A_926 = arith.cmpi eq, %iota3A_643, %eq3A_925 : vector<1024x128xi32>
      %jit3A_927 = arith.constant 4096 : i32
      %broadcast_in_dim3A_928 = vector.broadcast %jit3A_927 : i32 to vector<1024x128xi32>
      %select_n3A_929 = arith.select %eq3A_926, %get3A_642, %broadcast_in_dim3A_928 : vector<1024x128xi1>, vector<1024x128xi32>
      %reduce_min3A_930 = arith.constant dense<2147483647> : vector<128xi32>
      %reduce_min3A_931 = vector.multi_reduction <minsi>, %select_n3A_929, %reduce_min3A_930 [0] : vector<1024x128xi32> to vector<128xi32>
      %broadcast_in_dim3A_932 = vector.shape_cast %reduce_min3A_931 : vector<128xi32> to vector<1x128xi32>
      %broadcast_in_dim3A_933 = vector.broadcast %cond3A : f32 to vector<1024x128xf32>
      %select_n3A_934 = arith.select %eq3A_926, %broadcast_in_dim3A_933, %select_n3A_913 : vector<1024x128xi1>, vector<1024x128xf32>
      %reduce_min3A_935 = arith.constant dense<0x7F800000> : vector<128xf32>
      %reduce_min3A_936 = vector.multi_reduction <minimumf>, %select_n3A_934, %reduce_min3A_935 [0] : vector<1024x128xf32> to vector<128xf32>
      %broadcast_in_dim3A_937 = vector.shape_cast %reduce_min3A_936 : vector<128xf32> to vector<1x128xf32>
      %eq3A_938 = vector.broadcast %broadcast_in_dim3A_937 : vector<1x128xf32> to vector<1024x128xf32>
      %eq3A_939 = arith.cmpf oeq, %select_n3A_934, %eq3A_938 : vector<1024x128xf32>
      %jit3A_940 = arith.constant 1024 : i32
      %broadcast_in_dim3A_941 = vector.broadcast %jit3A_940 : i32 to vector<1024x128xi32>
      %select_n3A_942 = arith.select %eq3A_939, %iota3A_643, %broadcast_in_dim3A_941 : vector<1024x128xi1>, vector<1024x128xi32>
      %reduce_min3A_943 = arith.constant dense<2147483647> : vector<128xi32>
      %reduce_min3A_944 = vector.multi_reduction <minsi>, %select_n3A_942, %reduce_min3A_943 [0] : vector<1024x128xi32> to vector<128xi32>
      %broadcast_in_dim3A_945 = vector.shape_cast %reduce_min3A_944 : vector<128xi32> to vector<1x128xi32>
      %eq3A_946 = vector.broadcast %broadcast_in_dim3A_945 : vector<1x128xi32> to vector<1024x128xi32>
      %eq3A_947 = arith.cmpi eq, %iota3A_643, %eq3A_946 : vector<1024x128xi32>
      %jit3A_948 = arith.constant 4096 : i32
      %broadcast_in_dim3A_949 = vector.broadcast %jit3A_948 : i32 to vector<1024x128xi32>
      %select_n3A_950 = arith.select %eq3A_947, %get3A_642, %broadcast_in_dim3A_949 : vector<1024x128xi1>, vector<1024x128xi32>
      %reduce_min3A_951 = arith.constant dense<2147483647> : vector<128xi32>
      %reduce_min3A_952 = vector.multi_reduction <minsi>, %select_n3A_950, %reduce_min3A_951 [0] : vector<1024x128xi32> to vector<128xi32>
      %broadcast_in_dim3A_953 = vector.shape_cast %reduce_min3A_952 : vector<128xi32> to vector<1x128xi32>
      %broadcast_in_dim3A_954 = vector.broadcast %cond3A : f32 to vector<1024x128xf32>
      %select_n3A_955 = arith.select %eq3A_947, %broadcast_in_dim3A_954, %select_n3A_934 : vector<1024x128xi1>, vector<1024x128xf32>
      %reduce_min3A_956 = arith.constant dense<0x7F800000> : vector<128xf32>
      %reduce_min3A_957 = vector.multi_reduction <minimumf>, %select_n3A_955, %reduce_min3A_956 [0] : vector<1024x128xf32> to vector<128xf32>
      %broadcast_in_dim3A_958 = vector.shape_cast %reduce_min3A_957 : vector<128xf32> to vector<1x128xf32>
      %eq3A_959 = vector.broadcast %broadcast_in_dim3A_958 : vector<1x128xf32> to vector<1024x128xf32>
      %eq3A_960 = arith.cmpf oeq, %select_n3A_955, %eq3A_959 : vector<1024x128xf32>
      %jit3A_961 = arith.constant 1024 : i32
      %broadcast_in_dim3A_962 = vector.broadcast %jit3A_961 : i32 to vector<1024x128xi32>
      %select_n3A_963 = arith.select %eq3A_960, %iota3A_643, %broadcast_in_dim3A_962 : vector<1024x128xi1>, vector<1024x128xi32>
      %reduce_min3A_964 = arith.constant dense<2147483647> : vector<128xi32>
      %reduce_min3A_965 = vector.multi_reduction <minsi>, %select_n3A_963, %reduce_min3A_964 [0] : vector<1024x128xi32> to vector<128xi32>
      %broadcast_in_dim3A_966 = vector.shape_cast %reduce_min3A_965 : vector<128xi32> to vector<1x128xi32>
      %eq3A_967 = vector.broadcast %broadcast_in_dim3A_966 : vector<1x128xi32> to vector<1024x128xi32>
      %eq3A_968 = arith.cmpi eq, %iota3A_643, %eq3A_967 : vector<1024x128xi32>
      %jit3A_969 = arith.constant 4096 : i32
      %broadcast_in_dim3A_970 = vector.broadcast %jit3A_969 : i32 to vector<1024x128xi32>
      %select_n3A_971 = arith.select %eq3A_968, %get3A_642, %broadcast_in_dim3A_970 : vector<1024x128xi1>, vector<1024x128xi32>
      %reduce_min3A_972 = arith.constant dense<2147483647> : vector<128xi32>
      %reduce_min3A_973 = vector.multi_reduction <minsi>, %select_n3A_971, %reduce_min3A_972 [0] : vector<1024x128xi32> to vector<128xi32>
      %broadcast_in_dim3A_974 = vector.shape_cast %reduce_min3A_973 : vector<128xi32> to vector<1x128xi32>
      %broadcast_in_dim3A_975 = vector.broadcast %cond3A : f32 to vector<1024x128xf32>
      %select_n3A_976 = arith.select %eq3A_968, %broadcast_in_dim3A_975, %select_n3A_955 : vector<1024x128xi1>, vector<1024x128xf32>
      %reduce_min3A_977 = arith.constant dense<0x7F800000> : vector<128xf32>
      %reduce_min3A_978 = vector.multi_reduction <minimumf>, %select_n3A_976, %reduce_min3A_977 [0] : vector<1024x128xf32> to vector<128xf32>
      %broadcast_in_dim3A_979 = vector.shape_cast %reduce_min3A_978 : vector<128xf32> to vector<1x128xf32>
      %eq3A_980 = vector.broadcast %broadcast_in_dim3A_979 : vector<1x128xf32> to vector<1024x128xf32>
      %eq3A_981 = arith.cmpf oeq, %select_n3A_976, %eq3A_980 : vector<1024x128xf32>
      %jit3A_982 = arith.constant 1024 : i32
      %broadcast_in_dim3A_983 = vector.broadcast %jit3A_982 : i32 to vector<1024x128xi32>
      %select_n3A_984 = arith.select %eq3A_981, %iota3A_643, %broadcast_in_dim3A_983 : vector<1024x128xi1>, vector<1024x128xi32>
      %reduce_min3A_985 = arith.constant dense<2147483647> : vector<128xi32>
      %reduce_min3A_986 = vector.multi_reduction <minsi>, %select_n3A_984, %reduce_min3A_985 [0] : vector<1024x128xi32> to vector<128xi32>
      %broadcast_in_dim3A_987 = vector.shape_cast %reduce_min3A_986 : vector<128xi32> to vector<1x128xi32>
      %eq3A_988 = vector.broadcast %broadcast_in_dim3A_987 : vector<1x128xi32> to vector<1024x128xi32>
      %eq3A_989 = arith.cmpi eq, %iota3A_643, %eq3A_988 : vector<1024x128xi32>
      %jit3A_990 = arith.constant 4096 : i32
      %broadcast_in_dim3A_991 = vector.broadcast %jit3A_990 : i32 to vector<1024x128xi32>
      %select_n3A_992 = arith.select %eq3A_989, %get3A_642, %broadcast_in_dim3A_991 : vector<1024x128xi1>, vector<1024x128xi32>
      %reduce_min3A_993 = arith.constant dense<2147483647> : vector<128xi32>
      %reduce_min3A_994 = vector.multi_reduction <minsi>, %select_n3A_992, %reduce_min3A_993 [0] : vector<1024x128xi32> to vector<128xi32>
      %broadcast_in_dim3A_995 = vector.shape_cast %reduce_min3A_994 : vector<128xi32> to vector<1x128xi32>
      %broadcast_in_dim3A_996 = vector.broadcast %cond3A : f32 to vector<1024x128xf32>
      %select_n3A_997 = arith.select %eq3A_989, %broadcast_in_dim3A_996, %select_n3A_976 : vector<1024x128xi1>, vector<1024x128xf32>
      %reduce_min3A_998 = arith.constant dense<0x7F800000> : vector<128xf32>
      %reduce_min3A_999 = vector.multi_reduction <minimumf>, %select_n3A_997, %reduce_min3A_998 [0] : vector<1024x128xf32> to vector<128xf32>
      %broadcast_in_dim3A_1000 = vector.shape_cast %reduce_min3A_999 : vector<128xf32> to vector<1x128xf32>
      %eq3A_1001 = vector.broadcast %broadcast_in_dim3A_1000 : vector<1x128xf32> to vector<1024x128xf32>
      %eq3A_1002 = arith.cmpf oeq, %select_n3A_997, %eq3A_1001 : vector<1024x128xf32>
      %jit3A_1003 = arith.constant 1024 : i32
      %broadcast_in_dim3A_1004 = vector.broadcast %jit3A_1003 : i32 to vector<1024x128xi32>
      %select_n3A_1005 = arith.select %eq3A_1002, %iota3A_643, %broadcast_in_dim3A_1004 : vector<1024x128xi1>, vector<1024x128xi32>
      %reduce_min3A_1006 = arith.constant dense<2147483647> : vector<128xi32>
      %reduce_min3A_1007 = vector.multi_reduction <minsi>, %select_n3A_1005, %reduce_min3A_1006 [0] : vector<1024x128xi32> to vector<128xi32>
      %broadcast_in_dim3A_1008 = vector.shape_cast %reduce_min3A_1007 : vector<128xi32> to vector<1x128xi32>
      %eq3A_1009 = vector.broadcast %broadcast_in_dim3A_1008 : vector<1x128xi32> to vector<1024x128xi32>
      %eq3A_1010 = arith.cmpi eq, %iota3A_643, %eq3A_1009 : vector<1024x128xi32>
      %jit3A_1011 = arith.constant 4096 : i32
      %broadcast_in_dim3A_1012 = vector.broadcast %jit3A_1011 : i32 to vector<1024x128xi32>
      %select_n3A_1013 = arith.select %eq3A_1010, %get3A_642, %broadcast_in_dim3A_1012 : vector<1024x128xi1>, vector<1024x128xi32>
      %reduce_min3A_1014 = arith.constant dense<2147483647> : vector<128xi32>
      %reduce_min3A_1015 = vector.multi_reduction <minsi>, %select_n3A_1013, %reduce_min3A_1014 [0] : vector<1024x128xi32> to vector<128xi32>
      %broadcast_in_dim3A_1016 = vector.shape_cast %reduce_min3A_1015 : vector<128xi32> to vector<1x128xi32>
      %broadcast_in_dim3A_1017 = vector.broadcast %cond3A : f32 to vector<1024x128xf32>
      %select_n3A_1018 = arith.select %eq3A_1010, %broadcast_in_dim3A_1017, %select_n3A_997 : vector<1024x128xi1>, vector<1024x128xf32>
      %reduce_min3A_1019 = arith.constant dense<0x7F800000> : vector<128xf32>
      %reduce_min3A_1020 = vector.multi_reduction <minimumf>, %select_n3A_1018, %reduce_min3A_1019 [0] : vector<1024x128xf32> to vector<128xf32>
      %broadcast_in_dim3A_1021 = vector.shape_cast %reduce_min3A_1020 : vector<128xf32> to vector<1x128xf32>
      %eq3A_1022 = vector.broadcast %broadcast_in_dim3A_1021 : vector<1x128xf32> to vector<1024x128xf32>
      %eq3A_1023 = arith.cmpf oeq, %select_n3A_1018, %eq3A_1022 : vector<1024x128xf32>
      %jit3A_1024 = arith.constant 1024 : i32
      %broadcast_in_dim3A_1025 = vector.broadcast %jit3A_1024 : i32 to vector<1024x128xi32>
      %select_n3A_1026 = arith.select %eq3A_1023, %iota3A_643, %broadcast_in_dim3A_1025 : vector<1024x128xi1>, vector<1024x128xi32>
      %reduce_min3A_1027 = arith.constant dense<2147483647> : vector<128xi32>
      %reduce_min3A_1028 = vector.multi_reduction <minsi>, %select_n3A_1026, %reduce_min3A_1027 [0] : vector<1024x128xi32> to vector<128xi32>
      %broadcast_in_dim3A_1029 = vector.shape_cast %reduce_min3A_1028 : vector<128xi32> to vector<1x128xi32>
      %eq3A_1030 = vector.broadcast %broadcast_in_dim3A_1029 : vector<1x128xi32> to vector<1024x128xi32>
      %eq3A_1031 = arith.cmpi eq, %iota3A_643, %eq3A_1030 : vector<1024x128xi32>
      %jit3A_1032 = arith.constant 4096 : i32
      %broadcast_in_dim3A_1033 = vector.broadcast %jit3A_1032 : i32 to vector<1024x128xi32>
      %select_n3A_1034 = arith.select %eq3A_1031, %get3A_642, %broadcast_in_dim3A_1033 : vector<1024x128xi1>, vector<1024x128xi32>
      %reduce_min3A_1035 = arith.constant dense<2147483647> : vector<128xi32>
      %reduce_min3A_1036 = vector.multi_reduction <minsi>, %select_n3A_1034, %reduce_min3A_1035 [0] : vector<1024x128xi32> to vector<128xi32>
      %broadcast_in_dim3A_1037 = vector.shape_cast %reduce_min3A_1036 : vector<128xi32> to vector<1x128xi32>
      %broadcast_in_dim3A_1038 = vector.broadcast %cond3A : f32 to vector<1024x128xf32>
      %select_n3A_1039 = arith.select %eq3A_1031, %broadcast_in_dim3A_1038, %select_n3A_1018 : vector<1024x128xi1>, vector<1024x128xf32>
      %reduce_min3A_1040 = arith.constant dense<0x7F800000> : vector<128xf32>
      %reduce_min3A_1041 = vector.multi_reduction <minimumf>, %select_n3A_1039, %reduce_min3A_1040 [0] : vector<1024x128xf32> to vector<128xf32>
      %broadcast_in_dim3A_1042 = vector.shape_cast %reduce_min3A_1041 : vector<128xf32> to vector<1x128xf32>
      %eq3A_1043 = vector.broadcast %broadcast_in_dim3A_1042 : vector<1x128xf32> to vector<1024x128xf32>
      %eq3A_1044 = arith.cmpf oeq, %select_n3A_1039, %eq3A_1043 : vector<1024x128xf32>
      %jit3A_1045 = arith.constant 1024 : i32
      %broadcast_in_dim3A_1046 = vector.broadcast %jit3A_1045 : i32 to vector<1024x128xi32>
      %select_n3A_1047 = arith.select %eq3A_1044, %iota3A_643, %broadcast_in_dim3A_1046 : vector<1024x128xi1>, vector<1024x128xi32>
      %reduce_min3A_1048 = arith.constant dense<2147483647> : vector<128xi32>
      %reduce_min3A_1049 = vector.multi_reduction <minsi>, %select_n3A_1047, %reduce_min3A_1048 [0] : vector<1024x128xi32> to vector<128xi32>
      %broadcast_in_dim3A_1050 = vector.shape_cast %reduce_min3A_1049 : vector<128xi32> to vector<1x128xi32>
      %eq3A_1051 = vector.broadcast %broadcast_in_dim3A_1050 : vector<1x128xi32> to vector<1024x128xi32>
      %eq3A_1052 = arith.cmpi eq, %iota3A_643, %eq3A_1051 : vector<1024x128xi32>
      %jit3A_1053 = arith.constant 4096 : i32
      %broadcast_in_dim3A_1054 = vector.broadcast %jit3A_1053 : i32 to vector<1024x128xi32>
      %select_n3A_1055 = arith.select %eq3A_1052, %get3A_642, %broadcast_in_dim3A_1054 : vector<1024x128xi1>, vector<1024x128xi32>
      %reduce_min3A_1056 = arith.constant dense<2147483647> : vector<128xi32>
      %reduce_min3A_1057 = vector.multi_reduction <minsi>, %select_n3A_1055, %reduce_min3A_1056 [0] : vector<1024x128xi32> to vector<128xi32>
      %broadcast_in_dim3A_1058 = vector.shape_cast %reduce_min3A_1057 : vector<128xi32> to vector<1x128xi32>
      %broadcast_in_dim3A_1059 = vector.broadcast %cond3A : f32 to vector<1024x128xf32>
      %select_n3A_1060 = arith.select %eq3A_1052, %broadcast_in_dim3A_1059, %select_n3A_1039 : vector<1024x128xi1>, vector<1024x128xf32>
      %reduce_min3A_1061 = arith.constant dense<0x7F800000> : vector<128xf32>
      %reduce_min3A_1062 = vector.multi_reduction <minimumf>, %select_n3A_1060, %reduce_min3A_1061 [0] : vector<1024x128xf32> to vector<128xf32>
      %broadcast_in_dim3A_1063 = vector.shape_cast %reduce_min3A_1062 : vector<128xf32> to vector<1x128xf32>
      %eq3A_1064 = vector.broadcast %broadcast_in_dim3A_1063 : vector<1x128xf32> to vector<1024x128xf32>
      %eq3A_1065 = arith.cmpf oeq, %select_n3A_1060, %eq3A_1064 : vector<1024x128xf32>
      %jit3A_1066 = arith.constant 1024 : i32
      %broadcast_in_dim3A_1067 = vector.broadcast %jit3A_1066 : i32 to vector<1024x128xi32>
      %select_n3A_1068 = arith.select %eq3A_1065, %iota3A_643, %broadcast_in_dim3A_1067 : vector<1024x128xi1>, vector<1024x128xi32>
      %reduce_min3A_1069 = arith.constant dense<2147483647> : vector<128xi32>
      %reduce_min3A_1070 = vector.multi_reduction <minsi>, %select_n3A_1068, %reduce_min3A_1069 [0] : vector<1024x128xi32> to vector<128xi32>
      %broadcast_in_dim3A_1071 = vector.shape_cast %reduce_min3A_1070 : vector<128xi32> to vector<1x128xi32>
      %eq3A_1072 = vector.broadcast %broadcast_in_dim3A_1071 : vector<1x128xi32> to vector<1024x128xi32>
      %eq3A_1073 = arith.cmpi eq, %iota3A_643, %eq3A_1072 : vector<1024x128xi32>
      %jit3A_1074 = arith.constant 4096 : i32
      %broadcast_in_dim3A_1075 = vector.broadcast %jit3A_1074 : i32 to vector<1024x128xi32>
      %select_n3A_1076 = arith.select %eq3A_1073, %get3A_642, %broadcast_in_dim3A_1075 : vector<1024x128xi1>, vector<1024x128xi32>
      %reduce_min3A_1077 = arith.constant dense<2147483647> : vector<128xi32>
      %reduce_min3A_1078 = vector.multi_reduction <minsi>, %select_n3A_1076, %reduce_min3A_1077 [0] : vector<1024x128xi32> to vector<128xi32>
      %broadcast_in_dim3A_1079 = vector.shape_cast %reduce_min3A_1078 : vector<128xi32> to vector<1x128xi32>
      %broadcast_in_dim3A_1080 = vector.broadcast %cond3A : f32 to vector<1024x128xf32>
      %select_n3A_1081 = arith.select %eq3A_1073, %broadcast_in_dim3A_1080, %select_n3A_1060 : vector<1024x128xi1>, vector<1024x128xf32>
      %reduce_min3A_1082 = arith.constant dense<0x7F800000> : vector<128xf32>
      %reduce_min3A_1083 = vector.multi_reduction <minimumf>, %select_n3A_1081, %reduce_min3A_1082 [0] : vector<1024x128xf32> to vector<128xf32>
      %broadcast_in_dim3A_1084 = vector.shape_cast %reduce_min3A_1083 : vector<128xf32> to vector<1x128xf32>
      %eq3A_1085 = vector.broadcast %broadcast_in_dim3A_1084 : vector<1x128xf32> to vector<1024x128xf32>
      %eq3A_1086 = arith.cmpf oeq, %select_n3A_1081, %eq3A_1085 : vector<1024x128xf32>
      %jit3A_1087 = arith.constant 1024 : i32
      %broadcast_in_dim3A_1088 = vector.broadcast %jit3A_1087 : i32 to vector<1024x128xi32>
      %select_n3A_1089 = arith.select %eq3A_1086, %iota3A_643, %broadcast_in_dim3A_1088 : vector<1024x128xi1>, vector<1024x128xi32>
      %reduce_min3A_1090 = arith.constant dense<2147483647> : vector<128xi32>
      %reduce_min3A_1091 = vector.multi_reduction <minsi>, %select_n3A_1089, %reduce_min3A_1090 [0] : vector<1024x128xi32> to vector<128xi32>
      %broadcast_in_dim3A_1092 = vector.shape_cast %reduce_min3A_1091 : vector<128xi32> to vector<1x128xi32>
      %eq3A_1093 = vector.broadcast %broadcast_in_dim3A_1092 : vector<1x128xi32> to vector<1024x128xi32>
      %eq3A_1094 = arith.cmpi eq, %iota3A_643, %eq3A_1093 : vector<1024x128xi32>
      %jit3A_1095 = arith.constant 4096 : i32
      %broadcast_in_dim3A_1096 = vector.broadcast %jit3A_1095 : i32 to vector<1024x128xi32>
      %select_n3A_1097 = arith.select %eq3A_1094, %get3A_642, %broadcast_in_dim3A_1096 : vector<1024x128xi1>, vector<1024x128xi32>
      %reduce_min3A_1098 = arith.constant dense<2147483647> : vector<128xi32>
      %reduce_min3A_1099 = vector.multi_reduction <minsi>, %select_n3A_1097, %reduce_min3A_1098 [0] : vector<1024x128xi32> to vector<128xi32>
      %broadcast_in_dim3A_1100 = vector.shape_cast %reduce_min3A_1099 : vector<128xi32> to vector<1x128xi32>
      %broadcast_in_dim3A_1101 = vector.broadcast %cond3A : f32 to vector<1024x128xf32>
      %select_n3A_1102 = arith.select %eq3A_1094, %broadcast_in_dim3A_1101, %select_n3A_1081 : vector<1024x128xi1>, vector<1024x128xf32>
      %reduce_min3A_1103 = arith.constant dense<0x7F800000> : vector<128xf32>
      %reduce_min3A_1104 = vector.multi_reduction <minimumf>, %select_n3A_1102, %reduce_min3A_1103 [0] : vector<1024x128xf32> to vector<128xf32>
      %broadcast_in_dim3A_1105 = vector.shape_cast %reduce_min3A_1104 : vector<128xf32> to vector<1x128xf32>
      %eq3A_1106 = vector.broadcast %broadcast_in_dim3A_1105 : vector<1x128xf32> to vector<1024x128xf32>
      %eq3A_1107 = arith.cmpf oeq, %select_n3A_1102, %eq3A_1106 : vector<1024x128xf32>
      %jit3A_1108 = arith.constant 1024 : i32
      %broadcast_in_dim3A_1109 = vector.broadcast %jit3A_1108 : i32 to vector<1024x128xi32>
      %select_n3A_1110 = arith.select %eq3A_1107, %iota3A_643, %broadcast_in_dim3A_1109 : vector<1024x128xi1>, vector<1024x128xi32>
      %reduce_min3A_1111 = arith.constant dense<2147483647> : vector<128xi32>
      %reduce_min3A_1112 = vector.multi_reduction <minsi>, %select_n3A_1110, %reduce_min3A_1111 [0] : vector<1024x128xi32> to vector<128xi32>
      %broadcast_in_dim3A_1113 = vector.shape_cast %reduce_min3A_1112 : vector<128xi32> to vector<1x128xi32>
      %eq3A_1114 = vector.broadcast %broadcast_in_dim3A_1113 : vector<1x128xi32> to vector<1024x128xi32>
      %eq3A_1115 = arith.cmpi eq, %iota3A_643, %eq3A_1114 : vector<1024x128xi32>
      %jit3A_1116 = arith.constant 4096 : i32
      %broadcast_in_dim3A_1117 = vector.broadcast %jit3A_1116 : i32 to vector<1024x128xi32>
      %select_n3A_1118 = arith.select %eq3A_1115, %get3A_642, %broadcast_in_dim3A_1117 : vector<1024x128xi1>, vector<1024x128xi32>
      %reduce_min3A_1119 = arith.constant dense<2147483647> : vector<128xi32>
      %reduce_min3A_1120 = vector.multi_reduction <minsi>, %select_n3A_1118, %reduce_min3A_1119 [0] : vector<1024x128xi32> to vector<128xi32>
      %broadcast_in_dim3A_1121 = vector.shape_cast %reduce_min3A_1120 : vector<128xi32> to vector<1x128xi32>
      %broadcast_in_dim3A_1122 = vector.broadcast %cond3A : f32 to vector<1024x128xf32>
      %select_n3A_1123 = arith.select %eq3A_1115, %broadcast_in_dim3A_1122, %select_n3A_1102 : vector<1024x128xi1>, vector<1024x128xf32>
      %reduce_min3A_1124 = arith.constant dense<0x7F800000> : vector<128xf32>
      %reduce_min3A_1125 = vector.multi_reduction <minimumf>, %select_n3A_1123, %reduce_min3A_1124 [0] : vector<1024x128xf32> to vector<128xf32>
      %broadcast_in_dim3A_1126 = vector.shape_cast %reduce_min3A_1125 : vector<128xf32> to vector<1x128xf32>
      %eq3A_1127 = vector.broadcast %broadcast_in_dim3A_1126 : vector<1x128xf32> to vector<1024x128xf32>
      %eq3A_1128 = arith.cmpf oeq, %select_n3A_1123, %eq3A_1127 : vector<1024x128xf32>
      %jit3A_1129 = arith.constant 1024 : i32
      %broadcast_in_dim3A_1130 = vector.broadcast %jit3A_1129 : i32 to vector<1024x128xi32>
      %select_n3A_1131 = arith.select %eq3A_1128, %iota3A_643, %broadcast_in_dim3A_1130 : vector<1024x128xi1>, vector<1024x128xi32>
      %reduce_min3A_1132 = arith.constant dense<2147483647> : vector<128xi32>
      %reduce_min3A_1133 = vector.multi_reduction <minsi>, %select_n3A_1131, %reduce_min3A_1132 [0] : vector<1024x128xi32> to vector<128xi32>
      %broadcast_in_dim3A_1134 = vector.shape_cast %reduce_min3A_1133 : vector<128xi32> to vector<1x128xi32>
      %eq3A_1135 = vector.broadcast %broadcast_in_dim3A_1134 : vector<1x128xi32> to vector<1024x128xi32>
      %eq3A_1136 = arith.cmpi eq, %iota3A_643, %eq3A_1135 : vector<1024x128xi32>
      %jit3A_1137 = arith.constant 4096 : i32
      %broadcast_in_dim3A_1138 = vector.broadcast %jit3A_1137 : i32 to vector<1024x128xi32>
      %select_n3A_1139 = arith.select %eq3A_1136, %get3A_642, %broadcast_in_dim3A_1138 : vector<1024x128xi1>, vector<1024x128xi32>
      %reduce_min3A_1140 = arith.constant dense<2147483647> : vector<128xi32>
      %reduce_min3A_1141 = vector.multi_reduction <minsi>, %select_n3A_1139, %reduce_min3A_1140 [0] : vector<1024x128xi32> to vector<128xi32>
      %broadcast_in_dim3A_1142 = vector.shape_cast %reduce_min3A_1141 : vector<128xi32> to vector<1x128xi32>
      %broadcast_in_dim3A_1143 = vector.broadcast %cond3A : f32 to vector<1024x128xf32>
      %select_n3A_1144 = arith.select %eq3A_1136, %broadcast_in_dim3A_1143, %select_n3A_1123 : vector<1024x128xi1>, vector<1024x128xf32>
      %reduce_min3A_1145 = arith.constant dense<0x7F800000> : vector<128xf32>
      %reduce_min3A_1146 = vector.multi_reduction <minimumf>, %select_n3A_1144, %reduce_min3A_1145 [0] : vector<1024x128xf32> to vector<128xf32>
      %broadcast_in_dim3A_1147 = vector.shape_cast %reduce_min3A_1146 : vector<128xf32> to vector<1x128xf32>
      %eq3A_1148 = vector.broadcast %broadcast_in_dim3A_1147 : vector<1x128xf32> to vector<1024x128xf32>
      %eq3A_1149 = arith.cmpf oeq, %select_n3A_1144, %eq3A_1148 : vector<1024x128xf32>
      %jit3A_1150 = arith.constant 1024 : i32
      %broadcast_in_dim3A_1151 = vector.broadcast %jit3A_1150 : i32 to vector<1024x128xi32>
      %select_n3A_1152 = arith.select %eq3A_1149, %iota3A_643, %broadcast_in_dim3A_1151 : vector<1024x128xi1>, vector<1024x128xi32>
      %reduce_min3A_1153 = arith.constant dense<2147483647> : vector<128xi32>
      %reduce_min3A_1154 = vector.multi_reduction <minsi>, %select_n3A_1152, %reduce_min3A_1153 [0] : vector<1024x128xi32> to vector<128xi32>
      %broadcast_in_dim3A_1155 = vector.shape_cast %reduce_min3A_1154 : vector<128xi32> to vector<1x128xi32>
      %eq3A_1156 = vector.broadcast %broadcast_in_dim3A_1155 : vector<1x128xi32> to vector<1024x128xi32>
      %eq3A_1157 = arith.cmpi eq, %iota3A_643, %eq3A_1156 : vector<1024x128xi32>
      %jit3A_1158 = arith.constant 4096 : i32
      %broadcast_in_dim3A_1159 = vector.broadcast %jit3A_1158 : i32 to vector<1024x128xi32>
      %select_n3A_1160 = arith.select %eq3A_1157, %get3A_642, %broadcast_in_dim3A_1159 : vector<1024x128xi1>, vector<1024x128xi32>
      %reduce_min3A_1161 = arith.constant dense<2147483647> : vector<128xi32>
      %reduce_min3A_1162 = vector.multi_reduction <minsi>, %select_n3A_1160, %reduce_min3A_1161 [0] : vector<1024x128xi32> to vector<128xi32>
      %broadcast_in_dim3A_1163 = vector.shape_cast %reduce_min3A_1162 : vector<128xi32> to vector<1x128xi32>
      %broadcast_in_dim3A_1164 = vector.broadcast %cond3A : f32 to vector<1024x128xf32>
      %select_n3A_1165 = arith.select %eq3A_1157, %broadcast_in_dim3A_1164, %select_n3A_1144 : vector<1024x128xi1>, vector<1024x128xf32>
      %reduce_min3A_1166 = arith.constant dense<0x7F800000> : vector<128xf32>
      %reduce_min3A_1167 = vector.multi_reduction <minimumf>, %select_n3A_1165, %reduce_min3A_1166 [0] : vector<1024x128xf32> to vector<128xf32>
      %broadcast_in_dim3A_1168 = vector.shape_cast %reduce_min3A_1167 : vector<128xf32> to vector<1x128xf32>
      %eq3A_1169 = vector.broadcast %broadcast_in_dim3A_1168 : vector<1x128xf32> to vector<1024x128xf32>
      %eq3A_1170 = arith.cmpf oeq, %select_n3A_1165, %eq3A_1169 : vector<1024x128xf32>
      %jit3A_1171 = arith.constant 1024 : i32
      %broadcast_in_dim3A_1172 = vector.broadcast %jit3A_1171 : i32 to vector<1024x128xi32>
      %select_n3A_1173 = arith.select %eq3A_1170, %iota3A_643, %broadcast_in_dim3A_1172 : vector<1024x128xi1>, vector<1024x128xi32>
      %reduce_min3A_1174 = arith.constant dense<2147483647> : vector<128xi32>
      %reduce_min3A_1175 = vector.multi_reduction <minsi>, %select_n3A_1173, %reduce_min3A_1174 [0] : vector<1024x128xi32> to vector<128xi32>
      %broadcast_in_dim3A_1176 = vector.shape_cast %reduce_min3A_1175 : vector<128xi32> to vector<1x128xi32>
      %eq3A_1177 = vector.broadcast %broadcast_in_dim3A_1176 : vector<1x128xi32> to vector<1024x128xi32>
      %eq3A_1178 = arith.cmpi eq, %iota3A_643, %eq3A_1177 : vector<1024x128xi32>
      %jit3A_1179 = arith.constant 4096 : i32
      %broadcast_in_dim3A_1180 = vector.broadcast %jit3A_1179 : i32 to vector<1024x128xi32>
      %select_n3A_1181 = arith.select %eq3A_1178, %get3A_642, %broadcast_in_dim3A_1180 : vector<1024x128xi1>, vector<1024x128xi32>
      %reduce_min3A_1182 = arith.constant dense<2147483647> : vector<128xi32>
      %reduce_min3A_1183 = vector.multi_reduction <minsi>, %select_n3A_1181, %reduce_min3A_1182 [0] : vector<1024x128xi32> to vector<128xi32>
      %broadcast_in_dim3A_1184 = vector.shape_cast %reduce_min3A_1183 : vector<128xi32> to vector<1x128xi32>
      %broadcast_in_dim3A_1185 = vector.broadcast %cond3A : f32 to vector<1024x128xf32>
      %select_n3A_1186 = arith.select %eq3A_1178, %broadcast_in_dim3A_1185, %select_n3A_1165 : vector<1024x128xi1>, vector<1024x128xf32>
      %reduce_min3A_1187 = arith.constant dense<0x7F800000> : vector<128xf32>
      %reduce_min3A_1188 = vector.multi_reduction <minimumf>, %select_n3A_1186, %reduce_min3A_1187 [0] : vector<1024x128xf32> to vector<128xf32>
      %broadcast_in_dim3A_1189 = vector.shape_cast %reduce_min3A_1188 : vector<128xf32> to vector<1x128xf32>
      %eq3A_1190 = vector.broadcast %broadcast_in_dim3A_1189 : vector<1x128xf32> to vector<1024x128xf32>
      %eq3A_1191 = arith.cmpf oeq, %select_n3A_1186, %eq3A_1190 : vector<1024x128xf32>
      %jit3A_1192 = arith.constant 1024 : i32
      %broadcast_in_dim3A_1193 = vector.broadcast %jit3A_1192 : i32 to vector<1024x128xi32>
      %select_n3A_1194 = arith.select %eq3A_1191, %iota3A_643, %broadcast_in_dim3A_1193 : vector<1024x128xi1>, vector<1024x128xi32>
      %reduce_min3A_1195 = arith.constant dense<2147483647> : vector<128xi32>
      %reduce_min3A_1196 = vector.multi_reduction <minsi>, %select_n3A_1194, %reduce_min3A_1195 [0] : vector<1024x128xi32> to vector<128xi32>
      %broadcast_in_dim3A_1197 = vector.shape_cast %reduce_min3A_1196 : vector<128xi32> to vector<1x128xi32>
      %eq3A_1198 = vector.broadcast %broadcast_in_dim3A_1197 : vector<1x128xi32> to vector<1024x128xi32>
      %eq3A_1199 = arith.cmpi eq, %iota3A_643, %eq3A_1198 : vector<1024x128xi32>
      %jit3A_1200 = arith.constant 4096 : i32
      %broadcast_in_dim3A_1201 = vector.broadcast %jit3A_1200 : i32 to vector<1024x128xi32>
      %select_n3A_1202 = arith.select %eq3A_1199, %get3A_642, %broadcast_in_dim3A_1201 : vector<1024x128xi1>, vector<1024x128xi32>
      %reduce_min3A_1203 = arith.constant dense<2147483647> : vector<128xi32>
      %reduce_min3A_1204 = vector.multi_reduction <minsi>, %select_n3A_1202, %reduce_min3A_1203 [0] : vector<1024x128xi32> to vector<128xi32>
      %broadcast_in_dim3A_1205 = vector.shape_cast %reduce_min3A_1204 : vector<128xi32> to vector<1x128xi32>
      %broadcast_in_dim3A_1206 = vector.broadcast %cond3A : f32 to vector<1024x128xf32>
      %select_n3A_1207 = arith.select %eq3A_1199, %broadcast_in_dim3A_1206, %select_n3A_1186 : vector<1024x128xi1>, vector<1024x128xf32>
      %reduce_min3A_1208 = arith.constant dense<0x7F800000> : vector<128xf32>
      %reduce_min3A_1209 = vector.multi_reduction <minimumf>, %select_n3A_1207, %reduce_min3A_1208 [0] : vector<1024x128xf32> to vector<128xf32>
      %broadcast_in_dim3A_1210 = vector.shape_cast %reduce_min3A_1209 : vector<128xf32> to vector<1x128xf32>
      %eq3A_1211 = vector.broadcast %broadcast_in_dim3A_1210 : vector<1x128xf32> to vector<1024x128xf32>
      %eq3A_1212 = arith.cmpf oeq, %select_n3A_1207, %eq3A_1211 : vector<1024x128xf32>
      %jit3A_1213 = arith.constant 1024 : i32
      %broadcast_in_dim3A_1214 = vector.broadcast %jit3A_1213 : i32 to vector<1024x128xi32>
      %select_n3A_1215 = arith.select %eq3A_1212, %iota3A_643, %broadcast_in_dim3A_1214 : vector<1024x128xi1>, vector<1024x128xi32>
      %reduce_min3A_1216 = arith.constant dense<2147483647> : vector<128xi32>
      %reduce_min3A_1217 = vector.multi_reduction <minsi>, %select_n3A_1215, %reduce_min3A_1216 [0] : vector<1024x128xi32> to vector<128xi32>
      %broadcast_in_dim3A_1218 = vector.shape_cast %reduce_min3A_1217 : vector<128xi32> to vector<1x128xi32>
      %eq3A_1219 = vector.broadcast %broadcast_in_dim3A_1218 : vector<1x128xi32> to vector<1024x128xi32>
      %eq3A_1220 = arith.cmpi eq, %iota3A_643, %eq3A_1219 : vector<1024x128xi32>
      %jit3A_1221 = arith.constant 4096 : i32
      %broadcast_in_dim3A_1222 = vector.broadcast %jit3A_1221 : i32 to vector<1024x128xi32>
      %select_n3A_1223 = arith.select %eq3A_1220, %get3A_642, %broadcast_in_dim3A_1222 : vector<1024x128xi1>, vector<1024x128xi32>
      %reduce_min3A_1224 = arith.constant dense<2147483647> : vector<128xi32>
      %reduce_min3A_1225 = vector.multi_reduction <minsi>, %select_n3A_1223, %reduce_min3A_1224 [0] : vector<1024x128xi32> to vector<128xi32>
      %broadcast_in_dim3A_1226 = vector.shape_cast %reduce_min3A_1225 : vector<128xi32> to vector<1x128xi32>
      %broadcast_in_dim3A_1227 = vector.broadcast %cond3A : f32 to vector<1024x128xf32>
      %select_n3A_1228 = arith.select %eq3A_1220, %broadcast_in_dim3A_1227, %select_n3A_1207 : vector<1024x128xi1>, vector<1024x128xf32>
      %reduce_min3A_1229 = arith.constant dense<0x7F800000> : vector<128xf32>
      %reduce_min3A_1230 = vector.multi_reduction <minimumf>, %select_n3A_1228, %reduce_min3A_1229 [0] : vector<1024x128xf32> to vector<128xf32>
      %broadcast_in_dim3A_1231 = vector.shape_cast %reduce_min3A_1230 : vector<128xf32> to vector<1x128xf32>
      %eq3A_1232 = vector.broadcast %broadcast_in_dim3A_1231 : vector<1x128xf32> to vector<1024x128xf32>
      %eq3A_1233 = arith.cmpf oeq, %select_n3A_1228, %eq3A_1232 : vector<1024x128xf32>
      %jit3A_1234 = arith.constant 1024 : i32
      %broadcast_in_dim3A_1235 = vector.broadcast %jit3A_1234 : i32 to vector<1024x128xi32>
      %select_n3A_1236 = arith.select %eq3A_1233, %iota3A_643, %broadcast_in_dim3A_1235 : vector<1024x128xi1>, vector<1024x128xi32>
      %reduce_min3A_1237 = arith.constant dense<2147483647> : vector<128xi32>
      %reduce_min3A_1238 = vector.multi_reduction <minsi>, %select_n3A_1236, %reduce_min3A_1237 [0] : vector<1024x128xi32> to vector<128xi32>
      %broadcast_in_dim3A_1239 = vector.shape_cast %reduce_min3A_1238 : vector<128xi32> to vector<1x128xi32>
      %eq3A_1240 = vector.broadcast %broadcast_in_dim3A_1239 : vector<1x128xi32> to vector<1024x128xi32>
      %eq3A_1241 = arith.cmpi eq, %iota3A_643, %eq3A_1240 : vector<1024x128xi32>
      %jit3A_1242 = arith.constant 4096 : i32
      %broadcast_in_dim3A_1243 = vector.broadcast %jit3A_1242 : i32 to vector<1024x128xi32>
      %select_n3A_1244 = arith.select %eq3A_1241, %get3A_642, %broadcast_in_dim3A_1243 : vector<1024x128xi1>, vector<1024x128xi32>
      %reduce_min3A_1245 = arith.constant dense<2147483647> : vector<128xi32>
      %reduce_min3A_1246 = vector.multi_reduction <minsi>, %select_n3A_1244, %reduce_min3A_1245 [0] : vector<1024x128xi32> to vector<128xi32>
      %broadcast_in_dim3A_1247 = vector.shape_cast %reduce_min3A_1246 : vector<128xi32> to vector<1x128xi32>
      %broadcast_in_dim3A_1248 = vector.broadcast %cond3A : f32 to vector<1024x128xf32>
      %select_n3A_1249 = arith.select %eq3A_1241, %broadcast_in_dim3A_1248, %select_n3A_1228 : vector<1024x128xi1>, vector<1024x128xf32>
      %reduce_min3A_1250 = arith.constant dense<0x7F800000> : vector<128xf32>
      %reduce_min3A_1251 = vector.multi_reduction <minimumf>, %select_n3A_1249, %reduce_min3A_1250 [0] : vector<1024x128xf32> to vector<128xf32>
      %broadcast_in_dim3A_1252 = vector.shape_cast %reduce_min3A_1251 : vector<128xf32> to vector<1x128xf32>
      %eq3A_1253 = vector.broadcast %broadcast_in_dim3A_1252 : vector<1x128xf32> to vector<1024x128xf32>
      %eq3A_1254 = arith.cmpf oeq, %select_n3A_1249, %eq3A_1253 : vector<1024x128xf32>
      %jit3A_1255 = arith.constant 1024 : i32
      %broadcast_in_dim3A_1256 = vector.broadcast %jit3A_1255 : i32 to vector<1024x128xi32>
      %select_n3A_1257 = arith.select %eq3A_1254, %iota3A_643, %broadcast_in_dim3A_1256 : vector<1024x128xi1>, vector<1024x128xi32>
      %reduce_min3A_1258 = arith.constant dense<2147483647> : vector<128xi32>
      %reduce_min3A_1259 = vector.multi_reduction <minsi>, %select_n3A_1257, %reduce_min3A_1258 [0] : vector<1024x128xi32> to vector<128xi32>
      %broadcast_in_dim3A_1260 = vector.shape_cast %reduce_min3A_1259 : vector<128xi32> to vector<1x128xi32>
      %eq3A_1261 = vector.broadcast %broadcast_in_dim3A_1260 : vector<1x128xi32> to vector<1024x128xi32>
      %eq3A_1262 = arith.cmpi eq, %iota3A_643, %eq3A_1261 : vector<1024x128xi32>
      %jit3A_1263 = arith.constant 4096 : i32
      %broadcast_in_dim3A_1264 = vector.broadcast %jit3A_1263 : i32 to vector<1024x128xi32>
      %select_n3A_1265 = arith.select %eq3A_1262, %get3A_642, %broadcast_in_dim3A_1264 : vector<1024x128xi1>, vector<1024x128xi32>
      %reduce_min3A_1266 = arith.constant dense<2147483647> : vector<128xi32>
      %reduce_min3A_1267 = vector.multi_reduction <minsi>, %select_n3A_1265, %reduce_min3A_1266 [0] : vector<1024x128xi32> to vector<128xi32>
      %broadcast_in_dim3A_1268 = vector.shape_cast %reduce_min3A_1267 : vector<128xi32> to vector<1x128xi32>
      %broadcast_in_dim3A_1269 = vector.broadcast %cond3A : f32 to vector<1024x128xf32>
      %select_n3A_1270 = arith.select %eq3A_1262, %broadcast_in_dim3A_1269, %select_n3A_1249 : vector<1024x128xi1>, vector<1024x128xf32>
      %reduce_min3A_1271 = arith.constant dense<0x7F800000> : vector<128xf32>
      %reduce_min3A_1272 = vector.multi_reduction <minimumf>, %select_n3A_1270, %reduce_min3A_1271 [0] : vector<1024x128xf32> to vector<128xf32>
      %broadcast_in_dim3A_1273 = vector.shape_cast %reduce_min3A_1272 : vector<128xf32> to vector<1x128xf32>
      %eq3A_1274 = vector.broadcast %broadcast_in_dim3A_1273 : vector<1x128xf32> to vector<1024x128xf32>
      %eq3A_1275 = arith.cmpf oeq, %select_n3A_1270, %eq3A_1274 : vector<1024x128xf32>
      %jit3A_1276 = arith.constant 1024 : i32
      %broadcast_in_dim3A_1277 = vector.broadcast %jit3A_1276 : i32 to vector<1024x128xi32>
      %select_n3A_1278 = arith.select %eq3A_1275, %iota3A_643, %broadcast_in_dim3A_1277 : vector<1024x128xi1>, vector<1024x128xi32>
      %reduce_min3A_1279 = arith.constant dense<2147483647> : vector<128xi32>
      %reduce_min3A_1280 = vector.multi_reduction <minsi>, %select_n3A_1278, %reduce_min3A_1279 [0] : vector<1024x128xi32> to vector<128xi32>
      %broadcast_in_dim3A_1281 = vector.shape_cast %reduce_min3A_1280 : vector<128xi32> to vector<1x128xi32>
      %eq3A_1282 = vector.broadcast %broadcast_in_dim3A_1281 : vector<1x128xi32> to vector<1024x128xi32>
      %eq3A_1283 = arith.cmpi eq, %iota3A_643, %eq3A_1282 : vector<1024x128xi32>
      %jit3A_1284 = arith.constant 4096 : i32
      %broadcast_in_dim3A_1285 = vector.broadcast %jit3A_1284 : i32 to vector<1024x128xi32>
      %select_n3A_1286 = arith.select %eq3A_1283, %get3A_642, %broadcast_in_dim3A_1285 : vector<1024x128xi1>, vector<1024x128xi32>
      %reduce_min3A_1287 = arith.constant dense<2147483647> : vector<128xi32>
      %reduce_min3A_1288 = vector.multi_reduction <minsi>, %select_n3A_1286, %reduce_min3A_1287 [0] : vector<1024x128xi32> to vector<128xi32>
      %broadcast_in_dim3A_1289 = vector.shape_cast %reduce_min3A_1288 : vector<128xi32> to vector<1x128xi32>
      %broadcast_in_dim3A_1290 = vector.broadcast %cond3A : f32 to vector<1024x128xf32>
      %select_n3A_1291 = arith.select %eq3A_1283, %broadcast_in_dim3A_1290, %select_n3A_1270 : vector<1024x128xi1>, vector<1024x128xf32>
      %reduce_min3A_1292 = arith.constant dense<0x7F800000> : vector<128xf32>
      %reduce_min3A_1293 = vector.multi_reduction <minimumf>, %select_n3A_1291, %reduce_min3A_1292 [0] : vector<1024x128xf32> to vector<128xf32>
      %broadcast_in_dim3A_1294 = vector.shape_cast %reduce_min3A_1293 : vector<128xf32> to vector<1x128xf32>
      %eq3A_1295 = vector.broadcast %broadcast_in_dim3A_1294 : vector<1x128xf32> to vector<1024x128xf32>
      %eq3A_1296 = arith.cmpf oeq, %select_n3A_1291, %eq3A_1295 : vector<1024x128xf32>
      %jit3A_1297 = arith.constant 1024 : i32
      %broadcast_in_dim3A_1298 = vector.broadcast %jit3A_1297 : i32 to vector<1024x128xi32>
      %select_n3A_1299 = arith.select %eq3A_1296, %iota3A_643, %broadcast_in_dim3A_1298 : vector<1024x128xi1>, vector<1024x128xi32>
      %reduce_min3A_1300 = arith.constant dense<2147483647> : vector<128xi32>
      %reduce_min3A_1301 = vector.multi_reduction <minsi>, %select_n3A_1299, %reduce_min3A_1300 [0] : vector<1024x128xi32> to vector<128xi32>
      %broadcast_in_dim3A_1302 = vector.shape_cast %reduce_min3A_1301 : vector<128xi32> to vector<1x128xi32>
      %eq3A_1303 = vector.broadcast %broadcast_in_dim3A_1302 : vector<1x128xi32> to vector<1024x128xi32>
      %eq3A_1304 = arith.cmpi eq, %iota3A_643, %eq3A_1303 : vector<1024x128xi32>
      %jit3A_1305 = arith.constant 4096 : i32
      %broadcast_in_dim3A_1306 = vector.broadcast %jit3A_1305 : i32 to vector<1024x128xi32>
      %select_n3A_1307 = arith.select %eq3A_1304, %get3A_642, %broadcast_in_dim3A_1306 : vector<1024x128xi1>, vector<1024x128xi32>
      %reduce_min3A_1308 = arith.constant dense<2147483647> : vector<128xi32>
      %reduce_min3A_1309 = vector.multi_reduction <minsi>, %select_n3A_1307, %reduce_min3A_1308 [0] : vector<1024x128xi32> to vector<128xi32>
      %broadcast_in_dim3A_1310 = vector.shape_cast %reduce_min3A_1309 : vector<128xi32> to vector<1x128xi32>
      %concatenate3A = tpu.concatenate %broadcast_in_dim3A_659, %broadcast_in_dim3A_680, %broadcast_in_dim3A_701, %broadcast_in_dim3A_722, %broadcast_in_dim3A_743, %broadcast_in_dim3A_764, %broadcast_in_dim3A_785, %broadcast_in_dim3A_806, %broadcast_in_dim3A_827, %broadcast_in_dim3A_848, %broadcast_in_dim3A_869, %broadcast_in_dim3A_890, %broadcast_in_dim3A_911, %broadcast_in_dim3A_932, %broadcast_in_dim3A_953, %broadcast_in_dim3A_974, %broadcast_in_dim3A_995, %broadcast_in_dim3A_1016, %broadcast_in_dim3A_1037, %broadcast_in_dim3A_1058, %broadcast_in_dim3A_1079, %broadcast_in_dim3A_1100, %broadcast_in_dim3A_1121, %broadcast_in_dim3A_1142, %broadcast_in_dim3A_1163, %broadcast_in_dim3A_1184, %broadcast_in_dim3A_1205, %broadcast_in_dim3A_1226, %broadcast_in_dim3A_1247, %broadcast_in_dim3A_1268, %broadcast_in_dim3A_1289, %broadcast_in_dim3A_1310 in 0 : vector<1x128xi32>, vector<1x128xi32>, vector<1x128xi32>, vector<1x128xi32>, vector<1x128xi32>, vector<1x128xi32>, vector<1x128xi32>, vector<1x128xi32>, vector<1x128xi32>, vector<1x128xi32>, vector<1x128xi32>, vector<1x128xi32>, vector<1x128xi32>, vector<1x128xi32>, vector<1x128xi32>, vector<1x128xi32>, vector<1x128xi32>, vector<1x128xi32>, vector<1x128xi32>, vector<1x128xi32>, vector<1x128xi32>, vector<1x128xi32>, vector<1x128xi32>, vector<1x128xi32>, vector<1x128xi32>, vector<1x128xi32>, vector<1x128xi32>, vector<1x128xi32>, vector<1x128xi32>, vector<1x128xi32>, vector<1x128xi32>, vector<1x128xi32> -> vector<32x128xi32>
      scf.yield %concatenate3A : vector<32x128xi32>
    }
    %mul3A_627 = arith.constant 4096 : i32
    %mul3A_628 = arith.muli %arg0, %mul3A_627 : i32
    %add3A = vector.broadcast %mul3A_628 : i32 to vector<32x128xi32>
    %add3A_629 = arith.addi %cond3A_626, %add3A : vector<32x128xi32>
    %swap3A_630 = arith.constant 0 : index
    %swap3A_631 = arith.constant 0 : index
    %swap3A_632 = arith.constant 0 : index
    %swap3A_633 = arith.constant 0 : index
    %swap3A_634 = vector.load %arg4[%swap3A_630, %swap3A_631, %swap3A_632, %swap3A_633] : memref<1x1x32x128xi32, #tpu.memory_space<vmem>>, vector<1x1x32x128xi32>
    %swap3A_635 = vector.shape_cast %swap3A_634 : vector<1x1x32x128xi32> to vector<32x128xi32>
    %swap3A_636 = vector.shape_cast %add3A_629 : vector<32x128xi32> to vector<1x1x32x128xi32>
    tpu.vector_store %arg4[%swap3A_630, %swap3A_631, %swap3A_632, %swap3A_633], %swap3A_636 {strides = array<i32>} : memref<1x1x32x128xi32, #tpu.memory_space<vmem>>, vector<1x1x32x128xi32>,
    return
  }
  func.func @transform_0(%arg0: i32, %arg1: i32) -> (i32, i32, i32) {
    %c0_i32 = arith.constant 0 : i32
    %c0_i32_0 = arith.constant 0 : i32
    %c0_i32_1 = arith.constant 0 : i32
    return %arg0, %c0_i32, %c0_i32_0 : i32, i32, i32
  }
  func.func @transform_1(%arg0: i32, %arg1: i32) -> (i32, i32, i32) {
    %c0_i32 = arith.constant 0 : i32
    %c0_i32_0 = arith.constant 0 : i32
    return %arg0, %c0_i32, %arg1 : i32, i32, i32
  }
  func.func @transform_2(%arg0: i32, %arg1: i32) -> (i32, i32, i32, i32) {
    %c0_i32 = arith.constant 0 : i32
    %c0_i32_0 = arith.constant 0 : i32
    %c0_i32_1 = arith.constant 0 : i32
    return %arg0, %arg1, %c0_i32, %c0_i32_0 : i32, i32, i32, i32
  }
}

module attributes {stable_mosaic.version = 14 : i64} {
  func.func @_g_body(%arg0: i32, %arg1: memref<1x4096x3xf32, #tpu.memory_space<vmem>>, %arg2: memref<1x4096x64xf32, #tpu.memory_space<vmem>>, %arg3: memref<3x128xf32, #tpu.memory_space<vmem>>, %arg4: memref<64x128xf32, #tpu.memory_space<vmem>>, %arg5: memref<1x4096x128xf32, #tpu.memory_space<vmem>>) attributes {dimension_semantics = [#tpu.dimension_semantics<arbitrary>], iteration_bounds = array<i64: 8>, scalar_prefetch = 0 : i64, scratch_operands = 0 : i64, tpu.core_type = #tpu.core_type<tc>, window_params = [{transform_indices = @transform_0, window_bounds = array<i64: 1, 4096, 3>}, {transform_indices = @transform_1, window_bounds = array<i64: 1, 4096, 64>}, {pipeline_mode = #tpu.pipeline_mode<synchronous>, transform_indices = @transform_2, window_bounds = array<i64: 3, 128>}, {pipeline_mode = #tpu.pipeline_mode<synchronous>, transform_indices = @transform_3, window_bounds = array<i64: 64, 128>}, {transform_indices = @transform_4, window_bounds = array<i64: 1, 4096, 128>}]} {
    %get3A = arith.constant 0 : index
    %get3A_0 = arith.constant 0 : index
    %get3A_1 = arith.constant 0 : index
    %get3A_2 = vector.load %arg1[%get3A, %get3A_0, %get3A_1] : memref<1x4096x3xf32, #tpu.memory_space<vmem>>, vector<1x4096x3xf32>
    %get3A_3 = vector.shape_cast %get3A_2 : vector<1x4096x3xf32> to vector<4096x3xf32>
    %get3A_4 = arith.constant 0 : index
    %get3A_5 = arith.constant 0 : index
    %get3A_6 = vector.load %arg3[%get3A_4, %get3A_5] : memref<3x128xf32, #tpu.memory_space<vmem>>, vector<3x128xf32>
    %dot_general3A = arith.constant dense<0.000000e+00> : vector<4096x128xf32>
    %dot_general3A_7 = tpu.matmul %get3A_3, %get3A_6, %dot_general3A {dimension_numbers = #tpu.dot_dimension_numbers<[1], [0], [0], [1], [0, 0, 1, 1], [], []>, transpose_lhs_hint = false} : vector<4096x3xf32>, vector<3x128xf32>, vector<4096x128xf32> -> vector<4096x128xf32>
    %get3A_8 = arith.constant 0 : index
    %get3A_9 = arith.constant 0 : index
    %get3A_10 = arith.constant 0 : index
    %get3A_11 = vector.load %arg2[%get3A_8, %get3A_9, %get3A_10] : memref<1x4096x64xf32, #tpu.memory_space<vmem>>, vector<1x4096x64xf32>
    %get3A_12 = vector.shape_cast %get3A_11 : vector<1x4096x64xf32> to vector<4096x64xf32>
    %get3A_13 = arith.constant 0 : index
    %get3A_14 = arith.constant 0 : index
    %get3A_15 = vector.load %arg4[%get3A_13, %get3A_14] : memref<64x128xf32, #tpu.memory_space<vmem>>, vector<64x128xf32>
    %dot_general3A_16 = arith.constant dense<0.000000e+00> : vector<4096x128xf32>
    %dot_general3A_17 = tpu.matmul %get3A_12, %get3A_15, %dot_general3A_16 {dimension_numbers = #tpu.dot_dimension_numbers<[1], [0], [0], [1], [0, 0, 1, 1], [], []>, transpose_lhs_hint = false} : vector<4096x64xf32>, vector<64x128xf32>, vector<4096x128xf32> -> vector<4096x128xf32>
    %add3A = arith.addf %dot_general3A_7, %dot_general3A_17 : vector<4096x128xf32>
    %swap3A = arith.constant 0 : index
    %swap3A_18 = arith.constant 0 : index
    %swap3A_19 = arith.constant 0 : index
    %swap3A_20 = vector.load %arg5[%swap3A, %swap3A_18, %swap3A_19] : memref<1x4096x128xf32, #tpu.memory_space<vmem>>, vector<1x4096x128xf32>
    %swap3A_21 = vector.shape_cast %swap3A_20 : vector<1x4096x128xf32> to vector<4096x128xf32>
    %swap3A_22 = vector.shape_cast %add3A : vector<4096x128xf32> to vector<1x4096x128xf32>
    tpu.vector_store %arg5[%swap3A, %swap3A_18, %swap3A_19], %swap3A_22 {strides = array<i32>} : memref<1x4096x128xf32, #tpu.memory_space<vmem>>, vector<1x4096x128xf32>,
    return
  }
  func.func @transform_0(%arg0: i32) -> (i32, i32, i32) {
    %c0_i32 = arith.constant 0 : i32
    %c0_i32_0 = arith.constant 0 : i32
    %c0_i32_1 = arith.constant 0 : i32
    return %arg0, %c0_i32, %c0_i32_0 : i32, i32, i32
  }
  func.func @transform_1(%arg0: i32) -> (i32, i32, i32) {
    %c0_i32 = arith.constant 0 : i32
    %c0_i32_0 = arith.constant 0 : i32
    %c0_i32_1 = arith.constant 0 : i32
    return %arg0, %c0_i32, %c0_i32_0 : i32, i32, i32
  }
  func.func @transform_2(%arg0: i32) -> (i32, i32) {
    %c0_i32 = arith.constant 0 : i32
    %c0_i32_0 = arith.constant 0 : i32
    %c0_i32_1 = arith.constant 0 : i32
    return %c0_i32, %c0_i32_0 : i32, i32
  }
  func.func @transform_3(%arg0: i32) -> (i32, i32) {
    %c0_i32 = arith.constant 0 : i32
    %c0_i32_0 = arith.constant 0 : i32
    %c0_i32_1 = arith.constant 0 : i32
    return %c0_i32, %c0_i32_0 : i32, i32
  }
  func.func @transform_4(%arg0: i32) -> (i32, i32, i32) {
    %c0_i32 = arith.constant 0 : i32
    %c0_i32_0 = arith.constant 0 : i32
    %c0_i32_1 = arith.constant 0 : i32
    return %arg0, %c0_i32, %c0_i32_0 : i32, i32, i32
  }
}

module attributes {stable_mosaic.version = 14 : i64} {
  func.func @_mlp_body(%arg0: i32, %arg1: i32, %arg2: memref<1x1x4096x128xf32, #tpu.memory_space<vmem>>, %arg3: memref<1x128x3xf32, #tpu.memory_space<vmem>>, %arg4: memref<1x128x3xf32, #tpu.memory_space<vmem>>, %arg5: memref<3x128xf32, #tpu.memory_space<vmem>>, %arg6: memref<3x128xf32, #tpu.memory_space<vmem>>, %arg7: memref<1x128xf32, #tpu.memory_space<vmem>>, %arg8: memref<128x128xf32, #tpu.memory_space<vmem>>, %arg9: memref<1x128xf32, #tpu.memory_space<vmem>>, %arg10: memref<128x256xf32, #tpu.memory_space<vmem>>, %arg11: memref<1x256xf32, #tpu.memory_space<vmem>>, %arg12: memref<1x256x128xf32, #tpu.memory_space<vmem>>) attributes {dimension_semantics = [#tpu.dimension_semantics<arbitrary>, #tpu.dimension_semantics<arbitrary>], iteration_bounds = array<i64: 8, 8>, scalar_prefetch = 0 : i64, scratch_operands = 0 : i64, tpu.core_type = #tpu.core_type<tc>, window_params = [{transform_indices = @transform_0, window_bounds = array<i64: 1, 1, 4096, 128>}, {transform_indices = @transform_1, window_bounds = array<i64: 1, 128, 3>}, {transform_indices = @transform_2, window_bounds = array<i64: 1, 128, 3>}, {pipeline_mode = #tpu.pipeline_mode<synchronous>, transform_indices = @transform_3, window_bounds = array<i64: 3, 128>}, {pipeline_mode = #tpu.pipeline_mode<synchronous>, transform_indices = @transform_4, window_bounds = array<i64: 3, 128>}, {pipeline_mode = #tpu.pipeline_mode<synchronous>, transform_indices = @transform_5, window_bounds = array<i64: 1, 128>}, {pipeline_mode = #tpu.pipeline_mode<synchronous>, transform_indices = @transform_6, window_bounds = array<i64: 128, 128>}, {pipeline_mode = #tpu.pipeline_mode<synchronous>, transform_indices = @transform_7, window_bounds = array<i64: 1, 128>}, {pipeline_mode = #tpu.pipeline_mode<synchronous>, transform_indices = @transform_8, window_bounds = array<i64: 128, 256>}, {pipeline_mode = #tpu.pipeline_mode<synchronous>, transform_indices = @transform_9, window_bounds = array<i64: 1, 256>}, {transform_indices = @transform_10, window_bounds = array<i64: 1, 256, 128>}]} {
    %get3A = arith.constant 0 : index
    %get3A_0 = arith.constant 0 : index
    %get3A_1 = arith.constant 0 : index
    %get3A_2 = arith.constant 0 : index
    %get3A_3 = vector.load %arg2[%get3A, %get3A_0, %get3A_1, %get3A_2] : memref<1x1x4096x128xf32, #tpu.memory_space<vmem>>, vector<1x1x4096x128xf32>
    %get3A_4 = vector.shape_cast %get3A_3 : vector<1x1x4096x128xf32> to vector<4096x128xf32>
    %get3A_5 = arith.constant 0 : index
    %get3A_6 = arith.constant 0 : index
    %get3A_7 = arith.constant 0 : index
    %get3A_8 = vector.load %arg3[%get3A_5, %get3A_6, %get3A_7] : memref<1x128x3xf32, #tpu.memory_space<vmem>>, vector<1x128x3xf32>
    %get3A_9 = vector.shape_cast %get3A_8 : vector<1x128x3xf32> to vector<128x3xf32>
    %get3A_10 = arith.constant 0 : index
    %get3A_11 = arith.constant 0 : index
    %get3A_12 = arith.constant 0 : index
    %get3A_13 = vector.load %arg4[%get3A_10, %get3A_11, %get3A_12] : memref<1x128x3xf32, #tpu.memory_space<vmem>>, vector<1x128x3xf32>
    %get3A_14 = vector.shape_cast %get3A_13 : vector<1x128x3xf32> to vector<128x3xf32>
    %get3A_15 = arith.constant 0 : index
    %get3A_16 = arith.constant 0 : index
    %get3A_17 = vector.load %arg6[%get3A_15, %get3A_16] : memref<3x128xf32, #tpu.memory_space<vmem>>, vector<3x128xf32>
    %dot_general3A = arith.constant dense<0.000000e+00> : vector<128x128xf32>
    %dot_general3A_18 = tpu.matmul %get3A_14, %get3A_17, %dot_general3A {dimension_numbers = #tpu.dot_dimension_numbers<[1], [0], [0], [1], [0, 0, 1, 1], [], []>, transpose_lhs_hint = false} : vector<128x3xf32>, vector<3x128xf32>, vector<128x128xf32> -> vector<128x128xf32>
    %get3A_19 = arith.constant 0 : index
    %get3A_20 = arith.constant 0 : index
    %get3A_21 = vector.load %arg5[%get3A_19, %get3A_20] : memref<3x128xf32, #tpu.memory_space<vmem>>, vector<3x128xf32>
    %dot_general3A_22 = arith.constant dense<0.000000e+00> : vector<128x128xf32>
    %dot_general3A_23 = tpu.matmul %get3A_9, %get3A_21, %dot_general3A_22 {dimension_numbers = #tpu.dot_dimension_numbers<[1], [0], [0], [1], [0, 0, 1, 1], [], []>, transpose_lhs_hint = false} : vector<128x3xf32>, vector<3x128xf32>, vector<128x128xf32> -> vector<128x128xf32>
    %sub3A = arith.subf %dot_general3A_18, %dot_general3A_23 : vector<128x128xf32>
    %get3A_24 = arith.constant 0 : index
    %get3A_25 = arith.constant 0 : index
    %get3A_26 = vector.load %arg7[%get3A_24, %get3A_25] : memref<1x128xf32, #tpu.memory_space<vmem>>, vector<1x128xf32>
    %add3A = vector.broadcast %get3A_26 : vector<1x128xf32> to vector<128x128xf32>
    %add3A_27 = arith.addf %sub3A, %add3A : vector<128x128xf32>
    %reshape3A = vector.shape_cast %get3A_4 : vector<4096x128xf32> to vector<32x128x128xf32>
    %broadcast_in_dim3A = vector.shape_cast %add3A_27 : vector<128x128xf32> to vector<1x128x128xf32>
    %add3A_28 = vector.broadcast %broadcast_in_dim3A : vector<1x128x128xf32> to vector<32x128x128xf32>
    %add3A_29 = arith.addf %reshape3A, %add3A_28 : vector<32x128x128xf32>
    %max3A = arith.constant 0.000000e+00 : f32
    %max3A_30 = vector.broadcast %max3A : f32 to vector<32x128x128xf32>
    %max3A_31 = arith.maximumf %add3A_29, %max3A_30 : vector<32x128x128xf32>
    %reshape3A_32 = vector.shape_cast %max3A_31 : vector<32x128x128xf32> to vector<4096x128xf32>
    %get3A_33 = arith.constant 0 : index
    %get3A_34 = arith.constant 0 : index
    %get3A_35 = vector.load %arg8[%get3A_33, %get3A_34] : memref<128x128xf32, #tpu.memory_space<vmem>>, vector<128x128xf32>
    %dot_general3A_36 = arith.constant dense<0.000000e+00> : vector<4096x128xf32>
    %dot_general3A_37 = tpu.matmul %reshape3A_32, %get3A_35, %dot_general3A_36 {dimension_numbers = #tpu.dot_dimension_numbers<[1], [0], [0], [1], [0, 0, 1, 1], [], []>, transpose_lhs_hint = false} : vector<4096x128xf32>, vector<128x128xf32>, vector<4096x128xf32> -> vector<4096x128xf32>
    %get3A_38 = arith.constant 0 : index
    %get3A_39 = arith.constant 0 : index
    %get3A_40 = vector.load %arg9[%get3A_38, %get3A_39] : memref<1x128xf32, #tpu.memory_space<vmem>>, vector<1x128xf32>
    %add3A_41 = vector.broadcast %get3A_40 : vector<1x128xf32> to vector<4096x128xf32>
    %add3A_42 = arith.addf %dot_general3A_37, %add3A_41 : vector<4096x128xf32>
    %max3A_43 = arith.constant 0.000000e+00 : f32
    %max3A_44 = vector.broadcast %max3A_43 : f32 to vector<4096x128xf32>
    %max3A_45 = arith.maximumf %add3A_42, %max3A_44 : vector<4096x128xf32>
    %get3A_46 = arith.constant 0 : index
    %get3A_47 = arith.constant 0 : index
    %get3A_48 = vector.load %arg10[%get3A_46, %get3A_47] : memref<128x256xf32, #tpu.memory_space<vmem>>, vector<128x256xf32>
    %dot_general3A_49 = arith.constant dense<0.000000e+00> : vector<4096x256xf32>
    %dot_general3A_50 = tpu.matmul %max3A_45, %get3A_48, %dot_general3A_49 {dimension_numbers = #tpu.dot_dimension_numbers<[1], [0], [0], [1], [0, 0, 1, 1], [], []>, transpose_lhs_hint = false} : vector<4096x128xf32>, vector<128x256xf32>, vector<4096x256xf32> -> vector<4096x256xf32>
    %get3A_51 = arith.constant 0 : index
    %get3A_52 = arith.constant 0 : index
    %get3A_53 = vector.load %arg11[%get3A_51, %get3A_52] : memref<1x256xf32, #tpu.memory_space<vmem>>, vector<1x256xf32>
    %add3A_54 = vector.broadcast %get3A_53 : vector<1x256xf32> to vector<4096x256xf32>
    %add3A_55 = arith.addf %dot_general3A_50, %add3A_54 : vector<4096x256xf32>
    %max3A_56 = arith.constant 0.000000e+00 : f32
    %max3A_57 = vector.broadcast %max3A_56 : f32 to vector<4096x256xf32>
    %max3A_58 = arith.maximumf %add3A_55, %max3A_57 : vector<4096x256xf32>
    %reshape3A_59 = vector.shape_cast %max3A_58 : vector<4096x256xf32> to vector<32x128x256xf32>
    %reduce_max3A = arith.constant dense<0xFF800000> : vector<128x256xf32>
    %reduce_max3A_60 = vector.multi_reduction <maximumf>, %reshape3A_59, %reduce_max3A [0] : vector<32x128x256xf32> to vector<128x256xf32>
    %transpose3A = tpu.transpose %reduce_max3A_60, [1, 0] : vector<128x256xf32> -> vector<256x128xf32>
    %swap3A = arith.constant 0 : index
    %swap3A_61 = arith.constant 0 : index
    %swap3A_62 = arith.constant 0 : index
    %swap3A_63 = vector.load %arg12[%swap3A, %swap3A_61, %swap3A_62] : memref<1x256x128xf32, #tpu.memory_space<vmem>>, vector<1x256x128xf32>
    %swap3A_64 = vector.shape_cast %swap3A_63 : vector<1x256x128xf32> to vector<256x128xf32>
    %swap3A_65 = vector.shape_cast %transpose3A : vector<256x128xf32> to vector<1x256x128xf32>
    tpu.vector_store %arg12[%swap3A, %swap3A_61, %swap3A_62], %swap3A_65 {strides = array<i32>} : memref<1x256x128xf32, #tpu.memory_space<vmem>>, vector<1x256x128xf32>,
    return
  }
  func.func @transform_0(%arg0: i32, %arg1: i32) -> (i32, i32, i32, i32) {
    %c0_i32 = arith.constant 0 : i32
    %c0_i32_0 = arith.constant 0 : i32
    %c0_i32_1 = arith.constant 0 : i32
    return %arg0, %arg1, %c0_i32, %c0_i32_0 : i32, i32, i32, i32
  }
  func.func @transform_1(%arg0: i32, %arg1: i32) -> (i32, i32, i32) {
    %c0_i32 = arith.constant 0 : i32
    %c0_i32_0 = arith.constant 0 : i32
    return %arg0, %arg1, %c0_i32 : i32, i32, i32
  }
  func.func @transform_2(%arg0: i32, %arg1: i32) -> (i32, i32, i32) {
    %c0_i32 = arith.constant 0 : i32
    %c0_i32_0 = arith.constant 0 : i32
    return %arg0, %arg1, %c0_i32 : i32, i32, i32
  }
  func.func @transform_3(%arg0: i32, %arg1: i32) -> (i32, i32) {
    %c0_i32 = arith.constant 0 : i32
    %c0_i32_0 = arith.constant 0 : i32
    %c0_i32_1 = arith.constant 0 : i32
    return %c0_i32, %c0_i32_0 : i32, i32
  }
  func.func @transform_4(%arg0: i32, %arg1: i32) -> (i32, i32) {
    %c0_i32 = arith.constant 0 : i32
    %c0_i32_0 = arith.constant 0 : i32
    %c0_i32_1 = arith.constant 0 : i32
    return %c0_i32, %c0_i32_0 : i32, i32
  }
  func.func @transform_5(%arg0: i32, %arg1: i32) -> (i32, i32) {
    %c0_i32 = arith.constant 0 : i32
    %c0_i32_0 = arith.constant 0 : i32
    %c0_i32_1 = arith.constant 0 : i32
    return %c0_i32, %c0_i32_0 : i32, i32
  }
  func.func @transform_6(%arg0: i32, %arg1: i32) -> (i32, i32) {
    %c0_i32 = arith.constant 0 : i32
    %c0_i32_0 = arith.constant 0 : i32
    %c0_i32_1 = arith.constant 0 : i32
    return %c0_i32, %c0_i32_0 : i32, i32
  }
  func.func @transform_7(%arg0: i32, %arg1: i32) -> (i32, i32) {
    %c0_i32 = arith.constant 0 : i32
    %c0_i32_0 = arith.constant 0 : i32
    %c0_i32_1 = arith.constant 0 : i32
    return %c0_i32, %c0_i32_0 : i32, i32
  }
  func.func @transform_8(%arg0: i32, %arg1: i32) -> (i32, i32) {
    %c0_i32 = arith.constant 0 : i32
    %c0_i32_0 = arith.constant 0 : i32
    %c0_i32_1 = arith.constant 0 : i32
    return %c0_i32, %c0_i32_0 : i32, i32
  }
  func.func @transform_9(%arg0: i32, %arg1: i32) -> (i32, i32) {
    %c0_i32 = arith.constant 0 : i32
    %c0_i32_0 = arith.constant 0 : i32
    %c0_i32_1 = arith.constant 0 : i32
    return %c0_i32, %c0_i32_0 : i32, i32
  }
  func.func @transform_10(%arg0: i32, %arg1: i32) -> (i32, i32, i32) {
    %c0_i32 = arith.constant 0 : i32
    %c0_i32_0 = arith.constant 0 : i32
    return %arg0, %c0_i32, %arg1 : i32, i32, i32
  }
}

</mosaic_0001>

<sc_bundles>
// kernel: kernel.7.cloned.1.call-start
scs
__scs_entry_jumppad:
0x0: {  	(pc) =	sbr.rel $0x88, $3  }
0x1: {  	(tag) =	ssettag $0x0;
	lr =	simm.s32 $0x1  }
0x2: {  	[smem:$0x3F98] =	sst lr;
	_ =	strace $0xD0000000  }
0x3: {  	_ = 	snop  }
0x4: {  	_ = 	snop  }
0x5: {  	_ = 	snop  }
0x6: {  	_ = 	snop  }
0x7: {  	_ = 	snop  }
__scs_overlays_trampoline_lowered:
0x8: {  	[smem:$0x3FA7] =	sst s0  }
0x9: {  	[smem:$0x3FA8] =	sst s1  }
0xa: {  	[smem:$0x3FA9] =	sst s2  }
0xb: {  	[smem:$0x3FAA] =	sst s3  }
0xc: {  	[smem:$0x3FAB] =	sst s4  }
0xd: {  	[smem:$0x3FAC] =	sst s5  }
0xe: {  	[smem:$0x3FAD] =	sst s6  }
0xf: {  	[smem:$0x3FAE] =	sst s7  }
0x10: {  	[smem:$0x3FAF] =	sst s8  }
0x11: {  	[smem:$0x3FB0] =	sst s9;
	s0 =	simm.s32 @!p0 $0x0  }
0x12: {  	s1 =	sld [smem:$0x3F96];
	s0 =	simm.s32 @p0 $0x1  }
0x13: {  	[smem:$0x3FB1] =	sst s0;
	s0 =	simm.s32 @!p1 $0x0  }
0x14: {  	s2 =	sld [smem:$0x3F95];
	s0 =	simm.s32 @p1 $0x1  }
0x15: {  	[smem:$0x3FB2] =	sst s0;
	s0 =	simm.s32 @!p2 $0x0  }
0x16: {  	s3 =	sld [smem:$0x3FDB];
	s0 =	simm.s32 @p2 $0x1  }
0x17: {  	s4 =	simm.s32 $0x1BF5;
	[smem:$0x3FB4] =	sst s0  }
0x18: {  	s0 =	sld [smem:$0x3F97];
	_ =	swait.ge [sflag:s4], $0x0  }
0x19: {  	s7 =	sld [smem:$0x3F98]  }
0x1a: {  	s8 =	sadd.s32 $0xFFFFE003, lr  }
0x1b: {  	s9 =	sadd.s32 $0xFFFFFEF7, lr;
	s5 =	simm.s32 $0xFFFFFFFF;
	p2 =	slt.u32 s8, $0xFFFFF086  }
0x1c: {  	p1 =	slt.u32 s9, $0xF7A;
	s5 =	simm.s32 @!p2 $0x0  }
0x1d: {  	s5 =	simm.s32 @p1 $0x1;
	p0 =	seq.s32 s7, s2  }
0x1e: {  	s7 =	smul.u32 @!p0 $0xF7A, s2;
	p2 =	seq.s32 @!p0 s5, $0x0  }
0x1f: {  	s9 =	smul.u32 $0xF7A, s1;
	s8 =	simm.s32 @!p0 $0x1BF5;
	p2 =	por !p2, p0  }
0x20: {  	[sflag:s8] =	ssyncset.s32 @!p0 $0xFFFFF086;
	s6 =	sadd.s32 @!p0 s3, s7;
	s7 =	simm.s32 @!p0 $0x108  }
0x21: {  	s3 =	sadd.s32 s3, s9;
	s6 =	sadd.s32 @!p0 $0x88, s6;
	s7 =	simm.s32 @p2 $0x1082  }
0x22: {  	[simem:s7], [sflag:s8] =	dma.local @!p0 [hbm:s6], $0xF7A  }
0x23: {  	s9 =	sor.u32 $0xD0000000, s2;
	s6 =	simm.s32 $0x108;
	_ =	swait.ge @!p0 [sflag:s8], $0x0  }
0x24: {  	s3 =	sadd.s32 $0x88, s3;
	s6 =	simm.s32 @!p1 $0x1082;
	[sflag:s4] =	ssyncset.s32 $0xFFFFF086  }
0x25: {  	[simem:s6], [sflag:s4] =	dma.local [hbm:s3], $0xF7A  }
0x26: {  	[smem:$0x3F98] =	sst s1;
	(tag) =	ssettag s2;
	_ =	strace s9  }
0x27: {  	s1 =	sld [smem:$0x3FA8]  }
0x28: {  	s2 =	sld [smem:$0x3FA9]  }
0x29: {  	s4 =	sld [smem:$0x3FAB]  }
0x2a: {  	p0 =	seq.s32 s5, $0x0;
	s5 =	sld [smem:$0x3FAC]  }
0x2b: {  	s6 =	sld [smem:$0x3FAD]  }
0x2c: {  	s7 =	sld [smem:$0x3FAE]  }
0x2d: {  	s3 =	simm.s32 $0x108;
	s8 =	sld [smem:$0x3FAF]  }
0x2e: {  	s3 =	simm.s32 @!p0 $0x1082;
	s9 =	sld [smem:$0x3FB0]  }
0x2f: {  	lr =	sadd.s32 s0, s3;
	s0 =	sld [smem:$0x3FA7]  }
0x30: {  	s3 =	sld [smem:$0x3FAA]  }
0x31: {  	[smem:$0x3FB3] =	sst s10  }
0x32: {  	s10 =	sld [smem:$0x3FB1];
	_ =	sdelay $0x3  }
0x33: {  	p0 =	seq.s32 s10, $0x1;
	s10 =	sld [smem:$0x3FB3];
	_ =	sdelay $0x3  }
0x34: {  	[smem:$0x3FB3] =	sst s10  }
0x35: {  	s10 =	sld [smem:$0x3FB2];
	_ =	sdelay $0x3  }
0x36: {  	p1 =	seq.s32 s10, $0x1;
	s10 =	sld [smem:$0x3FB3];
	_ =	sdelay $0x3  }
0x37: {  	[smem:$0x3FB3] =	sst s10  }
0x38: {  	s10 =	sld [smem:$0x3FB4]  }
0x39: {  	_ = 	snop;
	(pc) =	sbr.ind lr, $3  }
0x3a: {  	_ = 	snop  }
0x3b: {  	_ = 	snop  }
0x3c: {  	p2 =	seq.s32 s10, $0x1;
	s10 =	sld [smem:$0x3FB3]  }
0x3d: {  	_ =	shalt  }
0x3e: {  	_ =	shalt  }
0x3f: {  	_ =	shalt  }
0x40: {  	_ =	shalt  }
0x41: {  	_ =	shalt  }
0x42: {  	_ =	shalt  }
0x43: {  	_ =	shalt  }
0x44: {  	_ =	shalt  }
0x45: {  	_ =	shalt  }
0x46: {  	_ =	shalt  }
0x47: {  	_ =	shalt  }
0x48: {  	_ =	shalt  }
0x49: {  	_ =	shalt  }
0x4a: {  	_ =	shalt  }
0x4b: {  	_ =	shalt  }
0x4c: {  	_ =	shalt  }
0x4d: {  	_ =	shalt  }
0x4e: {  	_ =	shalt  }
0x4f: {  	_ =	shalt  }
0x50: {  	_ =	shalt  }
0x51: {  	_ =	shalt  }
0x52: {  	_ =	shalt  }
0x53: {  	_ =	shalt  }
0x54: {  	_ =	shalt  }
0x55: {  	_ =	shalt  }
0x56: {  	_ =	shalt  }
0x57: {  	_ =	shalt  }
0x58: {  	_ =	shalt  }
0x59: {  	_ =	shalt  }
0x5a: {  	_ =	shalt  }
0x5b: {  	_ =	shalt  }
0x5c: {  	_ =	shalt  }
0x5d: {  	_ =	shalt  }
0x5e: {  	_ =	shalt  }
0x5f: {  	_ =	shalt  }
0x60: {  	_ =	shalt  }
0x61: {  	_ =	shalt  }
0x62: {  	_ =	shalt  }
0x63: {  	_ =	shalt  }
0x64: {  	_ =	shalt  }
0x65: {  	_ =	shalt  }
0x66: {  	_ =	shalt  }
0x67: {  	_ =	shalt  }
0x68: {  	_ =	shalt  }
0x69: {  	_ =	shalt  }
0x6a: {  	_ =	shalt  }
0x6b: {  	_ =	shalt  }
0x6c: {  	_ =	shalt  }
0x6d: {  	_ =	shalt  }
0x6e: {  	_ =	shalt  }
0x6f: {  	_ =	shalt  }
0x70: {  	_ =	shalt  }
0x71: {  	_ =	shalt  }
0x72: {  	_ =	shalt  }
0x73: {  	_ =	shalt  }
0x74: {  	_ =	shalt  }
0x75: {  	_ =	shalt  }
0x76: {  	_ =	shalt  }
0x77: {  	_ =	shalt  }
0x78: {  	_ =	shalt  }
0x79: {  	_ =	shalt  }
0x7a: {  	_ =	shalt  }
0x7b: {  	_ =	shalt  }
0x7c: {  	_ =	shalt  }
0x7d: {  	_ =	shalt  }
0x7e: {  	_ =	shalt  }
0x7f: {  	_ =	shalt  }
0x80: {  	_ =	shalt  }
0x81: {  	_ =	shalt  }
0x82: {  	_ =	shalt  }
0x83: {  	_ =	shalt  }
0x84: {  	_ =	shalt  }
0x85: {  	_ =	shalt  }
0x86: {  	_ =	shalt  }
0x87: {  	_ =	shalt  }
.Lfunc_end0:
.L_simem_size_0:
called_computation_lowered:
.L_overlay_start_0:
0x88: {  	s2 =	sld [smem:$0x3FD9]  }
0x89: {  	s3 =	sld [smem:$0x3FFE];
	_ =	sdelay $0x1  }
0x8a: {  	s1 =	srdreg.scid  }
0x8b: {  	s0 =	sand.u32 $0x1, s1  }
0x8c: {  	s16 =	sshll.u32 s0, $0xA;
	s2 =	sadd.s32 s3, s2  }
0x8d: {  	s2 =	sadd.s32 s2, s16  }
0x8e: {  	[smem:$0x3FBF] =	sst s2  }
0x8f: {  	_ = 	snop  }
0x90: {  	(tm) =	ssettm $0x1  }
0x91: {  	s17 =	sld [smem:$0x3FFB];
	_ =	sdelay $0x3  }
0x92: {  	_ =	strace s17  }
0x93: {  	s2 =	sld [smem:$0x3FFC];
	_ =	sdelay $0x3  }
0x94: {  	_ =	strace s2  }
0x95: {  	s2 =	sld [smem:$0x3FFD];
	_ =	sdelay $0x3  }
0x96: {  	_ =	strace s2  }
0x97: {  	_ =	strace $0x8FFFFFFF  }
0x98: {  	s18 =	sld [smem:$0x3FDB];
	_ =	sdelay $0x1  }
0x99: {  	s19 =	simm.s32 $_scs_section_size  }
0x9a: {  	s4 =	simm.s32 $_size__tile_overlayer_lowered;
	s5 =	simm.s32 $_tile_overlayer_lowered  }
0x9b: {  	s22 =	simm.s32 $0x1BFF;
	s21 =	sshll.u32 s5, $0x1;
	s2 =	sadd.s32 s19, s18  }
0x9c: {  	s6 =	simm.s32 $0x0;
	s20 =	sshll.u32 s4, $0x1;
	s4 =	sadd.s32 s21, s2  }
0x9d: {  	[timem:s6], [sflag:s22] =	dma.local [hbm:s4], s20  }
0x9e: {  	_ =	swait.ge [sflag:s22], s20  }
0x9f: {  	s3 =	ssub.s32 $0x0, s20;
	[sflag:s22] =	ssyncset.done $0x0  }
0xa0: {  	[sflag:s22] =	ssyncadd.s32 s3;
	_ =	sdelay $0x1  }
0xa1: {  	s23 =	simm.s32 $0x1B8B  }
0xa2: {  	_ =	swait.ge [sflag:s23], $0x1  }
0xa3: {  	[sflag:s23] =	ssyncset.done $0x0  }
0xa4: {  	s25 =	simm.s32 $0x1B8E;
	s24 =	sld [smem:$0x3FFE];
	[sflag:s23] =	ssyncadd.s32 $0xFFFFFFFF  }
0xa5: {  	s26 =	simm.s32 $execute0_lowered;
	[smem:$0x3FD2] =	sst s25  }
0xa6: {  	s4 =	sshll.u32 s26, $0x1;
	_ =	strace $0x80000046;
	[dreg:$0x1] =	wrdreg $0xFFFFFFFF  }
0xa7: {  	s28 =	simm.s32 $_size_execute0_lowered;
	s2 =	sadd.s32 s2, s4;
	[dreg:$0x0] =	wrdreg $0x0  }
0xa8: {  	s4 =	sshll.u32 s28, $0x1;
	[dreg:$0x2] =	wrdreg s2  }
0xa9: {  	[dreg:$0x3] =	wrdreg s4  }
0xaa: {  	[dreg:$0x4] =	wrdreg $0xC0  }
0xab: {  	_ =	task [dreg:s6], $0x5FFFF  }
0xac: {  	[dreg:$0x1] =	wrdreg $0xFFFFFFFF  }
0xad: {  	[dreg:$0x0] =	wrdreg $0x60  }
0xae: {  	[dreg:$0x2] =	wrdreg s24  }
0xaf: {  	[dreg:$0x3] =	wrdreg $0x9  }
0xb0: {  	_ =	task.clear_ibuf [dreg:s6], $0x4FFFF;
	_ =	strace $0x90000046  }
0xb1: {  	s29 =	simm.s32 $0x9;
	_ =	strace $0x80000048  }
0xb2: {  	_ =	swait.ge [sflag:s29], $0x1  }
0xb3: {  	[sflag:s29] =	ssyncadd.s32 $0xFFFFFFFF  }
0xb4: {  	_ =	strace $0x90000048  }
0xb5: {  	_ =	sfence  }
0xb6: {  	s30 =	sld [smem:$0x0];
	_ =	sdelay $0x2  }
0xb7: {  	s31 =	sshll.u32 s1, $0xD;
	s1 =	sshrl.u32 s1, $0x2  }
0xb8: {  	s3 =	sand.u32 $0x4000, s31;
	s1 =	sadd.s32 s1, s30  }
0xb9: {  	s0 =	sor.u32 s3, s0;
	s1 =	sshll.u32 s1, $0x11  }
0xba: {  	s0 =	sor.u32 s1, s0  }
0xbb: {  	s0 =	sadd.s32 $0x8F2B, s0  }
0xbc: {  	[sflag:s0] =	ssyncadd.remote.s32 $0x1  }
0xbd: {  	_ =	sfence.sel $0xFFFF  }
0xbe: {  	[dreg:$0x0] =	wrdreg $0xFFFFFFFF;
	(pc) =	sbr.abs _section_cstart, $3  }
0xbf: {  	[dreg:$0x1] =	wrdreg $0xFFFFFFFF  }
0xc0: {  	_ =	task.clear_ibuf [dreg:s6], $0x2FFFF;
	_ =	strace $0x9FFFFFFF  }
0xc1: {  	(tm) =	ssettm $0x7FFFFFFF  }
tec
execute0_lowered:
.L_overlay_start_1:
0x0: {  	(tag) =	ssettag $0x1  }
0x1: {  	s4 =	rddreg [dreg:$0x0]  }
0x2: {  	s0 =	rddreg [dreg:$0x1];
	s3 =	srdreg.scid  }
0x3: {  	s2 =	simm.s32 $0x0;
	s1 =	stileid.u32;
	s10 =	simm.s32 $0x6000  }
0x4: {  	s11 =	simm.s32 $0x1;
	s12 =	simm.s32 $0x0;
	s5 =	sand.u32 $0x1, s3  }
0x5: {  	[smem:$0x7FF] =	sst s2;
	s6 =	sshll.u32 s1, $0xE;
	s3 =	sadd.s32 $0x4200, s4  }
0x6: {  	s30 =	sshll.u32 s1, $0x12;
	s7 =	sshll.u32 s5, $0xD;
	_ =	strace $0x80000047  }
0x7: {  	s8 =	ssub.s32 $0x2, s5;
	s5 =	sshll.u32 s5, $0x11;
	s6 =	sor.u32 s7, s6  }
0x8: {  	s7 =	sadd.s32 s30, s4;
	s9 =	sshrl.u32 s8, $0x1;
	s6 =	sshrl.u32 s6, $0x3  }
0x9: {  	s31 =	ssub.s32 s8, s9;
	s7 =	sadd.s32 s5, s7;
	s8 =	simm.s32 $0x80  }
0xa: {  	s9 =	simm.s32 $0x2000;
	s4 =	sadd.s32 s6, s4;
	s5 =	smax.u32 s31, $0x1  }
0xb: {  	s6 =	sadd.s32 $0x12C200, s7;
	s7 =	simm.s32 $0x2;
	s4 =	sadd.s32 $0x124200, s4  }
.LBB2_1:
0xc: {  	[tilespmem:s2], [sflag:$0x2] =	stream.linear.gather [hbm4b:s4+s2], $0x2000, $0x38;
	[tilespmem:$0xA000] =	vst v63  }
0xd: {  	_ =	swait.ge [sflag:s7], $0x2000  }
0xe: {  	[sflag:s7] =	ssyncset.done $0x0  }
0xf: {  	s13 =	simm.s32 $0x0;
	[sflag:s7] =	ssyncadd.s32 $0xFFFFE000  }
0x10: {  	[tilespmem:s9], [sflag:$0x1] =	stream.indirect.gather [hbm4b:s3+s8], $0x80, s13, s8, $0xb8;
	[tilespmem:$0xA000] =	vst v63  }
0x11: {  	s30 =	simm.s32 $0x80  }
0x12: {  	[tilespmem:s10], [sflag:$0x1] =	stream.indirect.gather [hbm4b:s3+s8], $0x80, s30, s8, $0xb8;
	[tilespmem:$0xA000] =	vst v63  }
0x13: {  	_ =	swait.ge [sflag:s11], $0x4000  }
0x14: {  	[sflag:s11] =	ssyncset.done $0x0  }
0x15: {  	[sflag:s11] =	ssyncadd.s32 $0xFFFFC000  }
0x16: {  	[hbm4b:s6+s2] =	stream.linear.scatter [tilespmem:s9], [sflag:$0x2], $0x4000, $0x38;
	[tilespmem:$0xA000] =	vst v63  }
0x17: {  	_ =	swait.ge [sflag:s7], $0x4000  }
0x18: {  	[sflag:s7] =	ssyncset.done $0x0  }
0x19: {  	[sflag:s7] =	ssyncadd.s32 $0xFFFFC000  }
0x1a: {  	_ =	swait.ge [sflag:s11], $0x4000  }
0x1b: {  	[sflag:s11] =	ssyncset.done $0x0  }
0x1c: {  	s31 =	sadd.s32 $0x800, s6;
	[sflag:s11] =	ssyncadd.s32 $0xFFFFC000  }
0x1d: {  	[hbm4b:s31+s2] =	stream.linear.scatter [tilespmem:s10], [sflag:$0x2], $0x4000, $0x38;
	[tilespmem:$0xA000] =	vst v63  }
0x1e: {  	s14 =	simm.s32 $0x400;
	_ =	swait.ge [sflag:s7], $0x4000  }
0x1f: {  	s15 =	simm.s32 $0x800;
	s13 =	sadd.s32 $0x1000, s6;
	[sflag:s7] =	ssyncset.done $0x0  }
.LBB2_2:
0x20: {  	s16 =	sshra.s32 s14, $0x2  }
0x21: {  	[sflag:s7] =	ssyncadd.s32 $0xFFFFC000;
	s14 =	smov.u32 s15;
	s17 =	sadd.s32 $0x400, s15  }
0x22: {  	[tilespmem:s9], [sflag:$0x1] =	stream.indirect.gather [hbm4b:s3+s8], $0x80, s16, s8, $0xb8;
	[tilespmem:$0xA000] =	vst v63  }
0x23: {  	p0 =	sne.s32 s15, $0x7C00;
	s15 =	sadd.s32 $0x80, s16  }
0x24: {  	[tilespmem:s10], [sflag:$0x1] =	stream.indirect.gather [hbm4b:s3+s8], $0x80, s15, s8, $0xb8;
	[tilespmem:$0xA000] =	vst v63  }
0x25: {  	_ =	swait.ge [sflag:s11], $0x4000  }
0x26: {  	[sflag:s11] =	ssyncset.done $0x0  }
0x27: {  	[sflag:s11] =	ssyncadd.s32 $0xFFFFC000  }
0x28: {  	[hbm4b:s13+s2] =	stream.linear.scatter [tilespmem:s9], [sflag:$0x2], $0x4000, $0x38;
	[tilespmem:$0xA000] =	vst v63  }
0x29: {  	_ =	swait.ge [sflag:s7], $0x4000  }
0x2a: {  	[sflag:s7] =	ssyncset.done $0x0  }
0x2b: {  	[sflag:s7] =	ssyncadd.s32 $0xFFFFC000  }
0x2c: {  	_ =	swait.ge [sflag:s11], $0x4000  }
.Ltmp0:
0x2d: {  	[sflag:s11] =	ssyncset.done $0x0;
	(pc) =	sbr.rel @p0 .LBB2_2-.Ltmp0, $4  }
0x2e: {  	s15 =	sadd.s32 $0x800, s13;
	[sflag:s11] =	ssyncadd.s32 $0xFFFFC000  }
0x2f: {  	[hbm4b:s15+s2] =	stream.linear.scatter [tilespmem:s10], [sflag:$0x2], $0x4000, $0x38;
	[tilespmem:$0xA000] =	vst v63  }
0x30: {  	_ =	swait.ge [sflag:s7], $0x4000  }
0x31: {  	s13 =	sadd.s32 $0x1000, s13;
	s15 =	smov.u32 s17;
	[sflag:s7] =	ssyncset.done $0x0  }
0x32: {  	s14 =	sshra.s32 s14, $0x2;
	[sflag:s7] =	ssyncadd.s32 $0xFFFFC000  }
0x33: {  	[tilespmem:s9], [sflag:$0x1] =	stream.indirect.gather [hbm4b:s3+s8], $0x80, s14, s8, $0xb8;
	[tilespmem:$0xA000] =	vst v63  }
0x34: {  	s14 =	sadd.s32 $0x80, s14  }
0x35: {  	[tilespmem:s10], [sflag:$0x1] =	stream.indirect.gather [hbm4b:s3+s8], $0x80, s14, s8, $0xb8;
	[tilespmem:$0xA000] =	vst v63  }
0x36: {  	_ =	swait.ge [sflag:s11], $0x4000  }
0x37: {  	[sflag:s11] =	ssyncset.done $0x0  }
0x38: {  	[sflag:s11] =	ssyncadd.s32 $0xFFFFC000  }
0x39: {  	[hbm4b:s13+s2] =	stream.linear.scatter [tilespmem:s9], [sflag:$0x2], $0x4000, $0x38;
	[tilespmem:$0xA000] =	vst v63  }
0x3a: {  	_ =	swait.ge [sflag:s7], $0x4000  }
0x3b: {  	[sflag:s7] =	ssyncset.done $0x0  }
0x3c: {  	[sflag:s7] =	ssyncadd.s32 $0xFFFFC000  }
0x3d: {  	s12 =	sadd.s32 $0x1, s12;
	_ =	swait.ge [sflag:s11], $0x4000  }
0x3e: {  	p0 =	sne.s32 s12, s5;
	[sflag:s11] =	ssyncset.done $0x0  }
.Ltmp1:
0x3f: {  	s31 =	sadd.s32 $0x800, s13;
	[sflag:s11] =	ssyncadd.s32 $0xFFFFC000;
	(pc) =	sbr.rel @p0 .LBB2_1-.Ltmp1, $4  }
0x40: {  	[hbm4b:s31+s2] =	stream.linear.scatter [tilespmem:s10], [sflag:$0x2], $0x4000, $0x38;
	[tilespmem:$0xA000] =	vst v63  }
0x41: {  	_ =	swait.ge [sflag:s7], $0x4000  }
0x42: {  	[sflag:s7] =	ssyncset.done $0x0  }
0x43: {  	[sflag:s7] =	ssyncadd.s32 $0xFFFFC000  }
0x44: {  	_ =	sfence.sel $0x180000  }
0x45: {  	[bflag:$0x0] =	sbarrier.arrive $0xFFFF  }
0x46: {  	p0 =	sne.s32 s1, $0x0;
	_ =	strace $0x90000047  }
0x47: {  	s0 =	sadd.s32 @!p0 $0x100000, s0;
	[bflag:$0x2] =	sbarrier.arrive $0xFFFF  }
0x48: {  	[sflag:s0] =	ssyncadd.tile.s32 @!p0 $0x1;
	_ =	shalt  }
.Lfunc_end2:
_tile_overlayer_lowered:
.L_overlay_start_2:
0x49: {  	(tag) =	ssettag $0x2  }
0x4a: {  	s0 =	rddreg [dreg:$0x0];
	s2 =	stileid.u32  }
0x4b: {  	s1 =	rddreg [dreg:$0x1];
	p0 =	sne.s32 s2, $0x0  }
0x4c: {  	s3 =	rddreg [dreg:$0x2];
	[bflag:$0x3] =	sbarrier.arrive $0xFFFF;
	s2 =	simm.s32 @!p0 $0x1C02  }
0x4d: {  	[timem:s3], [sflag:s2] =	dma.local @!p0 [hbm:s0], s1  }
0x4e: {  	s0 =	simm.s32 @!p0 $0x2  }
0x4f: {  	_ =	swait.ge @!p0 [sflag:s0], s1  }
0x50: {  	s1 =	ssub.s32 @!p0 $0x0, s1;
	[sflag:s0] =	ssyncset.done @!p0 $0x0  }
0x51: {  	[sflag:s0] =	ssyncadd.s32 @!p0 s1  }
0x52: {  	[bflag:$0x3] =	sbarrier.arrive $0xFFFF  }
0x53: {  	_ =	shalt  }

</sc_bundles>
